<compile_context>
chip_gen: v7x
topology: tpu7x:2x2x1
jax: 0.10.2.dev20260603
libtpu: 0.0.44.dev20260713+nightly
codegen_flags: <defaults>
</compile_context>

<pallas_src>
import dataclasses
import functools

import jax
import jax.numpy as jnp
from jax import lax
from jax.experimental import pallas as pl
from jax.experimental.pallas import tpu as pltpu
from jax.experimental.pallas import tpu_sc as plsc

N = 10000
E = 320000
D = 128
H = 64
C = 2

LSTM_BLK = 40

NC = 2
NS = 16
NW = NC * NS
EPT = E // NW
CH = 400
NPD = 10240


def _combine(acc_ref, den_ref, b_ref, n):
    acc = acc_ref[0, :n] + acc_ref[1, :n]
    den = den_ref[0, :n] + den_ref[1, :n]
    hin = acc / (den[:, None] + 1e-16) + b_ref[...]
    return jnp.maximum(hin, 0.0)


def _prep1_body(x_ref, w_ref, asrc_ref, adst_ref, h_ref, al_src_ref,
                al_dst_ref, m_ref):
    h = jnp.dot(x_ref[...], w_ref[...], preferred_element_type=jnp.float32)
    h_ref[...] = h
    als = h @ asrc_ref[...]
    ald = h @ adst_ref[...]
    al_src_ref[...] = als
    al_dst_ref[...] = ald
    s = jnp.max(als) + jnp.max(ald)
    m_ref[...] = jnp.full((1, 16), jnp.maximum(s, 0.2 * s), jnp.float32)


def _prep1(x, W, a_src, a_dst):
    n, _ = x.shape
    return pl.pallas_call(
        _prep1_body,
        out_shape=(
            jax.ShapeDtypeStruct((n, H), jnp.float32),
            jax.ShapeDtypeStruct((n, 1), jnp.float32),
            jax.ShapeDtypeStruct((n, 1), jnp.float32),
            jax.ShapeDtypeStruct((1, 16), jnp.float32),
        ),
    )(x, W, a_src[:, None], a_dst[:, None])


def _prep2_body(acc_ref, den_ref, b_ref, w_ref, asrc_ref, adst_ref, h_ref,
                al_src_ref, al_dst_ref, m_ref):
    hin = _combine(acc_ref, den_ref, b_ref, NPD)
    h = jnp.dot(hin, w_ref[...], preferred_element_type=jnp.float32)
    h_ref[...] = h
    als = h @ asrc_ref[...]
    ald = h @ adst_ref[...]
    al_src_ref[...] = als
    al_dst_ref[...] = ald
    s = jnp.max(als) + jnp.max(ald)
    m_ref[...] = jnp.full((1, 16), jnp.maximum(s, 0.2 * s), jnp.float32)


def _prep2(acc, den, b, W, a_src, a_dst):
    return pl.pallas_call(
        _prep2_body,
        out_shape=(
            jax.ShapeDtypeStruct((NPD, H), jnp.float32),
            jax.ShapeDtypeStruct((NPD, 1), jnp.float32),
            jax.ShapeDtypeStruct((NPD, 1), jnp.float32),
            jax.ShapeDtypeStruct((1, 16), jnp.float32),
        ),
    )(acc, den, b[None, :], W, a_src[:, None], a_dst[:, None])


def _sc_compiler_params():
    cp = pltpu.CompilerParams()
    if "needs_layout_passes" in pltpu.CompilerParams.__dataclass_fields__:
        cp = dataclasses.replace(cp, needs_layout_passes=False,
                                 use_tc_tiling_on_sc=False)
    return cp


def _sc_gat_edges(src, dst, asrc, adst, h, m16, z64, z1):
    mesh = plsc.VectorSubcoreMesh(core_axis_name="c", subcore_axis_name="s")

    @functools.partial(
        pl.kernel,
        compiler_params=_sc_compiler_params(),
        out_type=(
            jax.ShapeDtypeStruct((NC, NPD, H), jnp.float32),
            jax.ShapeDtypeStruct((NC, NPD), jnp.float32),
        ),
        mesh=mesh,
        scratch_types=[
            pltpu.VMEM((NPD,), jnp.float32),
            pltpu.VMEM((NPD,), jnp.float32),
            pltpu.VMEM((16,), jnp.float32),
            pltpu.VMEM((CH,), jnp.int32),
            pltpu.VMEM((CH,), jnp.int32),
            pltpu.VMEM((CH,), jnp.float32),
            pltpu.VMEM((CH, H), jnp.float32),
            pltpu.VMEM_SHARED((NPD, H), jnp.float32),
            pltpu.VMEM_SHARED((NPD,), jnp.float32),
            pltpu.SemaphoreType.DMA,
        ],
    )
    def k(src_hbm, dst_hbm, asrc_hbm, adst_hbm, h_hbm, m_hbm, z64_hbm, z1_hbm,
          acc_out, den_out, asrc_v, adst_v, m_v, srcv, dstv, wbuf, rows_v,
          acc_sh, den_sh, sem):
        cid = lax.axis_index("c")
        sid = lax.axis_index("s")
        g = cid * NS + sid
        rpt = NPD // NS
        dpt = NPD // NS

        pltpu.sync_copy(asrc_hbm, asrc_v)
        pltpu.sync_copy(adst_hbm, adst_v)
        pltpu.sync_copy(m_hbm, m_v)
        pltpu.sync_copy(z64_hbm.at[pl.ds(sid * rpt, rpt)],
                        acc_sh.at[pl.ds(sid * rpt, rpt)])
        pltpu.sync_copy(z1_hbm.at[pl.ds(sid * dpt, dpt)],
                        den_sh.at[pl.ds(sid * dpt, dpt)])
        plsc.subcore_barrier()

        mv = m_v[...]

        @pl.loop(0, EPT // CH)
        def _chunk(c):
            base = g * EPT + c * CH
            pltpu.sync_copy(src_hbm.at[pl.ds(base, CH)], srcv)
            pltpu.sync_copy(dst_hbm.at[pl.ds(base, CH)], dstv)
            gat = pltpu.async_copy(h_hbm.at[srcv], rows_v, sem)

            @pl.loop(0, CH, step=16)
            def _w(j):
                sv = srcv[pl.ds(j, 16)]
                dv = dstv[pl.ds(j, 16)]
                s = (plsc.load_gather(asrc_v, [sv])
                     + plsc.load_gather(adst_v, [dv]))
                e = jnp.maximum(s, 0.2 * s)
                wbuf[pl.ds(j, 16)] = jnp.exp(e - mv)

            gat.wait()

            @pl.loop(0, CH)
            def _scale(r):
                wv = plsc.load_gather(wbuf, [jnp.full((16,), r, jnp.int32)])
                for kk in range(H // 16):
                    rows_v[r, pl.ds(kk * 16, 16)] = (
                        rows_v[r, pl.ds(kk * 16, 16)] * wv)

            pltpu.sync_copy(rows_v, acc_sh.at[dstv], add=True)
            pltpu.sync_copy(wbuf, den_sh.at[dstv], add=True)

        plsc.subcore_barrier()
        pltpu.sync_copy(acc_sh.at[pl.ds(sid * rpt, rpt)],
                        acc_out.at[cid, pl.ds(sid * rpt, rpt)])
        pltpu.sync_copy(den_sh.at[pl.ds(sid * dpt, dpt)],
                        den_out.at[cid, pl.ds(sid * dpt, dpt)])

    return k(src, dst, asrc, adst, h, m16, z64, z1)


def _lstm_head_body(acc_ref, den_ref, b2_ref, wih_ref, whhb_ref, whhr_ref,
                    b_ref, wa_ref, ba_ref, wf_ref, bf_ref, out_ref, g_ref,
                    hs_ref):
    hin = _combine(acc_ref, den_ref, b2_ref, N)
    g_ref[...] = (
        jnp.dot(hin, wih_ref[...], preferred_element_type=jnp.float32)
        + b_ref[...]
    )
    whhb = whhb_ref[...]
    whhr = whhr_ref[...]

    def step(carry, g):
        hprev, cprev = carry
        hb = hprev.astype(jnp.bfloat16)
        hr = (hprev - hb.astype(jnp.float32)).astype(jnp.bfloat16)
        gates = (g
                 + jnp.dot(hb, whhb, preferred_element_type=jnp.float32)
                 + jnp.dot(hb, whhr, preferred_element_type=jnp.float32)
                 + jnp.dot(hr, whhb, preferred_element_type=jnp.float32))
        both = jnp.concatenate([gates * 0.5, gates], axis=0)
        t2 = jnp.tanh(both)
        sg = 0.5 + 0.5 * t2[0:1]
        i = sg[:, 0:H]
        f = sg[:, H:2 * H]
        o = sg[:, 3 * H:4 * H]
        gg = t2[1:2, 2 * H:3 * H]
        cnew = f * cprev + i * gg
        hnew = o * jnp.tanh(cnew)
        return (hnew, cnew), hnew

    def blk(k, carry):
        gblk = g_ref[pl.ds(k * LSTM_BLK, LSTM_BLK), :]
        rows = []
        for j in range(LSTM_BLK):
            carry, hnew = step(carry, gblk[j:j + 1, :])
            rows.append(hnew)
        hs_ref[pl.ds(k * LSTM_BLK, LSTM_BLK), :] = jnp.concatenate(rows, axis=0)
        return carry

    zero = jnp.zeros((1, H), jnp.float32)
    jax.lax.fori_loop(0, N // LSTM_BLK, blk, (zero, zero), unroll=False)

    hs = hs_ref[...]
    scores = jnp.dot(hs, wa_ref[...], preferred_element_type=jnp.float32) + ba_ref[0, 0]
    m = jnp.max(scores)
    wexp = jnp.exp(scores - m)
    denom = jnp.sum(wexp)
    pooled = jnp.dot(wexp.T, hs, preferred_element_type=jnp.float32) / denom
    logits = jnp.dot(pooled, wf_ref[...], preferred_element_type=jnp.float32) + bf_ref[...]
    lmax = jnp.max(logits, axis=1, keepdims=True)
    lexp = jnp.exp(logits - lmax)
    out_ref[...] = lexp / jnp.sum(lexp, axis=1, keepdims=True)


def _lstm_head(acc, den, b2, WihT, WhhT, bsum, Wa, ba, Wf, bf):
    whhb = WhhT.astype(jnp.bfloat16)
    whhr = (WhhT - whhb.astype(jnp.float32)).astype(jnp.bfloat16)
    return pl.pallas_call(
        _lstm_head_body,
        out_shape=jax.ShapeDtypeStruct((1, C), jnp.float32),
        scratch_shapes=[
            pltpu.VMEM((N, 4 * H), jnp.float32),
            pltpu.VMEM((N, H), jnp.float32),
        ],
    )(acc, den, b2[None, :], WihT, whhb, whhr, bsum, Wa, ba, Wf, bf)


def kernel(x, edge_index, W1, a_src1, a_dst1, b1, W2, a_src2, a_dst2, b2,
           Wih, Whh, bih, bhh, Wa, ba, Wf, bf):
    src = edge_index[0]
    dst = edge_index[1]
    z64 = jnp.zeros((NPD, H), jnp.float32)
    z1 = jnp.zeros((NPD,), jnp.float32)
    xp = jnp.pad(x, ((0, NPD - N), (0, 0)))

    h1, asrc1, adst1, m1 = _prep1(xp, W1, a_src1, a_dst1)
    acc1, den1 = _sc_gat_edges(src, dst, asrc1[:, 0], adst1[:, 0], h1,
                               m1[0], z64, z1)

    h2, asrc2, adst2, m2 = _prep2(acc1, den1, b1, W2, a_src2, a_dst2)
    acc2, den2 = _sc_gat_edges(src, dst, asrc2[:, 0], adst2[:, 0], h2,
                               m2[0], z64, z1)

    bsum = (bih + bhh)[None, :]
    out = _lstm_head(acc2, den2, b2, Wih.T, Whh.T, bsum, Wa, ba[:, None],
                     Wf, bf[None, :])
    return out

# --- scband reference (transcript-rebuilt; emitter-appended) ---
"""Pipeline reference for scband-spatio-temporal-gnn-pyg-2680059592930 (READ-ONLY COPY).

The authoritative reference and input builder live on the scoring server;
editing this copy changes nothing except your own understanding.
"""

import jax, jax.numpy as jnp
import numpy as np

N = 10000
E = 320000
D = 128
H = 64
C = 2


def setup_inputs(seed: int = 0):
    key = jax.random.key(seed)
    ks = jax.random.split(key, 16)

    def nrm(k, shape, scale=0.1):
        return jax.random.normal(k, shape, dtype=jnp.float32) * scale

    inp = {}
    inp['x'] = jax.random.normal(ks[0], (N, D), dtype=jnp.float32)
    inp['edge_index'] = jax.random.randint(ks[1], (2, E), 0, N, dtype=jnp.int32)
    inp['W1'] = nrm(ks[2], (D, H))
    inp['a_src1'] = nrm(ks[3], (H,))
    inp['a_dst1'] = nrm(ks[4], (H,))
    inp['b1'] = jnp.zeros((H,), jnp.float32)
    inp['W2'] = nrm(ks[5], (H, H))
    inp['a_src2'] = nrm(ks[6], (H,))
    inp['a_dst2'] = nrm(ks[7], (H,))
    inp['b2'] = jnp.zeros((H,), jnp.float32)
    inp['Wih'] = nrm(ks[8], (4 * H, H))
    inp['Whh'] = nrm(ks[9], (4 * H, H))
    inp['bih'] = jnp.zeros((4 * H,), jnp.float32)
    inp['bhh'] = jnp.zeros((4 * H,), jnp.float32)
    inp['Wa'] = nrm(ks[10], (H, 1))
    inp['ba'] = jnp.zeros((1,), jnp.float32)
    inp['Wf'] = nrm(ks[11], (H, C))
    inp['bf'] = jnp.zeros((C,), jnp.float32)
    return inp


def gat_conv(x, edge_index, W, a_src, a_dst, b):
    # PyG-style single-head GATConv
    n = x.shape[0]
    h = x @ W
    src = edge_index[0]
    dst = edge_index[1]
    alpha_src = h @ a_src
    alpha_dst = h @ a_dst
    e = jax.nn.leaky_relu(alpha_src[src] + alpha_dst[dst], negative_slope=0.2)
    emax = jax.ops.segment_max(e, dst, num_segments=n)
    emax = jnp.where(jnp.isfinite(emax), emax, 0.0)
    w = jnp.exp(e - emax[dst])
    denom = jax.ops.segment_sum(w, dst, num_segments=n)
    alpha = w / (denom[dst] + 1e-16)
    out = jax.ops.segment_sum(alpha[:, None] * h[src], dst, num_segments=n)
    return out + b


def lstm_attention(seq, Wih, Whh, bih, bhh, Wa, ba):
    # nn.LSTM(batch_first) with batch=1 over seq of length N, then attention pooling
    Hd = Whh.shape[1]

    def step(carry, xt):
        hprev, cprev = carry
        gates = xt @ Wih.T + hprev @ Whh.T + bih + bhh
        i, f, g, o = jnp.split(gates, 4)
        i = jax.nn.sigmoid(i)
        f = jax.nn.sigmoid(f)
        g = jnp.tanh(g)
        o = jax.nn.sigmoid(o)
        cnew = f * cprev + i * g
        hnew = o * jnp.tanh(cnew)
        return (hnew, cnew), hnew

    init = (jnp.zeros((Hd,), seq.dtype), jnp.zeros((Hd,), seq.dtype))
    _, hs = jax.lax.scan(step, init, seq)
    scores = hs @ Wa + ba
    attw = jax.nn.softmax(scores, axis=0)
    return jnp.sum(attw * hs, axis=0)


def reference(x, edge_index, W1, a_src1, a_dst1, b1, W2, a_src2, a_dst2, b2, Wih, Whh, bih, bhh, Wa, ba, Wf, bf):
    h = jax.nn.relu(gat_conv(x, edge_index, W1, a_src1, a_dst1, b1))
    h = jax.nn.relu(gat_conv(h, edge_index, W2, a_src2, a_dst2, b2))
    pooled = lstm_attention(h, Wih, Whh, bih, bhh, Wa, ba)
    logits = pooled[None, :] @ Wf + bf
    return jax.nn.softmax(logits, axis=1)

if __name__ == "__main__":
    import jax
    _d = setup_inputs()
    print(jax.jit(kernel)(*tuple(_d.values())))

</pallas_src>

<mosaic_0001>
#map = affine_map<(d0, d1) -> (0)>
#map1 = affine_map<(d0, d1) -> (0, 0)>
#map2 = affine_map<(d0, d1) -> (0, 0, 0)>
module attributes {stable_mosaic.version = 14 : i64} {
  func.func @k(%arg0: i32, %arg1: i32, %arg2: memref<320000xi32, #tpu.memory_space<hbm>>, %arg3: memref<320000xi32, #tpu.memory_space<hbm>>, %arg4: memref<10240xf32, #tpu.memory_space<hbm>>, %arg5: memref<10240xf32, #tpu.memory_space<hbm>>, %arg6: memref<10240x64xf32, #tpu.memory_space<hbm>>, %arg7: memref<16xf32, #tpu.memory_space<hbm>>, %arg8: memref<10240x64xf32, #tpu.memory_space<hbm>>, %arg9: memref<10240xf32, #tpu.memory_space<hbm>>, %arg10: memref<2x10240x64xf32, #tpu.memory_space<hbm>>, %arg11: memref<2x10240xf32, #tpu.memory_space<hbm>>, %arg12: memref<10240xf32, #tpu.memory_space<vmem>>, %arg13: memref<10240xf32, #tpu.memory_space<vmem>>, %arg14: memref<16xf32, #tpu.memory_space<vmem>>, %arg15: memref<400xi32, #tpu.memory_space<vmem>>, %arg16: memref<400xi32, #tpu.memory_space<vmem>>, %arg17: memref<400xf32, #tpu.memory_space<vmem>>, %arg18: memref<400x64xf32, #tpu.memory_space<vmem>>, %arg19: memref<10240x64xf32, #tpu.memory_space<vmem_shared>>, %arg20: memref<10240xf32, #tpu.memory_space<vmem_shared>>, %arg21: memref<!tpu.dma_semaphore, #tpu.memory_space<semaphore_mem>>) attributes {dimension_semantics = [#tpu.dimension_semantics<core_parallel>, #tpu.dimension_semantics<subcore_parallel>], iteration_bounds = array<i64: 2, 16>, scalar_prefetch = 0 : i64, scratch_operands = 10 : i64, tpu.core_type = #tpu.core_type<sc_vector_subcore>, window_params = [{transform_indices = #map}, {transform_indices = #map}, {transform_indices = #map}, {transform_indices = #map}, {transform_indices = #map1}, {transform_indices = #map}, {transform_indices = #map1}, {transform_indices = #map}, {transform_indices = #map2}, {transform_indices = #map1}]} {
    %mul3A = arith.constant 16 : i32
    %mul3A_0 = arith.muli %arg0, %mul3A : i32
    %add3A = arith.addi %mul3A_0, %arg1 : i32
    "tpu.region"() ({
      %run_scoped3A = tpu.sem_alloc : memref<!tpu.dma_semaphore, #tpu.memory_space<semaphore_mem>>
      tpu.enqueue_dma source(%arg4 : memref<10240xf32, #tpu.memory_space<hbm>>) target(%arg12 : memref<10240xf32, #tpu.memory_space<vmem>>) target_semaphore(%run_scoped3A : memref<!tpu.dma_semaphore, #tpu.memory_space<semaphore_mem>>)
      tpu.wait_dma2 semaphore(%run_scoped3A : memref<!tpu.dma_semaphore, #tpu.memory_space<semaphore_mem>>) src(%arg4 : memref<10240xf32, #tpu.memory_space<hbm>>) dst(%arg12 : memref<10240xf32, #tpu.memory_space<vmem>>)
      tpu.yield
    }) : () -> ()
    "tpu.region"() ({
      %run_scoped3A = tpu.sem_alloc : memref<!tpu.dma_semaphore, #tpu.memory_space<semaphore_mem>>
      tpu.enqueue_dma source(%arg5 : memref<10240xf32, #tpu.memory_space<hbm>>) target(%arg13 : memref<10240xf32, #tpu.memory_space<vmem>>) target_semaphore(%run_scoped3A : memref<!tpu.dma_semaphore, #tpu.memory_space<semaphore_mem>>)
      tpu.wait_dma2 semaphore(%run_scoped3A : memref<!tpu.dma_semaphore, #tpu.memory_space<semaphore_mem>>) src(%arg5 : memref<10240xf32, #tpu.memory_space<hbm>>) dst(%arg13 : memref<10240xf32, #tpu.memory_space<vmem>>)
      tpu.yield
    }) : () -> ()
    "tpu.region"() ({
      %run_scoped3A = tpu.sem_alloc : memref<!tpu.dma_semaphore, #tpu.memory_space<semaphore_mem>>
      tpu.enqueue_dma source(%arg7 : memref<16xf32, #tpu.memory_space<hbm>>) target(%arg14 : memref<16xf32, #tpu.memory_space<vmem>>) target_semaphore(%run_scoped3A : memref<!tpu.dma_semaphore, #tpu.memory_space<semaphore_mem>>)
      tpu.wait_dma2 semaphore(%run_scoped3A : memref<!tpu.dma_semaphore, #tpu.memory_space<semaphore_mem>>) src(%arg7 : memref<16xf32, #tpu.memory_space<hbm>>) dst(%arg14 : memref<16xf32, #tpu.memory_space<vmem>>)
      tpu.yield
    }) : () -> ()
    %mul3A_1 = arith.constant 640 : i32
    %mul3A_2 = arith.muli %arg1, %mul3A_1 : i32
    %mul3A_3 = arith.constant 640 : i32
    %mul3A_4 = arith.muli %arg1, %mul3A_3 : i32
    "tpu.region"() ({
      %run_scoped3A = tpu.sem_alloc : memref<!tpu.dma_semaphore, #tpu.memory_space<semaphore_mem>>
      %dma_start3A = arith.constant 0 : i32
      %dma_start3A_23 = tpu.memref_slice %arg19[%mul3A_4, %dma_start3A] : memref<10240x64xf32, #tpu.memory_space<vmem_shared>> -> memref<640x64xf32, #tpu.memory_space<vmem_shared>>
      %dma_start3A_24 = arith.constant 0 : i32
      %dma_start3A_25 = tpu.memref_slice %arg8[%mul3A_2, %dma_start3A_24] : memref<10240x64xf32, #tpu.memory_space<hbm>> -> memref<640x64xf32, #tpu.memory_space<hbm>>
      tpu.enqueue_dma source(%dma_start3A_25 : memref<640x64xf32, #tpu.memory_space<hbm>>) target(%dma_start3A_23 : memref<640x64xf32, #tpu.memory_space<vmem_shared>>) target_semaphore(%run_scoped3A : memref<!tpu.dma_semaphore, #tpu.memory_space<semaphore_mem>>)
      %dma_wait3A = arith.constant 0 : i32
      %dma_wait3A_26 = tpu.memref_slice %arg19[%mul3A_4, %dma_wait3A] : memref<10240x64xf32, #tpu.memory_space<vmem_shared>> -> memref<640x64xf32, #tpu.memory_space<vmem_shared>>
      %dma_wait3A_27 = arith.constant 0 : i32
      %dma_wait3A_28 = tpu.memref_slice %arg8[%mul3A_2, %dma_wait3A_27] : memref<10240x64xf32, #tpu.memory_space<hbm>> -> memref<640x64xf32, #tpu.memory_space<hbm>>
      tpu.wait_dma2 semaphore(%run_scoped3A : memref<!tpu.dma_semaphore, #tpu.memory_space<semaphore_mem>>) src(%dma_wait3A_28 : memref<640x64xf32, #tpu.memory_space<hbm>>) dst(%dma_wait3A_26 : memref<640x64xf32, #tpu.memory_space<vmem_shared>>)
      tpu.yield
    }) : () -> ()
    %mul3A_5 = arith.constant 640 : i32
    %mul3A_6 = arith.muli %arg1, %mul3A_5 : i32
    %mul3A_7 = arith.constant 640 : i32
    %mul3A_8 = arith.muli %arg1, %mul3A_7 : i32
    "tpu.region"() ({
      %run_scoped3A = tpu.sem_alloc : memref<!tpu.dma_semaphore, #tpu.memory_space<semaphore_mem>>
      %dma_start3A = tpu.memref_slice %arg20[%mul3A_8] : memref<10240xf32, #tpu.memory_space<vmem_shared>> -> memref<640xf32, #tpu.memory_space<vmem_shared>>
      %dma_start3A_23 = tpu.memref_slice %arg9[%mul3A_6] : memref<10240xf32, #tpu.memory_space<hbm>> -> memref<640xf32, #tpu.memory_space<hbm>>
      tpu.enqueue_dma source(%dma_start3A_23 : memref<640xf32, #tpu.memory_space<hbm>>) target(%dma_start3A : memref<640xf32, #tpu.memory_space<vmem_shared>>) target_semaphore(%run_scoped3A : memref<!tpu.dma_semaphore, #tpu.memory_space<semaphore_mem>>)
      %dma_wait3A = tpu.memref_slice %arg20[%mul3A_8] : memref<10240xf32, #tpu.memory_space<vmem_shared>> -> memref<640xf32, #tpu.memory_space<vmem_shared>>
      %dma_wait3A_24 = tpu.memref_slice %arg9[%mul3A_6] : memref<10240xf32, #tpu.memory_space<hbm>> -> memref<640xf32, #tpu.memory_space<hbm>>
      tpu.wait_dma2 semaphore(%run_scoped3A : memref<!tpu.dma_semaphore, #tpu.memory_space<semaphore_mem>>) src(%dma_wait3A_24 : memref<640xf32, #tpu.memory_space<hbm>>) dst(%dma_wait3A : memref<640xf32, #tpu.memory_space<vmem_shared>>)
      tpu.yield
    }) : () -> ()
    %barrier3A = arith.constant 0 : index
    tpu.barrier barrier_id(%barrier3A)
    %get3A = arith.constant 0 : index
    %get3A_9 = tpu.vector_load %arg14[%get3A] {strides = array<i32>} : memref<16xf32, #tpu.memory_space<vmem>>, vector<16xf32>,
    %scan3A = arith.constant 0 : i32
    %scan3A_10 = arith.constant 25 : i32
    %scan3A_11 = arith.addi %scan3A, %scan3A_10 : i32
    %scan3A_12 = arith.constant 1 : i32
    scf.for %scan3A_23 = %scan3A to %scan3A_11 step %scan3A_12  : i32 {
      %mul3A_24 = arith.constant 1 : i32
      %mul3A_25 = arith.muli %scan3A_23, %mul3A_24 : i32
      %add3A_26 = arith.constant 0 : i32
      %add3A_27 = arith.addi %add3A_26, %mul3A_25 : i32
      %mul3A_28 = arith.constant 10000 : i32
      %mul3A_29 = arith.muli %add3A, %mul3A_28 : i32
      %mul3A_30 = arith.constant 400 : i32
      %mul3A_31 = arith.muli %add3A_27, %mul3A_30 : i32
      %add3A_32 = arith.addi %mul3A_29, %mul3A_31 : i32
      "tpu.region"() ({
        %run_scoped3A = tpu.sem_alloc : memref<!tpu.dma_semaphore, #tpu.memory_space<semaphore_mem>>
        %dma_start3A_47 = tpu.memref_slice %arg2[%add3A_32] : memref<320000xi32, #tpu.memory_space<hbm>> -> memref<400xi32, #tpu.memory_space<hbm>>
        %dma_start3A_48 = tpu.memref_slice %arg2[%add3A_32] : memref<320000xi32, #tpu.memory_space<hbm>> -> memref<400xi32, #tpu.memory_space<hbm>>
        tpu.enqueue_dma source(%dma_start3A_48 : memref<400xi32, #tpu.memory_space<hbm>>) target(%arg15 : memref<400xi32, #tpu.memory_space<vmem>>) target_semaphore(%run_scoped3A : memref<!tpu.dma_semaphore, #tpu.memory_space<semaphore_mem>>)
        %dma_wait3A_49 = tpu.memref_slice %arg2[%add3A_32] : memref<320000xi32, #tpu.memory_space<hbm>> -> memref<400xi32, #tpu.memory_space<hbm>>
        %dma_wait3A_50 = tpu.memref_slice %arg2[%add3A_32] : memref<320000xi32, #tpu.memory_space<hbm>> -> memref<400xi32, #tpu.memory_space<hbm>>
        tpu.wait_dma2 semaphore(%run_scoped3A : memref<!tpu.dma_semaphore, #tpu.memory_space<semaphore_mem>>) src(%dma_wait3A_50 : memref<400xi32, #tpu.memory_space<hbm>>) dst(%arg15 : memref<400xi32, #tpu.memory_space<vmem>>)
        tpu.yield
      }) : () -> ()
      "tpu.region"() ({
        %run_scoped3A = tpu.sem_alloc : memref<!tpu.dma_semaphore, #tpu.memory_space<semaphore_mem>>
        %dma_start3A_47 = tpu.memref_slice %arg3[%add3A_32] : memref<320000xi32, #tpu.memory_space<hbm>> -> memref<400xi32, #tpu.memory_space<hbm>>
        %dma_start3A_48 = tpu.memref_slice %arg3[%add3A_32] : memref<320000xi32, #tpu.memory_space<hbm>> -> memref<400xi32, #tpu.memory_space<hbm>>
        tpu.enqueue_dma source(%dma_start3A_48 : memref<400xi32, #tpu.memory_space<hbm>>) target(%arg16 : memref<400xi32, #tpu.memory_space<vmem>>) target_semaphore(%run_scoped3A : memref<!tpu.dma_semaphore, #tpu.memory_space<semaphore_mem>>)
        %dma_wait3A_49 = tpu.memref_slice %arg3[%add3A_32] : memref<320000xi32, #tpu.memory_space<hbm>> -> memref<400xi32, #tpu.memory_space<hbm>>
        %dma_wait3A_50 = tpu.memref_slice %arg3[%add3A_32] : memref<320000xi32, #tpu.memory_space<hbm>> -> memref<400xi32, #tpu.memory_space<hbm>>
        tpu.wait_dma2 semaphore(%run_scoped3A : memref<!tpu.dma_semaphore, #tpu.memory_space<semaphore_mem>>) src(%dma_wait3A_50 : memref<400xi32, #tpu.memory_space<hbm>>) dst(%arg16 : memref<400xi32, #tpu.memory_space<vmem>>)
        tpu.yield
      }) : () -> ()
      %dma_start3A = arith.constant 0 : i32
      %dma_start3A_33 = arith.constant 0 : i32
      %dma_start3A_34 = tpu.memref_slice %arg6[%dma_start3A, %dma_start3A_33] : memref<10240x64xf32, #tpu.memory_space<hbm>> -> memref<10240x64xf32, #tpu.memory_space<hbm>>
      tpu.enqueue_indirect_dma source(%dma_start3A_34 : memref<10240x64xf32, #tpu.memory_space<hbm>>) target(%arg18 : memref<400x64xf32, #tpu.memory_space<vmem>>) offsets(%arg15 : memref<400xi32, #tpu.memory_space<vmem>>) semaphore(%arg21 : memref<!tpu.dma_semaphore, #tpu.memory_space<semaphore_mem>>)
      %scan3A_35 = arith.constant 0 : i32
      %scan3A_36 = arith.constant 25 : i32
      %scan3A_37 = arith.addi %scan3A_35, %scan3A_36 : i32
      %scan3A_38 = arith.constant 1 : i32
      scf.for %scan3A_47 = %scan3A_35 to %scan3A_37 step %scan3A_38  : i32 {
        %mul3A_48 = arith.constant 16 : i32
        %mul3A_49 = arith.muli %scan3A_47, %mul3A_48 : i32
        %add3A_50 = arith.constant 0 : i32
        %add3A_51 = arith.addi %add3A_50, %mul3A_49 : i32
        %get3A_52 = arith.index_cast %add3A_51 : i32 to index
        %get3A_53 = tpu.vector_load %arg15[%get3A_52] {strides = array<i32>} : memref<400xi32, #tpu.memory_space<vmem>>, vector<16xi32>,
        %get3A_54 = arith.index_cast %add3A_51 : i32 to index
        %get3A_55 = tpu.vector_load %arg16[%get3A_54] {strides = array<i32>} : memref<400xi32, #tpu.memory_space<vmem>>, vector<16xi32>,
        %gather3A = tpu.vector_load_idx %arg12[%get3A_53] : memref<10240xf32, #tpu.memory_space<vmem>>[vector<16xi32>], vector<16xf32>,
        %gather3A_56 = tpu.vector_load_idx %arg13[%get3A_55] : memref<10240xf32, #tpu.memory_space<vmem>>[vector<16xi32>], vector<16xf32>,
        %add3A_57 = arith.addf %gather3A, %gather3A_56 : vector<16xf32>
        %mul3A_58 = arith.constant 2.000000e-01 : f32
        %mul3A_59 = vector.broadcast %mul3A_58 : f32 to vector<16xf32>
        %mul3A_60 = arith.mulf %mul3A_59, %add3A_57 : vector<16xf32>
        %max3A = arith.maximumf %add3A_57, %mul3A_60 : vector<16xf32>
        %sub3A = arith.subf %max3A, %get3A_9 : vector<16xf32>
        %exp3A = math.exp %sub3A : vector<16xf32>
        %swap3A = arith.index_cast %add3A_51 : i32 to index
        %swap3A_61 = tpu.vector_load %arg17[%swap3A] {strides = array<i32>} : memref<400xf32, #tpu.memory_space<vmem>>, vector<16xf32>,
        tpu.vector_store %arg17[%swap3A], %exp3A {strides = array<i32>} : memref<400xf32, #tpu.memory_space<vmem>>, vector<16xf32>,
      }
      %scan3A_39 = arith.constant 25 : i32
      %dma_wait3A = arith.constant 0 : i32
      %dma_wait3A_40 = arith.constant 0 : i32
      %dma_wait3A_41 = tpu.memref_slice %arg6[%dma_wait3A, %dma_wait3A_40] : memref<10240x64xf32, #tpu.memory_space<hbm>> -> memref<10240x64xf32, #tpu.memory_space<hbm>>
      tpu.wait_indirect_dma semaphore(%arg21 : memref<!tpu.dma_semaphore, #tpu.memory_space<semaphore_mem>>) src(%dma_wait3A_41 : memref<10240x64xf32, #tpu.memory_space<hbm>>) dst(%arg18 : memref<400x64xf32, #tpu.memory_space<vmem>>)
      %scan3A_42 = arith.constant 0 : i32
      %scan3A_43 = arith.constant 400 : i32
      %scan3A_44 = arith.addi %scan3A_42, %scan3A_43 : i32
      %scan3A_45 = arith.constant 1 : i32
      scf.for %scan3A_47 = %scan3A_42 to %scan3A_44 step %scan3A_45  : i32 {
        %mul3A_48 = arith.constant 1 : i32
        %mul3A_49 = arith.muli %scan3A_47, %mul3A_48 : i32
        %add3A_50 = arith.constant 0 : i32
        %add3A_51 = arith.addi %add3A_50, %mul3A_49 : i32
        %broadcast_in_dim3A = vector.broadcast %add3A_51 : i32 to vector<16xi32>
        %gather3A = tpu.vector_load_idx %arg17[%broadcast_in_dim3A] : memref<400xf32, #tpu.memory_space<vmem>>[vector<16xi32>], vector<16xf32>,
        %get3A_52 = arith.index_cast %add3A_51 : i32 to index
        %get3A_53 = arith.constant 0 : index
        %get3A_54 = tpu.vector_load %arg18[%get3A_52, %get3A_53] {strides = array<i32>} : memref<400x64xf32, #tpu.memory_space<vmem>>, vector<16xf32>,
        %mul3A_55 = arith.mulf %get3A_54, %gather3A : vector<16xf32>
        %swap3A = arith.index_cast %add3A_51 : i32 to index
        %swap3A_56 = arith.constant 0 : index
        %swap3A_57 = tpu.vector_load %arg18[%swap3A, %swap3A_56] {strides = array<i32>} : memref<400x64xf32, #tpu.memory_space<vmem>>, vector<16xf32>,
        tpu.vector_store %arg18[%swap3A, %swap3A_56], %mul3A_55 {strides = array<i32>} : memref<400x64xf32, #tpu.memory_space<vmem>>, vector<16xf32>,
        %get3A_58 = arith.index_cast %add3A_51 : i32 to index
        %get3A_59 = arith.constant 16 : index
        %get3A_60 = tpu.vector_load %arg18[%get3A_58, %get3A_59] {strides = array<i32>} : memref<400x64xf32, #tpu.memory_space<vmem>>, vector<16xf32>,
        %mul3A_61 = arith.mulf %get3A_60, %gather3A : vector<16xf32>
        %swap3A_62 = arith.index_cast %add3A_51 : i32 to index
        %swap3A_63 = arith.constant 16 : index
        %swap3A_64 = tpu.vector_load %arg18[%swap3A_62, %swap3A_63] {strides = array<i32>} : memref<400x64xf32, #tpu.memory_space<vmem>>, vector<16xf32>,
        tpu.vector_store %arg18[%swap3A_62, %swap3A_63], %mul3A_61 {strides = array<i32>} : memref<400x64xf32, #tpu.memory_space<vmem>>, vector<16xf32>,
        %get3A_65 = arith.index_cast %add3A_51 : i32 to index
        %get3A_66 = arith.constant 32 : index
        %get3A_67 = tpu.vector_load %arg18[%get3A_65, %get3A_66] {strides = array<i32>} : memref<400x64xf32, #tpu.memory_space<vmem>>, vector<16xf32>,
        %mul3A_68 = arith.mulf %get3A_67, %gather3A : vector<16xf32>
        %swap3A_69 = arith.index_cast %add3A_51 : i32 to index
        %swap3A_70 = arith.constant 32 : index
        %swap3A_71 = tpu.vector_load %arg18[%swap3A_69, %swap3A_70] {strides = array<i32>} : memref<400x64xf32, #tpu.memory_space<vmem>>, vector<16xf32>,
        tpu.vector_store %arg18[%swap3A_69, %swap3A_70], %mul3A_68 {strides = array<i32>} : memref<400x64xf32, #tpu.memory_space<vmem>>, vector<16xf32>,
        %get3A_72 = arith.index_cast %add3A_51 : i32 to index
        %get3A_73 = arith.constant 48 : index
        %get3A_74 = tpu.vector_load %arg18[%get3A_72, %get3A_73] {strides = array<i32>} : memref<400x64xf32, #tpu.memory_space<vmem>>, vector<16xf32>,
        %mul3A_75 = arith.mulf %get3A_74, %gather3A : vector<16xf32>
        %swap3A_76 = arith.index_cast %add3A_51 : i32 to index
        %swap3A_77 = arith.constant 48 : index
        %swap3A_78 = tpu.vector_load %arg18[%swap3A_76, %swap3A_77] {strides = array<i32>} : memref<400x64xf32, #tpu.memory_space<vmem>>, vector<16xf32>,
        tpu.vector_store %arg18[%swap3A_76, %swap3A_77], %mul3A_75 {strides = array<i32>} : memref<400x64xf32, #tpu.memory_space<vmem>>, vector<16xf32>,
      }
      %scan3A_46 = arith.constant 400 : i32
      "tpu.region"() ({
        %run_scoped3A = tpu.sem_alloc : memref<!tpu.dma_semaphore, #tpu.memory_space<semaphore_mem>>
        %dma_start3A_47 = arith.constant 0 : i32
        %dma_start3A_48 = arith.constant 0 : i32
        %dma_start3A_49 = tpu.memref_slice %arg19[%dma_start3A_47, %dma_start3A_48] : memref<10240x64xf32, #tpu.memory_space<vmem_shared>> -> memref<10240x64xf32, #tpu.memory_space<vmem_shared>>
        tpu.enqueue_indirect_dma source(%arg18 : memref<400x64xf32, #tpu.memory_space<vmem>>) target(%dma_start3A_49 : memref<10240x64xf32, #tpu.memory_space<vmem_shared>>) offsets(%arg16 : memref<400xi32, #tpu.memory_space<vmem>>) semaphore(%run_scoped3A : memref<!tpu.dma_semaphore, #tpu.memory_space<semaphore_mem>>) {add = true}
        %dma_wait3A_50 = arith.constant 0 : i32
        %dma_wait3A_51 = arith.constant 0 : i32
        %dma_wait3A_52 = tpu.memref_slice %arg19[%dma_wait3A_50, %dma_wait3A_51] : memref<10240x64xf32, #tpu.memory_space<vmem_shared>> -> memref<10240x64xf32, #tpu.memory_space<vmem_shared>>
        tpu.wait_indirect_dma semaphore(%run_scoped3A : memref<!tpu.dma_semaphore, #tpu.memory_space<semaphore_mem>>) src(%arg18 : memref<400x64xf32, #tpu.memory_space<vmem>>) dst(%dma_wait3A_52 : memref<10240x64xf32, #tpu.memory_space<vmem_shared>>)
        tpu.yield
      }) : () -> ()
      "tpu.region"() ({
        %run_scoped3A = tpu.sem_alloc : memref<!tpu.dma_semaphore, #tpu.memory_space<semaphore_mem>>
        %dma_start3A_47 = arith.constant 0 : i32
        %dma_start3A_48 = tpu.memref_slice %arg20[%dma_start3A_47] : memref<10240xf32, #tpu.memory_space<vmem_shared>> -> memref<10240xf32, #tpu.memory_space<vmem_shared>>
        tpu.enqueue_indirect_dma source(%arg17 : memref<400xf32, #tpu.memory_space<vmem>>) target(%dma_start3A_48 : memref<10240xf32, #tpu.memory_space<vmem_shared>>) offsets(%arg16 : memref<400xi32, #tpu.memory_space<vmem>>) semaphore(%run_scoped3A : memref<!tpu.dma_semaphore, #tpu.memory_space<semaphore_mem>>) {add = true}
        %dma_wait3A_49 = arith.constant 0 : i32
        %dma_wait3A_50 = tpu.memref_slice %arg20[%dma_wait3A_49] : memref<10240xf32, #tpu.memory_space<vmem_shared>> -> memref<10240xf32, #tpu.memory_space<vmem_shared>>
        tpu.wait_indirect_dma semaphore(%run_scoped3A : memref<!tpu.dma_semaphore, #tpu.memory_space<semaphore_mem>>) src(%arg17 : memref<400xf32, #tpu.memory_space<vmem>>) dst(%dma_wait3A_50 : memref<10240xf32, #tpu.memory_space<vmem_shared>>)
        tpu.yield
      }) : () -> ()
    }
    %scan3A_13 = arith.constant 25 : i32
    %barrier3A_14 = arith.constant 0 : index
    tpu.barrier barrier_id(%barrier3A_14)
    %mul3A_15 = arith.constant 640 : i32
    %mul3A_16 = arith.muli %arg1, %mul3A_15 : i32
    %mul3A_17 = arith.constant 640 : i32
    %mul3A_18 = arith.muli %arg1, %mul3A_17 : i32
    "tpu.region"() ({
      %run_scoped3A = tpu.sem_alloc : memref<!tpu.dma_semaphore, #tpu.memory_space<semaphore_mem>>
      %dma_start3A = arith.constant 0 : i32
      %dma_start3A_23 = tpu.memref_slice %arg10[%arg0, %mul3A_18, %dma_start3A] : memref<2x10240x64xf32, #tpu.memory_space<hbm>> -> memref<1x640x64xf32, #tpu.memory_space<hbm>>
      %dma_start3A_24 = tpu.memref_squeeze %dma_start3A_23 : memref<1x640x64xf32, #tpu.memory_space<hbm>> -> memref<640x64xf32, #tpu.memory_space<hbm>>
      %dma_start3A_25 = arith.constant 0 : i32
      %dma_start3A_26 = tpu.memref_slice %arg19[%mul3A_16, %dma_start3A_25] : memref<10240x64xf32, #tpu.memory_space<vmem_shared>> -> memref<640x64xf32, #tpu.memory_space<vmem_shared>>
      tpu.enqueue_dma source(%dma_start3A_26 : memref<640x64xf32, #tpu.memory_space<vmem_shared>>) target(%dma_start3A_24 : memref<640x64xf32, #tpu.memory_space<hbm>>) target_semaphore(%run_scoped3A : memref<!tpu.dma_semaphore, #tpu.memory_space<semaphore_mem>>)
      %dma_wait3A = arith.constant 0 : i32
      %dma_wait3A_27 = tpu.memref_slice %arg10[%arg0, %mul3A_18, %dma_wait3A] : memref<2x10240x64xf32, #tpu.memory_space<hbm>> -> memref<1x640x64xf32, #tpu.memory_space<hbm>>
      %dma_wait3A_28 = tpu.memref_squeeze %dma_wait3A_27 : memref<1x640x64xf32, #tpu.memory_space<hbm>> -> memref<640x64xf32, #tpu.memory_space<hbm>>
      %dma_wait3A_29 = arith.constant 0 : i32
      %dma_wait3A_30 = tpu.memref_slice %arg19[%mul3A_16, %dma_wait3A_29] : memref<10240x64xf32, #tpu.memory_space<vmem_shared>> -> memref<640x64xf32, #tpu.memory_space<vmem_shared>>
      tpu.wait_dma2 semaphore(%run_scoped3A : memref<!tpu.dma_semaphore, #tpu.memory_space<semaphore_mem>>) src(%dma_wait3A_30 : memref<640x64xf32, #tpu.memory_space<vmem_shared>>) dst(%dma_wait3A_28 : memref<640x64xf32, #tpu.memory_space<hbm>>)
      tpu.yield
    }) : () -> ()
    %mul3A_19 = arith.constant 640 : i32
    %mul3A_20 = arith.muli %arg1, %mul3A_19 : i32
    %mul3A_21 = arith.constant 640 : i32
    %mul3A_22 = arith.muli %arg1, %mul3A_21 : i32
    "tpu.region"() ({
      %run_scoped3A = tpu.sem_alloc : memref<!tpu.dma_semaphore, #tpu.memory_space<semaphore_mem>>
      %dma_start3A = tpu.memref_slice %arg11[%arg0, %mul3A_22] : memref<2x10240xf32, #tpu.memory_space<hbm>> -> memref<1x640xf32, #tpu.memory_space<hbm>>
      %dma_start3A_23 = tpu.memref_squeeze %dma_start3A : memref<1x640xf32, #tpu.memory_space<hbm>> -> memref<640xf32, #tpu.memory_space<hbm>>
      %dma_start3A_24 = tpu.memref_slice %arg20[%mul3A_20] : memref<10240xf32, #tpu.memory_space<vmem_shared>> -> memref<640xf32, #tpu.memory_space<vmem_shared>>
      tpu.enqueue_dma source(%dma_start3A_24 : memref<640xf32, #tpu.memory_space<vmem_shared>>) target(%dma_start3A_23 : memref<640xf32, #tpu.memory_space<hbm>>) target_semaphore(%run_scoped3A : memref<!tpu.dma_semaphore, #tpu.memory_space<semaphore_mem>>)
      %dma_wait3A = tpu.memref_slice %arg11[%arg0, %mul3A_22] : memref<2x10240xf32, #tpu.memory_space<hbm>> -> memref<1x640xf32, #tpu.memory_space<hbm>>
      %dma_wait3A_25 = tpu.memref_squeeze %dma_wait3A : memref<1x640xf32, #tpu.memory_space<hbm>> -> memref<640xf32, #tpu.memory_space<hbm>>
      %dma_wait3A_26 = tpu.memref_slice %arg20[%mul3A_20] : memref<10240xf32, #tpu.memory_space<vmem_shared>> -> memref<640xf32, #tpu.memory_space<vmem_shared>>
      tpu.wait_dma2 semaphore(%run_scoped3A : memref<!tpu.dma_semaphore, #tpu.memory_space<semaphore_mem>>) src(%dma_wait3A_26 : memref<640xf32, #tpu.memory_space<vmem_shared>>) dst(%dma_wait3A_25 : memref<640xf32, #tpu.memory_space<hbm>>)
      tpu.yield
    }) : () -> ()
    return
  }
}

#map = affine_map<(d0, d1) -> (0)>
#map1 = affine_map<(d0, d1) -> (0, 0)>
#map2 = affine_map<(d0, d1) -> (0, 0, 0)>
module attributes {stable_mosaic.version = 14 : i64} {
  func.func @k(%arg0: i32, %arg1: i32, %arg2: memref<320000xi32, #tpu.memory_space<hbm>>, %arg3: memref<320000xi32, #tpu.memory_space<hbm>>, %arg4: memref<10240xf32, #tpu.memory_space<hbm>>, %arg5: memref<10240xf32, #tpu.memory_space<hbm>>, %arg6: memref<10240x64xf32, #tpu.memory_space<hbm>>, %arg7: memref<16xf32, #tpu.memory_space<hbm>>, %arg8: memref<10240x64xf32, #tpu.memory_space<hbm>>, %arg9: memref<10240xf32, #tpu.memory_space<hbm>>, %arg10: memref<2x10240x64xf32, #tpu.memory_space<hbm>>, %arg11: memref<2x10240xf32, #tpu.memory_space<hbm>>, %arg12: memref<10240xf32, #tpu.memory_space<vmem>>, %arg13: memref<10240xf32, #tpu.memory_space<vmem>>, %arg14: memref<16xf32, #tpu.memory_space<vmem>>, %arg15: memref<400xi32, #tpu.memory_space<vmem>>, %arg16: memref<400xi32, #tpu.memory_space<vmem>>, %arg17: memref<400xf32, #tpu.memory_space<vmem>>, %arg18: memref<400x64xf32, #tpu.memory_space<vmem>>, %arg19: memref<10240x64xf32, #tpu.memory_space<vmem_shared>>, %arg20: memref<10240xf32, #tpu.memory_space<vmem_shared>>, %arg21: memref<!tpu.dma_semaphore, #tpu.memory_space<semaphore_mem>>) attributes {dimension_semantics = [#tpu.dimension_semantics<core_parallel>, #tpu.dimension_semantics<subcore_parallel>], iteration_bounds = array<i64: 2, 16>, scalar_prefetch = 0 : i64, scratch_operands = 10 : i64, tpu.core_type = #tpu.core_type<sc_vector_subcore>, window_params = [{transform_indices = #map}, {transform_indices = #map}, {transform_indices = #map}, {transform_indices = #map}, {transform_indices = #map1}, {transform_indices = #map}, {transform_indices = #map1}, {transform_indices = #map}, {transform_indices = #map2}, {transform_indices = #map1}]} {
    %mul3A = arith.constant 16 : i32
    %mul3A_0 = arith.muli %arg0, %mul3A : i32
    %add3A = arith.addi %mul3A_0, %arg1 : i32
    "tpu.region"() ({
      %run_scoped3A = tpu.sem_alloc : memref<!tpu.dma_semaphore, #tpu.memory_space<semaphore_mem>>
      tpu.enqueue_dma source(%arg4 : memref<10240xf32, #tpu.memory_space<hbm>>) target(%arg12 : memref<10240xf32, #tpu.memory_space<vmem>>) target_semaphore(%run_scoped3A : memref<!tpu.dma_semaphore, #tpu.memory_space<semaphore_mem>>)
      tpu.wait_dma2 semaphore(%run_scoped3A : memref<!tpu.dma_semaphore, #tpu.memory_space<semaphore_mem>>) src(%arg4 : memref<10240xf32, #tpu.memory_space<hbm>>) dst(%arg12 : memref<10240xf32, #tpu.memory_space<vmem>>)
      tpu.yield
    }) : () -> ()
    "tpu.region"() ({
      %run_scoped3A = tpu.sem_alloc : memref<!tpu.dma_semaphore, #tpu.memory_space<semaphore_mem>>
      tpu.enqueue_dma source(%arg5 : memref<10240xf32, #tpu.memory_space<hbm>>) target(%arg13 : memref<10240xf32, #tpu.memory_space<vmem>>) target_semaphore(%run_scoped3A : memref<!tpu.dma_semaphore, #tpu.memory_space<semaphore_mem>>)
      tpu.wait_dma2 semaphore(%run_scoped3A : memref<!tpu.dma_semaphore, #tpu.memory_space<semaphore_mem>>) src(%arg5 : memref<10240xf32, #tpu.memory_space<hbm>>) dst(%arg13 : memref<10240xf32, #tpu.memory_space<vmem>>)
      tpu.yield
    }) : () -> ()
    "tpu.region"() ({
      %run_scoped3A = tpu.sem_alloc : memref<!tpu.dma_semaphore, #tpu.memory_space<semaphore_mem>>
      tpu.enqueue_dma source(%arg7 : memref<16xf32, #tpu.memory_space<hbm>>) target(%arg14 : memref<16xf32, #tpu.memory_space<vmem>>) target_semaphore(%run_scoped3A : memref<!tpu.dma_semaphore, #tpu.memory_space<semaphore_mem>>)
      tpu.wait_dma2 semaphore(%run_scoped3A : memref<!tpu.dma_semaphore, #tpu.memory_space<semaphore_mem>>) src(%arg7 : memref<16xf32, #tpu.memory_space<hbm>>) dst(%arg14 : memref<16xf32, #tpu.memory_space<vmem>>)
      tpu.yield
    }) : () -> ()
    %mul3A_1 = arith.constant 640 : i32
    %mul3A_2 = arith.muli %arg1, %mul3A_1 : i32
    %mul3A_3 = arith.constant 640 : i32
    %mul3A_4 = arith.muli %arg1, %mul3A_3 : i32
    "tpu.region"() ({
      %run_scoped3A = tpu.sem_alloc : memref<!tpu.dma_semaphore, #tpu.memory_space<semaphore_mem>>
      %dma_start3A = arith.constant 0 : i32
      %dma_start3A_23 = tpu.memref_slice %arg19[%mul3A_4, %dma_start3A] : memref<10240x64xf32, #tpu.memory_space<vmem_shared>> -> memref<640x64xf32, #tpu.memory_space<vmem_shared>>
      %dma_start3A_24 = arith.constant 0 : i32
      %dma_start3A_25 = tpu.memref_slice %arg8[%mul3A_2, %dma_start3A_24] : memref<10240x64xf32, #tpu.memory_space<hbm>> -> memref<640x64xf32, #tpu.memory_space<hbm>>
      tpu.enqueue_dma source(%dma_start3A_25 : memref<640x64xf32, #tpu.memory_space<hbm>>) target(%dma_start3A_23 : memref<640x64xf32, #tpu.memory_space<vmem_shared>>) target_semaphore(%run_scoped3A : memref<!tpu.dma_semaphore, #tpu.memory_space<semaphore_mem>>)
      %dma_wait3A = arith.constant 0 : i32
      %dma_wait3A_26 = tpu.memref_slice %arg19[%mul3A_4, %dma_wait3A] : memref<10240x64xf32, #tpu.memory_space<vmem_shared>> -> memref<640x64xf32, #tpu.memory_space<vmem_shared>>
      %dma_wait3A_27 = arith.constant 0 : i32
      %dma_wait3A_28 = tpu.memref_slice %arg8[%mul3A_2, %dma_wait3A_27] : memref<10240x64xf32, #tpu.memory_space<hbm>> -> memref<640x64xf32, #tpu.memory_space<hbm>>
      tpu.wait_dma2 semaphore(%run_scoped3A : memref<!tpu.dma_semaphore, #tpu.memory_space<semaphore_mem>>) src(%dma_wait3A_28 : memref<640x64xf32, #tpu.memory_space<hbm>>) dst(%dma_wait3A_26 : memref<640x64xf32, #tpu.memory_space<vmem_shared>>)
      tpu.yield
    }) : () -> ()
    %mul3A_5 = arith.constant 640 : i32
    %mul3A_6 = arith.muli %arg1, %mul3A_5 : i32
    %mul3A_7 = arith.constant 640 : i32
    %mul3A_8 = arith.muli %arg1, %mul3A_7 : i32
    "tpu.region"() ({
      %run_scoped3A = tpu.sem_alloc : memref<!tpu.dma_semaphore, #tpu.memory_space<semaphore_mem>>
      %dma_start3A = tpu.memref_slice %arg20[%mul3A_8] : memref<10240xf32, #tpu.memory_space<vmem_shared>> -> memref<640xf32, #tpu.memory_space<vmem_shared>>
      %dma_start3A_23 = tpu.memref_slice %arg9[%mul3A_6] : memref<10240xf32, #tpu.memory_space<hbm>> -> memref<640xf32, #tpu.memory_space<hbm>>
      tpu.enqueue_dma source(%dma_start3A_23 : memref<640xf32, #tpu.memory_space<hbm>>) target(%dma_start3A : memref<640xf32, #tpu.memory_space<vmem_shared>>) target_semaphore(%run_scoped3A : memref<!tpu.dma_semaphore, #tpu.memory_space<semaphore_mem>>)
      %dma_wait3A = tpu.memref_slice %arg20[%mul3A_8] : memref<10240xf32, #tpu.memory_space<vmem_shared>> -> memref<640xf32, #tpu.memory_space<vmem_shared>>
      %dma_wait3A_24 = tpu.memref_slice %arg9[%mul3A_6] : memref<10240xf32, #tpu.memory_space<hbm>> -> memref<640xf32, #tpu.memory_space<hbm>>
      tpu.wait_dma2 semaphore(%run_scoped3A : memref<!tpu.dma_semaphore, #tpu.memory_space<semaphore_mem>>) src(%dma_wait3A_24 : memref<640xf32, #tpu.memory_space<hbm>>) dst(%dma_wait3A : memref<640xf32, #tpu.memory_space<vmem_shared>>)
      tpu.yield
    }) : () -> ()
    %barrier3A = arith.constant 0 : index
    tpu.barrier barrier_id(%barrier3A)
    %get3A = arith.constant 0 : index
    %get3A_9 = tpu.vector_load %arg14[%get3A] {strides = array<i32>} : memref<16xf32, #tpu.memory_space<vmem>>, vector<16xf32>,
    %scan3A = arith.constant 0 : i32
    %scan3A_10 = arith.constant 25 : i32
    %scan3A_11 = arith.addi %scan3A, %scan3A_10 : i32
    %scan3A_12 = arith.constant 1 : i32
    scf.for %scan3A_23 = %scan3A to %scan3A_11 step %scan3A_12  : i32 {
      %mul3A_24 = arith.constant 1 : i32
      %mul3A_25 = arith.muli %scan3A_23, %mul3A_24 : i32
      %add3A_26 = arith.constant 0 : i32
      %add3A_27 = arith.addi %add3A_26, %mul3A_25 : i32
      %mul3A_28 = arith.constant 10000 : i32
      %mul3A_29 = arith.muli %add3A, %mul3A_28 : i32
      %mul3A_30 = arith.constant 400 : i32
      %mul3A_31 = arith.muli %add3A_27, %mul3A_30 : i32
      %add3A_32 = arith.addi %mul3A_29, %mul3A_31 : i32
      "tpu.region"() ({
        %run_scoped3A = tpu.sem_alloc : memref<!tpu.dma_semaphore, #tpu.memory_space<semaphore_mem>>
        %dma_start3A_47 = tpu.memref_slice %arg2[%add3A_32] : memref<320000xi32, #tpu.memory_space<hbm>> -> memref<400xi32, #tpu.memory_space<hbm>>
        %dma_start3A_48 = tpu.memref_slice %arg2[%add3A_32] : memref<320000xi32, #tpu.memory_space<hbm>> -> memref<400xi32, #tpu.memory_space<hbm>>
        tpu.enqueue_dma source(%dma_start3A_48 : memref<400xi32, #tpu.memory_space<hbm>>) target(%arg15 : memref<400xi32, #tpu.memory_space<vmem>>) target_semaphore(%run_scoped3A : memref<!tpu.dma_semaphore, #tpu.memory_space<semaphore_mem>>)
        %dma_wait3A_49 = tpu.memref_slice %arg2[%add3A_32] : memref<320000xi32, #tpu.memory_space<hbm>> -> memref<400xi32, #tpu.memory_space<hbm>>
        %dma_wait3A_50 = tpu.memref_slice %arg2[%add3A_32] : memref<320000xi32, #tpu.memory_space<hbm>> -> memref<400xi32, #tpu.memory_space<hbm>>
        tpu.wait_dma2 semaphore(%run_scoped3A : memref<!tpu.dma_semaphore, #tpu.memory_space<semaphore_mem>>) src(%dma_wait3A_50 : memref<400xi32, #tpu.memory_space<hbm>>) dst(%arg15 : memref<400xi32, #tpu.memory_space<vmem>>)
        tpu.yield
      }) : () -> ()
      "tpu.region"() ({
        %run_scoped3A = tpu.sem_alloc : memref<!tpu.dma_semaphore, #tpu.memory_space<semaphore_mem>>
        %dma_start3A_47 = tpu.memref_slice %arg3[%add3A_32] : memref<320000xi32, #tpu.memory_space<hbm>> -> memref<400xi32, #tpu.memory_space<hbm>>
        %dma_start3A_48 = tpu.memref_slice %arg3[%add3A_32] : memref<320000xi32, #tpu.memory_space<hbm>> -> memref<400xi32, #tpu.memory_space<hbm>>
        tpu.enqueue_dma source(%dma_start3A_48 : memref<400xi32, #tpu.memory_space<hbm>>) target(%arg16 : memref<400xi32, #tpu.memory_space<vmem>>) target_semaphore(%run_scoped3A : memref<!tpu.dma_semaphore, #tpu.memory_space<semaphore_mem>>)
        %dma_wait3A_49 = tpu.memref_slice %arg3[%add3A_32] : memref<320000xi32, #tpu.memory_space<hbm>> -> memref<400xi32, #tpu.memory_space<hbm>>
        %dma_wait3A_50 = tpu.memref_slice %arg3[%add3A_32] : memref<320000xi32, #tpu.memory_space<hbm>> -> memref<400xi32, #tpu.memory_space<hbm>>
        tpu.wait_dma2 semaphore(%run_scoped3A : memref<!tpu.dma_semaphore, #tpu.memory_space<semaphore_mem>>) src(%dma_wait3A_50 : memref<400xi32, #tpu.memory_space<hbm>>) dst(%arg16 : memref<400xi32, #tpu.memory_space<vmem>>)
        tpu.yield
      }) : () -> ()
      %dma_start3A = arith.constant 0 : i32
      %dma_start3A_33 = arith.constant 0 : i32
      %dma_start3A_34 = tpu.memref_slice %arg6[%dma_start3A, %dma_start3A_33] : memref<10240x64xf32, #tpu.memory_space<hbm>> -> memref<10240x64xf32, #tpu.memory_space<hbm>>
      tpu.enqueue_indirect_dma source(%dma_start3A_34 : memref<10240x64xf32, #tpu.memory_space<hbm>>) target(%arg18 : memref<400x64xf32, #tpu.memory_space<vmem>>) offsets(%arg15 : memref<400xi32, #tpu.memory_space<vmem>>) semaphore(%arg21 : memref<!tpu.dma_semaphore, #tpu.memory_space<semaphore_mem>>)
      %scan3A_35 = arith.constant 0 : i32
      %scan3A_36 = arith.constant 25 : i32
      %scan3A_37 = arith.addi %scan3A_35, %scan3A_36 : i32
      %scan3A_38 = arith.constant 1 : i32
      scf.for %scan3A_47 = %scan3A_35 to %scan3A_37 step %scan3A_38  : i32 {
        %mul3A_48 = arith.constant 16 : i32
        %mul3A_49 = arith.muli %scan3A_47, %mul3A_48 : i32
        %add3A_50 = arith.constant 0 : i32
        %add3A_51 = arith.addi %add3A_50, %mul3A_49 : i32
        %get3A_52 = arith.index_cast %add3A_51 : i32 to index
        %get3A_53 = tpu.vector_load %arg15[%get3A_52] {strides = array<i32>} : memref<400xi32, #tpu.memory_space<vmem>>, vector<16xi32>,
        %get3A_54 = arith.index_cast %add3A_51 : i32 to index
        %get3A_55 = tpu.vector_load %arg16[%get3A_54] {strides = array<i32>} : memref<400xi32, #tpu.memory_space<vmem>>, vector<16xi32>,
        %gather3A = tpu.vector_load_idx %arg12[%get3A_53] : memref<10240xf32, #tpu.memory_space<vmem>>[vector<16xi32>], vector<16xf32>,
        %gather3A_56 = tpu.vector_load_idx %arg13[%get3A_55] : memref<10240xf32, #tpu.memory_space<vmem>>[vector<16xi32>], vector<16xf32>,
        %add3A_57 = arith.addf %gather3A, %gather3A_56 : vector<16xf32>
        %mul3A_58 = arith.constant 2.000000e-01 : f32
        %mul3A_59 = vector.broadcast %mul3A_58 : f32 to vector<16xf32>
        %mul3A_60 = arith.mulf %mul3A_59, %add3A_57 : vector<16xf32>
        %max3A = arith.maximumf %add3A_57, %mul3A_60 : vector<16xf32>
        %sub3A = arith.subf %max3A, %get3A_9 : vector<16xf32>
        %exp3A = math.exp %sub3A : vector<16xf32>
        %swap3A = arith.index_cast %add3A_51 : i32 to index
        %swap3A_61 = tpu.vector_load %arg17[%swap3A] {strides = array<i32>} : memref<400xf32, #tpu.memory_space<vmem>>, vector<16xf32>,
        tpu.vector_store %arg17[%swap3A], %exp3A {strides = array<i32>} : memref<400xf32, #tpu.memory_space<vmem>>, vector<16xf32>,
      }
      %scan3A_39 = arith.constant 25 : i32
      %dma_wait3A = arith.constant 0 : i32
      %dma_wait3A_40 = arith.constant 0 : i32
      %dma_wait3A_41 = tpu.memref_slice %arg6[%dma_wait3A, %dma_wait3A_40] : memref<10240x64xf32, #tpu.memory_space<hbm>> -> memref<10240x64xf32, #tpu.memory_space<hbm>>
      tpu.wait_indirect_dma semaphore(%arg21 : memref<!tpu.dma_semaphore, #tpu.memory_space<semaphore_mem>>) src(%dma_wait3A_41 : memref<10240x64xf32, #tpu.memory_space<hbm>>) dst(%arg18 : memref<400x64xf32, #tpu.memory_space<vmem>>)
      %scan3A_42 = arith.constant 0 : i32
      %scan3A_43 = arith.constant 400 : i32
      %scan3A_44 = arith.addi %scan3A_42, %scan3A_43 : i32
      %scan3A_45 = arith.constant 1 : i32
      scf.for %scan3A_47 = %scan3A_42 to %scan3A_44 step %scan3A_45  : i32 {
        %mul3A_48 = arith.constant 1 : i32
        %mul3A_49 = arith.muli %scan3A_47, %mul3A_48 : i32
        %add3A_50 = arith.constant 0 : i32
        %add3A_51 = arith.addi %add3A_50, %mul3A_49 : i32
        %broadcast_in_dim3A = vector.broadcast %add3A_51 : i32 to vector<16xi32>
        %gather3A = tpu.vector_load_idx %arg17[%broadcast_in_dim3A] : memref<400xf32, #tpu.memory_space<vmem>>[vector<16xi32>], vector<16xf32>,
        %get3A_52 = arith.index_cast %add3A_51 : i32 to index
        %get3A_53 = arith.constant 0 : index
        %get3A_54 = tpu.vector_load %arg18[%get3A_52, %get3A_53] {strides = array<i32>} : memref<400x64xf32, #tpu.memory_space<vmem>>, vector<16xf32>,
        %mul3A_55 = arith.mulf %get3A_54, %gather3A : vector<16xf32>
        %swap3A = arith.index_cast %add3A_51 : i32 to index
        %swap3A_56 = arith.constant 0 : index
        %swap3A_57 = tpu.vector_load %arg18[%swap3A, %swap3A_56] {strides = array<i32>} : memref<400x64xf32, #tpu.memory_space<vmem>>, vector<16xf32>,
        tpu.vector_store %arg18[%swap3A, %swap3A_56], %mul3A_55 {strides = array<i32>} : memref<400x64xf32, #tpu.memory_space<vmem>>, vector<16xf32>,
        %get3A_58 = arith.index_cast %add3A_51 : i32 to index
        %get3A_59 = arith.constant 16 : index
        %get3A_60 = tpu.vector_load %arg18[%get3A_58, %get3A_59] {strides = array<i32>} : memref<400x64xf32, #tpu.memory_space<vmem>>, vector<16xf32>,
        %mul3A_61 = arith.mulf %get3A_60, %gather3A : vector<16xf32>
        %swap3A_62 = arith.index_cast %add3A_51 : i32 to index
        %swap3A_63 = arith.constant 16 : index
        %swap3A_64 = tpu.vector_load %arg18[%swap3A_62, %swap3A_63] {strides = array<i32>} : memref<400x64xf32, #tpu.memory_space<vmem>>, vector<16xf32>,
        tpu.vector_store %arg18[%swap3A_62, %swap3A_63], %mul3A_61 {strides = array<i32>} : memref<400x64xf32, #tpu.memory_space<vmem>>, vector<16xf32>,
        %get3A_65 = arith.index_cast %add3A_51 : i32 to index
        %get3A_66 = arith.constant 32 : index
        %get3A_67 = tpu.vector_load %arg18[%get3A_65, %get3A_66] {strides = array<i32>} : memref<400x64xf32, #tpu.memory_space<vmem>>, vector<16xf32>,
        %mul3A_68 = arith.mulf %get3A_67, %gather3A : vector<16xf32>
        %swap3A_69 = arith.index_cast %add3A_51 : i32 to index
        %swap3A_70 = arith.constant 32 : index
        %swap3A_71 = tpu.vector_load %arg18[%swap3A_69, %swap3A_70] {strides = array<i32>} : memref<400x64xf32, #tpu.memory_space<vmem>>, vector<16xf32>,
        tpu.vector_store %arg18[%swap3A_69, %swap3A_70], %mul3A_68 {strides = array<i32>} : memref<400x64xf32, #tpu.memory_space<vmem>>, vector<16xf32>,
        %get3A_72 = arith.index_cast %add3A_51 : i32 to index
        %get3A_73 = arith.constant 48 : index
        %get3A_74 = tpu.vector_load %arg18[%get3A_72, %get3A_73] {strides = array<i32>} : memref<400x64xf32, #tpu.memory_space<vmem>>, vector<16xf32>,
        %mul3A_75 = arith.mulf %get3A_74, %gather3A : vector<16xf32>
        %swap3A_76 = arith.index_cast %add3A_51 : i32 to index
        %swap3A_77 = arith.constant 48 : index
        %swap3A_78 = tpu.vector_load %arg18[%swap3A_76, %swap3A_77] {strides = array<i32>} : memref<400x64xf32, #tpu.memory_space<vmem>>, vector<16xf32>,
        tpu.vector_store %arg18[%swap3A_76, %swap3A_77], %mul3A_75 {strides = array<i32>} : memref<400x64xf32, #tpu.memory_space<vmem>>, vector<16xf32>,
      }
      %scan3A_46 = arith.constant 400 : i32
      "tpu.region"() ({
        %run_scoped3A = tpu.sem_alloc : memref<!tpu.dma_semaphore, #tpu.memory_space<semaphore_mem>>
        %dma_start3A_47 = arith.constant 0 : i32
        %dma_start3A_48 = arith.constant 0 : i32
        %dma_start3A_49 = tpu.memref_slice %arg19[%dma_start3A_47, %dma_start3A_48] : memref<10240x64xf32, #tpu.memory_space<vmem_shared>> -> memref<10240x64xf32, #tpu.memory_space<vmem_shared>>
        tpu.enqueue_indirect_dma source(%arg18 : memref<400x64xf32, #tpu.memory_space<vmem>>) target(%dma_start3A_49 : memref<10240x64xf32, #tpu.memory_space<vmem_shared>>) offsets(%arg16 : memref<400xi32, #tpu.memory_space<vmem>>) semaphore(%run_scoped3A : memref<!tpu.dma_semaphore, #tpu.memory_space<semaphore_mem>>) {add = true}
        %dma_wait3A_50 = arith.constant 0 : i32
        %dma_wait3A_51 = arith.constant 0 : i32
        %dma_wait3A_52 = tpu.memref_slice %arg19[%dma_wait3A_50, %dma_wait3A_51] : memref<10240x64xf32, #tpu.memory_space<vmem_shared>> -> memref<10240x64xf32, #tpu.memory_space<vmem_shared>>
        tpu.wait_indirect_dma semaphore(%run_scoped3A : memref<!tpu.dma_semaphore, #tpu.memory_space<semaphore_mem>>) src(%arg18 : memref<400x64xf32, #tpu.memory_space<vmem>>) dst(%dma_wait3A_52 : memref<10240x64xf32, #tpu.memory_space<vmem_shared>>)
        tpu.yield
      }) : () -> ()
      "tpu.region"() ({
        %run_scoped3A = tpu.sem_alloc : memref<!tpu.dma_semaphore, #tpu.memory_space<semaphore_mem>>
        %dma_start3A_47 = arith.constant 0 : i32
        %dma_start3A_48 = tpu.memref_slice %arg20[%dma_start3A_47] : memref<10240xf32, #tpu.memory_space<vmem_shared>> -> memref<10240xf32, #tpu.memory_space<vmem_shared>>
        tpu.enqueue_indirect_dma source(%arg17 : memref<400xf32, #tpu.memory_space<vmem>>) target(%dma_start3A_48 : memref<10240xf32, #tpu.memory_space<vmem_shared>>) offsets(%arg16 : memref<400xi32, #tpu.memory_space<vmem>>) semaphore(%run_scoped3A : memref<!tpu.dma_semaphore, #tpu.memory_space<semaphore_mem>>) {add = true}
        %dma_wait3A_49 = arith.constant 0 : i32
        %dma_wait3A_50 = tpu.memref_slice %arg20[%dma_wait3A_49] : memref<10240xf32, #tpu.memory_space<vmem_shared>> -> memref<10240xf32, #tpu.memory_space<vmem_shared>>
        tpu.wait_indirect_dma semaphore(%run_scoped3A : memref<!tpu.dma_semaphore, #tpu.memory_space<semaphore_mem>>) src(%arg17 : memref<400xf32, #tpu.memory_space<vmem>>) dst(%dma_wait3A_50 : memref<10240xf32, #tpu.memory_space<vmem_shared>>)
        tpu.yield
      }) : () -> ()
    }
    %scan3A_13 = arith.constant 25 : i32
    %barrier3A_14 = arith.constant 0 : index
    tpu.barrier barrier_id(%barrier3A_14)
    %mul3A_15 = arith.constant 640 : i32
    %mul3A_16 = arith.muli %arg1, %mul3A_15 : i32
    %mul3A_17 = arith.constant 640 : i32
    %mul3A_18 = arith.muli %arg1, %mul3A_17 : i32
    "tpu.region"() ({
      %run_scoped3A = tpu.sem_alloc : memref<!tpu.dma_semaphore, #tpu.memory_space<semaphore_mem>>
      %dma_start3A = arith.constant 0 : i32
      %dma_start3A_23 = tpu.memref_slice %arg10[%arg0, %mul3A_18, %dma_start3A] : memref<2x10240x64xf32, #tpu.memory_space<hbm>> -> memref<1x640x64xf32, #tpu.memory_space<hbm>>
      %dma_start3A_24 = tpu.memref_squeeze %dma_start3A_23 : memref<1x640x64xf32, #tpu.memory_space<hbm>> -> memref<640x64xf32, #tpu.memory_space<hbm>>
      %dma_start3A_25 = arith.constant 0 : i32
      %dma_start3A_26 = tpu.memref_slice %arg19[%mul3A_16, %dma_start3A_25] : memref<10240x64xf32, #tpu.memory_space<vmem_shared>> -> memref<640x64xf32, #tpu.memory_space<vmem_shared>>
      tpu.enqueue_dma source(%dma_start3A_26 : memref<640x64xf32, #tpu.memory_space<vmem_shared>>) target(%dma_start3A_24 : memref<640x64xf32, #tpu.memory_space<hbm>>) target_semaphore(%run_scoped3A : memref<!tpu.dma_semaphore, #tpu.memory_space<semaphore_mem>>)
      %dma_wait3A = arith.constant 0 : i32
      %dma_wait3A_27 = tpu.memref_slice %arg10[%arg0, %mul3A_18, %dma_wait3A] : memref<2x10240x64xf32, #tpu.memory_space<hbm>> -> memref<1x640x64xf32, #tpu.memory_space<hbm>>
      %dma_wait3A_28 = tpu.memref_squeeze %dma_wait3A_27 : memref<1x640x64xf32, #tpu.memory_space<hbm>> -> memref<640x64xf32, #tpu.memory_space<hbm>>
      %dma_wait3A_29 = arith.constant 0 : i32
      %dma_wait3A_30 = tpu.memref_slice %arg19[%mul3A_16, %dma_wait3A_29] : memref<10240x64xf32, #tpu.memory_space<vmem_shared>> -> memref<640x64xf32, #tpu.memory_space<vmem_shared>>
      tpu.wait_dma2 semaphore(%run_scoped3A : memref<!tpu.dma_semaphore, #tpu.memory_space<semaphore_mem>>) src(%dma_wait3A_30 : memref<640x64xf32, #tpu.memory_space<vmem_shared>>) dst(%dma_wait3A_28 : memref<640x64xf32, #tpu.memory_space<hbm>>)
      tpu.yield
    }) : () -> ()
    %mul3A_19 = arith.constant 640 : i32
    %mul3A_20 = arith.muli %arg1, %mul3A_19 : i32
    %mul3A_21 = arith.constant 640 : i32
    %mul3A_22 = arith.muli %arg1, %mul3A_21 : i32
    "tpu.region"() ({
      %run_scoped3A = tpu.sem_alloc : memref<!tpu.dma_semaphore, #tpu.memory_space<semaphore_mem>>
      %dma_start3A = tpu.memref_slice %arg11[%arg0, %mul3A_22] : memref<2x10240xf32, #tpu.memory_space<hbm>> -> memref<1x640xf32, #tpu.memory_space<hbm>>
      %dma_start3A_23 = tpu.memref_squeeze %dma_start3A : memref<1x640xf32, #tpu.memory_space<hbm>> -> memref<640xf32, #tpu.memory_space<hbm>>
      %dma_start3A_24 = tpu.memref_slice %arg20[%mul3A_20] : memref<10240xf32, #tpu.memory_space<vmem_shared>> -> memref<640xf32, #tpu.memory_space<vmem_shared>>
      tpu.enqueue_dma source(%dma_start3A_24 : memref<640xf32, #tpu.memory_space<vmem_shared>>) target(%dma_start3A_23 : memref<640xf32, #tpu.memory_space<hbm>>) target_semaphore(%run_scoped3A : memref<!tpu.dma_semaphore, #tpu.memory_space<semaphore_mem>>)
      %dma_wait3A = tpu.memref_slice %arg11[%arg0, %mul3A_22] : memref<2x10240xf32, #tpu.memory_space<hbm>> -> memref<1x640xf32, #tpu.memory_space<hbm>>
      %dma_wait3A_25 = tpu.memref_squeeze %dma_wait3A : memref<1x640xf32, #tpu.memory_space<hbm>> -> memref<640xf32, #tpu.memory_space<hbm>>
      %dma_wait3A_26 = tpu.memref_slice %arg20[%mul3A_20] : memref<10240xf32, #tpu.memory_space<vmem_shared>> -> memref<640xf32, #tpu.memory_space<vmem_shared>>
      tpu.wait_dma2 semaphore(%run_scoped3A : memref<!tpu.dma_semaphore, #tpu.memory_space<semaphore_mem>>) src(%dma_wait3A_26 : memref<640xf32, #tpu.memory_space<vmem_shared>>) dst(%dma_wait3A_25 : memref<640xf32, #tpu.memory_space<hbm>>)
      tpu.yield
    }) : () -> ()
    return
  }
}

module attributes {stable_mosaic.version = 14 : i64} {
  func.func @_prep1_body(%arg0: memref<10240x128xf32, #tpu.memory_space<vmem>>, %arg1: memref<128x64xf32, #tpu.memory_space<vmem>>, %arg2: memref<64x1xf32, #tpu.memory_space<vmem>>, %arg3: memref<64x1xf32, #tpu.memory_space<vmem>>, %arg4: memref<10240x64xf32, #tpu.memory_space<vmem>>, %arg5: memref<10240x1xf32, #tpu.memory_space<vmem>>, %arg6: memref<10240x1xf32, #tpu.memory_space<vmem>>, %arg7: memref<1x16xf32, #tpu.memory_space<vmem>>) attributes {dimension_semantics = [], scalar_prefetch = 0 : i64, scratch_operands = 0 : i64, tpu.core_type = #tpu.core_type<tc>} {
    %get3A = arith.constant 0 : index
    %get3A_0 = arith.constant 0 : index
    %get3A_1 = vector.load %arg0[%get3A, %get3A_0] : memref<10240x128xf32, #tpu.memory_space<vmem>>, vector<10240x128xf32>
    %get3A_2 = arith.constant 0 : index
    %get3A_3 = arith.constant 0 : index
    %get3A_4 = vector.load %arg1[%get3A_2, %get3A_3] : memref<128x64xf32, #tpu.memory_space<vmem>>, vector<128x64xf32>
    %dot_general3A = arith.constant dense<0.000000e+00> : vector<10240x64xf32>
    %dot_general3A_5 = tpu.matmul %get3A_1, %get3A_4, %dot_general3A {dimension_numbers = #tpu.dot_dimension_numbers<[1], [0], [0], [1], [0, 0, 1, 1], [], []>, transpose_lhs_hint = false} : vector<10240x128xf32>, vector<128x64xf32>, vector<10240x64xf32> -> vector<10240x64xf32>
    %swap3A = arith.constant 0 : index
    %swap3A_6 = arith.constant 0 : index
    %swap3A_7 = vector.load %arg4[%swap3A, %swap3A_6] : memref<10240x64xf32, #tpu.memory_space<vmem>>, vector<10240x64xf32>
    tpu.vector_store %arg4[%swap3A, %swap3A_6], %dot_general3A_5 {strides = array<i32>} : memref<10240x64xf32, #tpu.memory_space<vmem>>, vector<10240x64xf32>,
    %get3A_8 = arith.constant 0 : index
    %get3A_9 = arith.constant 0 : index
    %get3A_10 = vector.load %arg2[%get3A_8, %get3A_9] : memref<64x1xf32, #tpu.memory_space<vmem>>, vector<64x1xf32>
    %dot_general3A_11 = arith.constant dense<0.000000e+00> : vector<10240x1xf32>
    %dot_general3A_12 = tpu.matmul %dot_general3A_5, %get3A_10, %dot_general3A_11 {dimension_numbers = #tpu.dot_dimension_numbers<[1], [0], [0], [1], [0, 0, 1, 1], [], []>, transpose_lhs_hint = false} : vector<10240x64xf32>, vector<64x1xf32>, vector<10240x1xf32> -> vector<10240x1xf32>
    %get3A_13 = arith.constant 0 : index
    %get3A_14 = arith.constant 0 : index
    %get3A_15 = vector.load %arg3[%get3A_13, %get3A_14] : memref<64x1xf32, #tpu.memory_space<vmem>>, vector<64x1xf32>
    %dot_general3A_16 = arith.constant dense<0.000000e+00> : vector<10240x1xf32>
    %dot_general3A_17 = tpu.matmul %dot_general3A_5, %get3A_15, %dot_general3A_16 {dimension_numbers = #tpu.dot_dimension_numbers<[1], [0], [0], [1], [0, 0, 1, 1], [], []>, transpose_lhs_hint = false} : vector<10240x64xf32>, vector<64x1xf32>, vector<10240x1xf32> -> vector<10240x1xf32>
    %swap3A_18 = arith.constant 0 : index
    %swap3A_19 = arith.constant 0 : index
    %swap3A_20 = vector.load %arg5[%swap3A_18, %swap3A_19] : memref<10240x1xf32, #tpu.memory_space<vmem>>, vector<10240x1xf32>
    tpu.vector_store %arg5[%swap3A_18, %swap3A_19], %dot_general3A_12 {strides = array<i32>} : memref<10240x1xf32, #tpu.memory_space<vmem>>, vector<10240x1xf32>,
    %swap3A_21 = arith.constant 0 : index
    %swap3A_22 = arith.constant 0 : index
    %swap3A_23 = vector.load %arg6[%swap3A_21, %swap3A_22] : memref<10240x1xf32, #tpu.memory_space<vmem>>, vector<10240x1xf32>
    tpu.vector_store %arg6[%swap3A_21, %swap3A_22], %dot_general3A_17 {strides = array<i32>} : memref<10240x1xf32, #tpu.memory_space<vmem>>, vector<10240x1xf32>,
    %reduce_max3A = vector.shape_cast %dot_general3A_12 : vector<10240x1xf32> to vector<1x10240x1xf32>
    %reduce_max3A_24 = arith.constant dense<0xFF800000> : vector<1xf32>
    %reduce_max3A_25 = vector.multi_reduction <maximumf>, %reduce_max3A, %reduce_max3A_24 [1, 2] : vector<1x10240x1xf32> to vector<1xf32>
    %reduce_max3A_26 = vector.shape_cast %reduce_max3A_25 : vector<1xf32> to vector<1x1x1xf32>
    %reduce_max3A_27 = vector.extract %reduce_max3A_26[0, 0, 0] : f32 from vector<1x1x1xf32>
    %reduce_max3A_28 = vector.shape_cast %dot_general3A_17 : vector<10240x1xf32> to vector<1x10240x1xf32>
    %reduce_max3A_29 = arith.constant dense<0xFF800000> : vector<1xf32>
    %reduce_max3A_30 = vector.multi_reduction <maximumf>, %reduce_max3A_28, %reduce_max3A_29 [1, 2] : vector<1x10240x1xf32> to vector<1xf32>
    %reduce_max3A_31 = vector.shape_cast %reduce_max3A_30 : vector<1xf32> to vector<1x1x1xf32>
    %reduce_max3A_32 = vector.extract %reduce_max3A_31[0, 0, 0] : f32 from vector<1x1x1xf32>
    %add3A = arith.addf %reduce_max3A_27, %reduce_max3A_32 : f32
    %mul3A = arith.constant 2.000000e-01 : f32
    %mul3A_33 = arith.mulf %mul3A, %add3A : f32
    %max3A = arith.maximumf %add3A, %mul3A_33 : f32
    %broadcast_in_dim3A = vector.broadcast %max3A : f32 to vector<1x16xf32>
    %swap3A_34 = arith.constant 0 : index
    %swap3A_35 = arith.constant 0 : index
    %swap3A_36 = vector.load %arg7[%swap3A_34, %swap3A_35] : memref<1x16xf32, #tpu.memory_space<vmem>>, vector<1x16xf32>
    tpu.vector_store %arg7[%swap3A_34, %swap3A_35], %broadcast_in_dim3A {strides = array<i32>} : memref<1x16xf32, #tpu.memory_space<vmem>>, vector<1x16xf32>,
    return
  }
}

module attributes {stable_mosaic.version = 14 : i64} {
  func.func @_prep2_body(%arg0: memref<2x10240x64xf32, #tpu.memory_space<vmem>>, %arg1: memref<2x10240xf32, #tpu.memory_space<vmem>>, %arg2: memref<1x64xf32, #tpu.memory_space<vmem>>, %arg3: memref<64x64xf32, #tpu.memory_space<vmem>>, %arg4: memref<64x1xf32, #tpu.memory_space<vmem>>, %arg5: memref<64x1xf32, #tpu.memory_space<vmem>>, %arg6: memref<10240x64xf32, #tpu.memory_space<vmem>>, %arg7: memref<10240x1xf32, #tpu.memory_space<vmem>>, %arg8: memref<10240x1xf32, #tpu.memory_space<vmem>>, %arg9: memref<1x16xf32, #tpu.memory_space<vmem>>) attributes {dimension_semantics = [], scalar_prefetch = 0 : i64, scratch_operands = 0 : i64, tpu.core_type = #tpu.core_type<tc>} {
    %get3A = arith.constant 0 : index
    %get3A_0 = arith.constant 0 : index
    %get3A_1 = arith.constant 0 : index
    %get3A_2 = vector.load %arg0[%get3A, %get3A_0, %get3A_1] : memref<2x10240x64xf32, #tpu.memory_space<vmem>>, vector<1x10240x64xf32>
    %get3A_3 = vector.shape_cast %get3A_2 : vector<1x10240x64xf32> to vector<10240x64xf32>
    %get3A_4 = arith.constant 1 : index
    %get3A_5 = arith.constant 0 : index
    %get3A_6 = arith.constant 0 : index
    %get3A_7 = vector.load %arg0[%get3A_4, %get3A_5, %get3A_6] : memref<2x10240x64xf32, #tpu.memory_space<vmem>>, vector<1x10240x64xf32>
    %get3A_8 = vector.shape_cast %get3A_7 : vector<1x10240x64xf32> to vector<10240x64xf32>
    %add3A = arith.addf %get3A_3, %get3A_8 : vector<10240x64xf32>
    %get3A_9 = arith.constant 0 : index
    %get3A_10 = arith.constant 0 : index
    %get3A_11 = vector.load %arg1[%get3A_9, %get3A_10] : memref<2x10240xf32, #tpu.memory_space<vmem>>, vector<1x10240xf32>
    %get3A_12 = vector.shape_cast %get3A_11 : vector<1x10240xf32> to vector<10240xf32>
    %get3A_13 = arith.constant 1 : index
    %get3A_14 = arith.constant 0 : index
    %get3A_15 = vector.load %arg1[%get3A_13, %get3A_14] : memref<2x10240xf32, #tpu.memory_space<vmem>>, vector<1x10240xf32>
    %get3A_16 = vector.shape_cast %get3A_15 : vector<1x10240xf32> to vector<10240xf32>
    %add3A_17 = arith.addf %get3A_12, %get3A_16 : vector<10240xf32>
    %broadcast_in_dim3A = vector.shape_cast %add3A_17 : vector<10240xf32> to vector<10240x1xf32>
    %add3A_18 = arith.constant 1.000000e-16 : f32
    %add3A_19 = vector.broadcast %add3A_18 : f32 to vector<10240x1xf32>
    %add3A_20 = arith.addf %broadcast_in_dim3A, %add3A_19 : vector<10240x1xf32>
    %div3A = vector.broadcast %add3A_20 : vector<10240x1xf32> to vector<10240x64xf32>
    %div3A_21 = arith.divf %add3A, %div3A : vector<10240x64xf32>
    %get3A_22 = arith.constant 0 : index
    %get3A_23 = arith.constant 0 : index
    %get3A_24 = vector.load %arg2[%get3A_22, %get3A_23] : memref<1x64xf32, #tpu.memory_space<vmem>>, vector<1x64xf32>
    %add3A_25 = vector.broadcast %get3A_24 : vector<1x64xf32> to vector<10240x64xf32>
    %add3A_26 = arith.addf %div3A_21, %add3A_25 : vector<10240x64xf32>
    %max3A = arith.constant 0.000000e+00 : f32
    %max3A_27 = vector.broadcast %max3A : f32 to vector<10240x64xf32>
    %max3A_28 = arith.maximumf %add3A_26, %max3A_27 : vector<10240x64xf32>
    %get3A_29 = arith.constant 0 : index
    %get3A_30 = arith.constant 0 : index
    %get3A_31 = vector.load %arg3[%get3A_29, %get3A_30] : memref<64x64xf32, #tpu.memory_space<vmem>>, vector<64x64xf32>
    %dot_general3A = arith.constant dense<0.000000e+00> : vector<10240x64xf32>
    %dot_general3A_32 = tpu.matmul %max3A_28, %get3A_31, %dot_general3A {dimension_numbers = #tpu.dot_dimension_numbers<[1], [0], [0], [1], [0, 0, 1, 1], [], []>, transpose_lhs_hint = false} : vector<10240x64xf32>, vector<64x64xf32>, vector<10240x64xf32> -> vector<10240x64xf32>
    %swap3A = arith.constant 0 : index
    %swap3A_33 = arith.constant 0 : index
    %swap3A_34 = vector.load %arg6[%swap3A, %swap3A_33] : memref<10240x64xf32, #tpu.memory_space<vmem>>, vector<10240x64xf32>
    tpu.vector_store %arg6[%swap3A, %swap3A_33], %dot_general3A_32 {strides = array<i32>} : memref<10240x64xf32, #tpu.memory_space<vmem>>, vector<10240x64xf32>,
    %get3A_35 = arith.constant 0 : index
    %get3A_36 = arith.constant 0 : index
    %get3A_37 = vector.load %arg4[%get3A_35, %get3A_36] : memref<64x1xf32, #tpu.memory_space<vmem>>, vector<64x1xf32>
    %dot_general3A_38 = arith.constant dense<0.000000e+00> : vector<10240x1xf32>
    %dot_general3A_39 = tpu.matmul %dot_general3A_32, %get3A_37, %dot_general3A_38 {dimension_numbers = #tpu.dot_dimension_numbers<[1], [0], [0], [1], [0, 0, 1, 1], [], []>, transpose_lhs_hint = false} : vector<10240x64xf32>, vector<64x1xf32>, vector<10240x1xf32> -> vector<10240x1xf32>
    %get3A_40 = arith.constant 0 : index
    %get3A_41 = arith.constant 0 : index
    %get3A_42 = vector.load %arg5[%get3A_40, %get3A_41] : memref<64x1xf32, #tpu.memory_space<vmem>>, vector<64x1xf32>
    %dot_general3A_43 = arith.constant dense<0.000000e+00> : vector<10240x1xf32>
    %dot_general3A_44 = tpu.matmul %dot_general3A_32, %get3A_42, %dot_general3A_43 {dimension_numbers = #tpu.dot_dimension_numbers<[1], [0], [0], [1], [0, 0, 1, 1], [], []>, transpose_lhs_hint = false} : vector<10240x64xf32>, vector<64x1xf32>, vector<10240x1xf32> -> vector<10240x1xf32>
    %swap3A_45 = arith.constant 0 : index
    %swap3A_46 = arith.constant 0 : index
    %swap3A_47 = vector.load %arg7[%swap3A_45, %swap3A_46] : memref<10240x1xf32, #tpu.memory_space<vmem>>, vector<10240x1xf32>
    tpu.vector_store %arg7[%swap3A_45, %swap3A_46], %dot_general3A_39 {strides = array<i32>} : memref<10240x1xf32, #tpu.memory_space<vmem>>, vector<10240x1xf32>,
    %swap3A_48 = arith.constant 0 : index
    %swap3A_49 = arith.constant 0 : index
    %swap3A_50 = vector.load %arg8[%swap3A_48, %swap3A_49] : memref<10240x1xf32, #tpu.memory_space<vmem>>, vector<10240x1xf32>
    tpu.vector_store %arg8[%swap3A_48, %swap3A_49], %dot_general3A_44 {strides = array<i32>} : memref<10240x1xf32, #tpu.memory_space<vmem>>, vector<10240x1xf32>,
    %reduce_max3A = vector.shape_cast %dot_general3A_39 : vector<10240x1xf32> to vector<1x10240x1xf32>
    %reduce_max3A_51 = arith.constant dense<0xFF800000> : vector<1xf32>
    %reduce_max3A_52 = vector.multi_reduction <maximumf>, %reduce_max3A, %reduce_max3A_51 [1, 2] : vector<1x10240x1xf32> to vector<1xf32>
    %reduce_max3A_53 = vector.shape_cast %reduce_max3A_52 : vector<1xf32> to vector<1x1x1xf32>
    %reduce_max3A_54 = vector.extract %reduce_max3A_53[0, 0, 0] : f32 from vector<1x1x1xf32>
    %reduce_max3A_55 = vector.shape_cast %dot_general3A_44 : vector<10240x1xf32> to vector<1x10240x1xf32>
    %reduce_max3A_56 = arith.constant dense<0xFF800000> : vector<1xf32>
    %reduce_max3A_57 = vector.multi_reduction <maximumf>, %reduce_max3A_55, %reduce_max3A_56 [1, 2] : vector<1x10240x1xf32> to vector<1xf32>
    %reduce_max3A_58 = vector.shape_cast %reduce_max3A_57 : vector<1xf32> to vector<1x1x1xf32>
    %reduce_max3A_59 = vector.extract %reduce_max3A_58[0, 0, 0] : f32 from vector<1x1x1xf32>
    %add3A_60 = arith.addf %reduce_max3A_54, %reduce_max3A_59 : f32
    %mul3A = arith.constant 2.000000e-01 : f32
    %mul3A_61 = arith.mulf %mul3A, %add3A_60 : f32
    %max3A_62 = arith.maximumf %add3A_60, %mul3A_61 : f32
    %broadcast_in_dim3A_63 = vector.broadcast %max3A_62 : f32 to vector<1x16xf32>
    %swap3A_64 = arith.constant 0 : index
    %swap3A_65 = arith.constant 0 : index
    %swap3A_66 = vector.load %arg9[%swap3A_64, %swap3A_65] : memref<1x16xf32, #tpu.memory_space<vmem>>, vector<1x16xf32>
    tpu.vector_store %arg9[%swap3A_64, %swap3A_65], %broadcast_in_dim3A_63 {strides = array<i32>} : memref<1x16xf32, #tpu.memory_space<vmem>>, vector<1x16xf32>,
    return
  }
}

module attributes {stable_mosaic.version = 14 : i64} {
  func.func @_lstm_head_body(%arg0: memref<2x10240x64xf32, #tpu.memory_space<vmem>>, %arg1: memref<2x10240xf32, #tpu.memory_space<vmem>>, %arg2: memref<1x64xf32, #tpu.memory_space<vmem>>, %arg3: memref<64x256xf32, #tpu.memory_space<vmem>>, %arg4: memref<64x256xbf16, #tpu.memory_space<vmem>>, %arg5: memref<64x256xbf16, #tpu.memory_space<vmem>>, %arg6: memref<1x256xf32, #tpu.memory_space<vmem>>, %arg7: memref<64x1xf32, #tpu.memory_space<vmem>>, %arg8: memref<1x1xf32, #tpu.memory_space<vmem>>, %arg9: memref<64x2xf32, #tpu.memory_space<vmem>>, %arg10: memref<1x2xf32, #tpu.memory_space<vmem>>, %arg11: memref<1x2xf32, #tpu.memory_space<vmem>>, %arg12: memref<10000x256xf32, #tpu.memory_space<vmem>>, %arg13: memref<10000x64xf32, #tpu.memory_space<vmem>>) attributes {dimension_semantics = [], scalar_prefetch = 0 : i64, scratch_operands = 2 : i64, tpu.core_type = #tpu.core_type<tc>} {
    %get3A = arith.constant 0 : index
    %get3A_0 = arith.constant 0 : index
    %get3A_1 = arith.constant 0 : index
    %get3A_2 = vector.load %arg0[%get3A, %get3A_0, %get3A_1] : memref<2x10240x64xf32, #tpu.memory_space<vmem>>, vector<1x10000x64xf32>
    %get3A_3 = vector.shape_cast %get3A_2 : vector<1x10000x64xf32> to vector<10000x64xf32>
    %get3A_4 = arith.constant 1 : index
    %get3A_5 = arith.constant 0 : index
    %get3A_6 = arith.constant 0 : index
    %get3A_7 = vector.load %arg0[%get3A_4, %get3A_5, %get3A_6] : memref<2x10240x64xf32, #tpu.memory_space<vmem>>, vector<1x10000x64xf32>
    %get3A_8 = vector.shape_cast %get3A_7 : vector<1x10000x64xf32> to vector<10000x64xf32>
    %add3A = arith.addf %get3A_3, %get3A_8 : vector<10000x64xf32>
    %get3A_9 = arith.constant 0 : index
    %get3A_10 = arith.constant 0 : index
    %get3A_11 = vector.load %arg1[%get3A_9, %get3A_10] : memref<2x10240xf32, #tpu.memory_space<vmem>>, vector<1x10000xf32>
    %get3A_12 = vector.shape_cast %get3A_11 : vector<1x10000xf32> to vector<10000xf32>
    %get3A_13 = arith.constant 1 : index
    %get3A_14 = arith.constant 0 : index
    %get3A_15 = vector.load %arg1[%get3A_13, %get3A_14] : memref<2x10240xf32, #tpu.memory_space<vmem>>, vector<1x10000xf32>
    %get3A_16 = vector.shape_cast %get3A_15 : vector<1x10000xf32> to vector<10000xf32>
    %add3A_17 = arith.addf %get3A_12, %get3A_16 : vector<10000xf32>
    %broadcast_in_dim3A = vector.shape_cast %add3A_17 : vector<10000xf32> to vector<10000x1xf32>
    %add3A_18 = arith.constant 1.000000e-16 : f32
    %add3A_19 = vector.broadcast %add3A_18 : f32 to vector<10000x1xf32>
    %add3A_20 = arith.addf %broadcast_in_dim3A, %add3A_19 : vector<10000x1xf32>
    %div3A = vector.broadcast %add3A_20 : vector<10000x1xf32> to vector<10000x64xf32>
    %div3A_21 = arith.divf %add3A, %div3A : vector<10000x64xf32>
    %get3A_22 = arith.constant 0 : index
    %get3A_23 = arith.constant 0 : index
    %get3A_24 = vector.load %arg2[%get3A_22, %get3A_23] : memref<1x64xf32, #tpu.memory_space<vmem>>, vector<1x64xf32>
    %add3A_25 = vector.broadcast %get3A_24 : vector<1x64xf32> to vector<10000x64xf32>
    %add3A_26 = arith.addf %div3A_21, %add3A_25 : vector<10000x64xf32>
    %max3A = arith.constant 0.000000e+00 : f32
    %max3A_27 = vector.broadcast %max3A : f32 to vector<10000x64xf32>
    %max3A_28 = arith.maximumf %add3A_26, %max3A_27 : vector<10000x64xf32>
    %get3A_29 = arith.constant 0 : index
    %get3A_30 = arith.constant 0 : index
    %get3A_31 = vector.load %arg3[%get3A_29, %get3A_30] : memref<64x256xf32, #tpu.memory_space<vmem>>, vector<64x256xf32>
    %dot_general3A = arith.constant dense<0.000000e+00> : vector<10000x256xf32>
    %dot_general3A_32 = tpu.matmul %max3A_28, %get3A_31, %dot_general3A {dimension_numbers = #tpu.dot_dimension_numbers<[1], [0], [0], [1], [0, 0, 1, 1], [], []>, transpose_lhs_hint = false} : vector<10000x64xf32>, vector<64x256xf32>, vector<10000x256xf32> -> vector<10000x256xf32>
    %get3A_33 = arith.constant 0 : index
    %get3A_34 = arith.constant 0 : index
    %get3A_35 = vector.load %arg6[%get3A_33, %get3A_34] : memref<1x256xf32, #tpu.memory_space<vmem>>, vector<1x256xf32>
    %add3A_36 = vector.broadcast %get3A_35 : vector<1x256xf32> to vector<10000x256xf32>
    %add3A_37 = arith.addf %dot_general3A_32, %add3A_36 : vector<10000x256xf32>
    %swap3A = arith.constant 0 : index
    %swap3A_38 = arith.constant 0 : index
    %swap3A_39 = vector.load %arg12[%swap3A, %swap3A_38] : memref<10000x256xf32, #tpu.memory_space<vmem>>, vector<10000x256xf32>
    tpu.vector_store %arg12[%swap3A, %swap3A_38], %add3A_37 {strides = array<i32>} : memref<10000x256xf32, #tpu.memory_space<vmem>>, vector<10000x256xf32>,
    %get3A_40 = arith.constant 0 : index
    %get3A_41 = arith.constant 0 : index
    %get3A_42 = vector.load %arg4[%get3A_40, %get3A_41] : memref<64x256xbf16, #tpu.memory_space<vmem>>, vector<64x256xbf16>
    %get3A_43 = arith.constant 0 : index
    %get3A_44 = arith.constant 0 : index
    %get3A_45 = vector.load %arg5[%get3A_43, %get3A_44] : memref<64x256xbf16, #tpu.memory_space<vmem>>, vector<64x256xbf16>
    %broadcast_in_dim3A_46 = arith.constant 0.000000e+00 : f32
    %broadcast_in_dim3A_47 = vector.broadcast %broadcast_in_dim3A_46 : f32 to vector<1x64xf32>
    %scan3A = arith.constant 0 : i32
    %scan3A_48 = arith.constant 250 : i32
    %scan3A_49 = arith.addi %scan3A, %scan3A_48 : i32
    %scan3A_50 = arith.constant 1 : i32
    %scan3A_51:2 = scf.for %scan3A_103 = %scan3A to %scan3A_49 step %scan3A_50 iter_args(%scan3A_104 = %broadcast_in_dim3A_47, %scan3A_105 = %broadcast_in_dim3A_47) -> (vector<1x64xf32>, vector<1x64xf32>)  : i32 {
      %mul3A = arith.constant 40 : i32
      %mul3A_106 = arith.muli %scan3A_103, %mul3A : i32
      %get3A_107 = arith.index_cast %mul3A_106 : i32 to index
      %get3A_108 = arith.constant 0 : index
      %get3A_109 = vector.load %arg12[%get3A_107, %get3A_108] : memref<10000x256xf32, #tpu.memory_space<vmem>>, vector<40x256xf32>
      %slice3A = vector.extract_strided_slice %get3A_109 {offsets = [0, 0], sizes = [1, 256], strides = [1, 1]} : vector<40x256xf32> to vector<1x256xf32>
      %convert_element_type3A = arith.truncf %scan3A_104 : vector<1x64xf32> to vector<1x64xbf16>
      %convert_element_type3A_110 = arith.extf %convert_element_type3A : vector<1x64xbf16> to vector<1x64xf32>
      %sub3A_111 = arith.subf %scan3A_104, %convert_element_type3A_110 : vector<1x64xf32>
      %convert_element_type3A_112 = arith.truncf %sub3A_111 : vector<1x64xf32> to vector<1x64xbf16>
      %dot_general3A_113 = arith.constant dense<0.000000e+00> : vector<1x256xf32>
      %dot_general3A_114 = tpu.matmul %convert_element_type3A, %get3A_42, %dot_general3A_113 {dimension_numbers = #tpu.dot_dimension_numbers<[1], [0], [0], [1], [0, 0, 1, 1], [], []>, transpose_lhs_hint = false} : vector<1x64xbf16>, vector<64x256xbf16>, vector<1x256xf32> -> vector<1x256xf32>
      %add3A_115 = arith.addf %slice3A, %dot_general3A_114 : vector<1x256xf32>
      %dot_general3A_116 = arith.constant dense<0.000000e+00> : vector<1x256xf32>
      %dot_general3A_117 = tpu.matmul %convert_element_type3A, %get3A_45, %dot_general3A_116 {dimension_numbers = #tpu.dot_dimension_numbers<[1], [0], [0], [1], [0, 0, 1, 1], [], []>, transpose_lhs_hint = false} : vector<1x64xbf16>, vector<64x256xbf16>, vector<1x256xf32> -> vector<1x256xf32>
      %add3A_118 = arith.addf %add3A_115, %dot_general3A_117 : vector<1x256xf32>
      %dot_general3A_119 = arith.constant dense<0.000000e+00> : vector<1x256xf32>
      %dot_general3A_120 = tpu.matmul %convert_element_type3A_112, %get3A_42, %dot_general3A_119 {dimension_numbers = #tpu.dot_dimension_numbers<[1], [0], [0], [1], [0, 0, 1, 1], [], []>, transpose_lhs_hint = false} : vector<1x64xbf16>, vector<64x256xbf16>, vector<1x256xf32> -> vector<1x256xf32>
      %add3A_121 = arith.addf %add3A_118, %dot_general3A_120 : vector<1x256xf32>
      %mul3A_122 = arith.constant 5.000000e-01 : f32
      %mul3A_123 = vector.broadcast %mul3A_122 : f32 to vector<1x256xf32>
      %mul3A_124 = arith.mulf %add3A_121, %mul3A_123 : vector<1x256xf32>
      %concatenate3A = tpu.concatenate %mul3A_124, %add3A_121 in 0 : vector<1x256xf32>, vector<1x256xf32> -> vector<2x256xf32>
      %tanh3A = math.tanh %concatenate3A : vector<2x256xf32>
      %slice3A_125 = vector.extract_strided_slice %tanh3A {offsets = [0, 0], sizes = [1, 256], strides = [1, 1]} : vector<2x256xf32> to vector<1x256xf32>
      %mul3A_126 = arith.constant 5.000000e-01 : f32
      %mul3A_127 = vector.broadcast %mul3A_126 : f32 to vector<1x256xf32>
      %mul3A_128 = arith.mulf %mul3A_127, %slice3A_125 : vector<1x256xf32>
      %add3A_129 = arith.constant 5.000000e-01 : f32
      %add3A_130 = vector.broadcast %add3A_129 : f32 to vector<1x256xf32>
      %add3A_131 = arith.addf %add3A_130, %mul3A_128 : vector<1x256xf32>
      %slice3A_132 = vector.extract_strided_slice %add3A_131 {offsets = [0, 0], sizes = [1, 64], strides = [1, 1]} : vector<1x256xf32> to vector<1x64xf32>
      %slice3A_133 = vector.extract_strided_slice %add3A_131 {offsets = [0, 64], sizes = [1, 64], strides = [1, 1]} : vector<1x256xf32> to vector<1x64xf32>
      %slice3A_134 = vector.extract_strided_slice %add3A_131 {offsets = [0, 192], sizes = [1, 64], strides = [1, 1]} : vector<1x256xf32> to vector<1x64xf32>
      %slice3A_135 = vector.extract_strided_slice %tanh3A {offsets = [1, 128], sizes = [1, 64], strides = [1, 1]} : vector<2x256xf32> to vector<1x64xf32>
      %mul3A_136 = arith.mulf %slice3A_133, %scan3A_105 : vector<1x64xf32>
      %mul3A_137 = arith.mulf %slice3A_132, %slice3A_135 : vector<1x64xf32>
      %add3A_138 = arith.addf %mul3A_136, %mul3A_137 : vector<1x64xf32>
      %tanh3A_139 = math.tanh %add3A_138 : vector<1x64xf32>
      %mul3A_140 = arith.mulf %slice3A_134, %tanh3A_139 : vector<1x64xf32>
      %slice3A_141 = vector.extract_strided_slice %get3A_109 {offsets = [1, 0], sizes = [1, 256], strides = [1, 1]} : vector<40x256xf32> to vector<1x256xf32>
      %convert_element_type3A_142 = arith.truncf %mul3A_140 : vector<1x64xf32> to vector<1x64xbf16>
      %convert_element_type3A_143 = arith.extf %convert_element_type3A_142 : vector<1x64xbf16> to vector<1x64xf32>
      %sub3A_144 = arith.subf %mul3A_140, %convert_element_type3A_143 : vector<1x64xf32>
      %convert_element_type3A_145 = arith.truncf %sub3A_144 : vector<1x64xf32> to vector<1x64xbf16>
      %dot_general3A_146 = arith.constant dense<0.000000e+00> : vector<1x256xf32>
      %dot_general3A_147 = tpu.matmul %convert_element_type3A_142, %get3A_42, %dot_general3A_146 {dimension_numbers = #tpu.dot_dimension_numbers<[1], [0], [0], [1], [0, 0, 1, 1], [], []>, transpose_lhs_hint = false} : vector<1x64xbf16>, vector<64x256xbf16>, vector<1x256xf32> -> vector<1x256xf32>
      %add3A_148 = arith.addf %slice3A_141, %dot_general3A_147 : vector<1x256xf32>
      %dot_general3A_149 = arith.constant dense<0.000000e+00> : vector<1x256xf32>
      %dot_general3A_150 = tpu.matmul %convert_element_type3A_142, %get3A_45, %dot_general3A_149 {dimension_numbers = #tpu.dot_dimension_numbers<[1], [0], [0], [1], [0, 0, 1, 1], [], []>, transpose_lhs_hint = false} : vector<1x64xbf16>, vector<64x256xbf16>, vector<1x256xf32> -> vector<1x256xf32>
      %add3A_151 = arith.addf %add3A_148, %dot_general3A_150 : vector<1x256xf32>
      %dot_general3A_152 = arith.constant dense<0.000000e+00> : vector<1x256xf32>
      %dot_general3A_153 = tpu.matmul %convert_element_type3A_145, %get3A_42, %dot_general3A_152 {dimension_numbers = #tpu.dot_dimension_numbers<[1], [0], [0], [1], [0, 0, 1, 1], [], []>, transpose_lhs_hint = false} : vector<1x64xbf16>, vector<64x256xbf16>, vector<1x256xf32> -> vector<1x256xf32>
      %add3A_154 = arith.addf %add3A_151, %dot_general3A_153 : vector<1x256xf32>
      %mul3A_155 = arith.constant 5.000000e-01 : f32
      %mul3A_156 = vector.broadcast %mul3A_155 : f32 to vector<1x256xf32>
      %mul3A_157 = arith.mulf %add3A_154, %mul3A_156 : vector<1x256xf32>
      %concatenate3A_158 = tpu.concatenate %mul3A_157, %add3A_154 in 0 : vector<1x256xf32>, vector<1x256xf32> -> vector<2x256xf32>
      %tanh3A_159 = math.tanh %concatenate3A_158 : vector<2x256xf32>
      %slice3A_160 = vector.extract_strided_slice %tanh3A_159 {offsets = [0, 0], sizes = [1, 256], strides = [1, 1]} : vector<2x256xf32> to vector<1x256xf32>
      %mul3A_161 = arith.constant 5.000000e-01 : f32
      %mul3A_162 = vector.broadcast %mul3A_161 : f32 to vector<1x256xf32>
      %mul3A_163 = arith.mulf %mul3A_162, %slice3A_160 : vector<1x256xf32>
      %add3A_164 = arith.constant 5.000000e-01 : f32
      %add3A_165 = vector.broadcast %add3A_164 : f32 to vector<1x256xf32>
      %add3A_166 = arith.addf %add3A_165, %mul3A_163 : vector<1x256xf32>
      %slice3A_167 = vector.extract_strided_slice %add3A_166 {offsets = [0, 0], sizes = [1, 64], strides = [1, 1]} : vector<1x256xf32> to vector<1x64xf32>
      %slice3A_168 = vector.extract_strided_slice %add3A_166 {offsets = [0, 64], sizes = [1, 64], strides = [1, 1]} : vector<1x256xf32> to vector<1x64xf32>
      %slice3A_169 = vector.extract_strided_slice %add3A_166 {offsets = [0, 192], sizes = [1, 64], strides = [1, 1]} : vector<1x256xf32> to vector<1x64xf32>
      %slice3A_170 = vector.extract_strided_slice %tanh3A_159 {offsets = [1, 128], sizes = [1, 64], strides = [1, 1]} : vector<2x256xf32> to vector<1x64xf32>
      %mul3A_171 = arith.mulf %slice3A_168, %add3A_138 : vector<1x64xf32>
      %mul3A_172 = arith.mulf %slice3A_167, %slice3A_170 : vector<1x64xf32>
      %add3A_173 = arith.addf %mul3A_171, %mul3A_172 : vector<1x64xf32>
      %tanh3A_174 = math.tanh %add3A_173 : vector<1x64xf32>
      %mul3A_175 = arith.mulf %slice3A_169, %tanh3A_174 : vector<1x64xf32>
      %slice3A_176 = vector.extract_strided_slice %get3A_109 {offsets = [2, 0], sizes = [1, 256], strides = [1, 1]} : vector<40x256xf32> to vector<1x256xf32>
      %convert_element_type3A_177 = arith.truncf %mul3A_175 : vector<1x64xf32> to vector<1x64xbf16>
      %convert_element_type3A_178 = arith.extf %convert_element_type3A_177 : vector<1x64xbf16> to vector<1x64xf32>
      %sub3A_179 = arith.subf %mul3A_175, %convert_element_type3A_178 : vector<1x64xf32>
      %convert_element_type3A_180 = arith.truncf %sub3A_179 : vector<1x64xf32> to vector<1x64xbf16>
      %dot_general3A_181 = arith.constant dense<0.000000e+00> : vector<1x256xf32>
      %dot_general3A_182 = tpu.matmul %convert_element_type3A_177, %get3A_42, %dot_general3A_181 {dimension_numbers = #tpu.dot_dimension_numbers<[1], [0], [0], [1], [0, 0, 1, 1], [], []>, transpose_lhs_hint = false} : vector<1x64xbf16>, vector<64x256xbf16>, vector<1x256xf32> -> vector<1x256xf32>
      %add3A_183 = arith.addf %slice3A_176, %dot_general3A_182 : vector<1x256xf32>
      %dot_general3A_184 = arith.constant dense<0.000000e+00> : vector<1x256xf32>
      %dot_general3A_185 = tpu.matmul %convert_element_type3A_177, %get3A_45, %dot_general3A_184 {dimension_numbers = #tpu.dot_dimension_numbers<[1], [0], [0], [1], [0, 0, 1, 1], [], []>, transpose_lhs_hint = false} : vector<1x64xbf16>, vector<64x256xbf16>, vector<1x256xf32> -> vector<1x256xf32>
      %add3A_186 = arith.addf %add3A_183, %dot_general3A_185 : vector<1x256xf32>
      %dot_general3A_187 = arith.constant dense<0.000000e+00> : vector<1x256xf32>
      %dot_general3A_188 = tpu.matmul %convert_element_type3A_180, %get3A_42, %dot_general3A_187 {dimension_numbers = #tpu.dot_dimension_numbers<[1], [0], [0], [1], [0, 0, 1, 1], [], []>, transpose_lhs_hint = false} : vector<1x64xbf16>, vector<64x256xbf16>, vector<1x256xf32> -> vector<1x256xf32>
      %add3A_189 = arith.addf %add3A_186, %dot_general3A_188 : vector<1x256xf32>
      %mul3A_190 = arith.constant 5.000000e-01 : f32
      %mul3A_191 = vector.broadcast %mul3A_190 : f32 to vector<1x256xf32>
      %mul3A_192 = arith.mulf %add3A_189, %mul3A_191 : vector<1x256xf32>
      %concatenate3A_193 = tpu.concatenate %mul3A_192, %add3A_189 in 0 : vector<1x256xf32>, vector<1x256xf32> -> vector<2x256xf32>
      %tanh3A_194 = math.tanh %concatenate3A_193 : vector<2x256xf32>
      %slice3A_195 = vector.extract_strided_slice %tanh3A_194 {offsets = [0, 0], sizes = [1, 256], strides = [1, 1]} : vector<2x256xf32> to vector<1x256xf32>
      %mul3A_196 = arith.constant 5.000000e-01 : f32
      %mul3A_197 = vector.broadcast %mul3A_196 : f32 to vector<1x256xf32>
      %mul3A_198 = arith.mulf %mul3A_197, %slice3A_195 : vector<1x256xf32>
      %add3A_199 = arith.constant 5.000000e-01 : f32
      %add3A_200 = vector.broadcast %add3A_199 : f32 to vector<1x256xf32>
      %add3A_201 = arith.addf %add3A_200, %mul3A_198 : vector<1x256xf32>
      %slice3A_202 = vector.extract_strided_slice %add3A_201 {offsets = [0, 0], sizes = [1, 64], strides = [1, 1]} : vector<1x256xf32> to vector<1x64xf32>
      %slice3A_203 = vector.extract_strided_slice %add3A_201 {offsets = [0, 64], sizes = [1, 64], strides = [1, 1]} : vector<1x256xf32> to vector<1x64xf32>
      %slice3A_204 = vector.extract_strided_slice %add3A_201 {offsets = [0, 192], sizes = [1, 64], strides = [1, 1]} : vector<1x256xf32> to vector<1x64xf32>
      %slice3A_205 = vector.extract_strided_slice %tanh3A_194 {offsets = [1, 128], sizes = [1, 64], strides = [1, 1]} : vector<2x256xf32> to vector<1x64xf32>
      %mul3A_206 = arith.mulf %slice3A_203, %add3A_173 : vector<1x64xf32>
      %mul3A_207 = arith.mulf %slice3A_202, %slice3A_205 : vector<1x64xf32>
      %add3A_208 = arith.addf %mul3A_206, %mul3A_207 : vector<1x64xf32>
      %tanh3A_209 = math.tanh %add3A_208 : vector<1x64xf32>
      %mul3A_210 = arith.mulf %slice3A_204, %tanh3A_209 : vector<1x64xf32>
      %slice3A_211 = vector.extract_strided_slice %get3A_109 {offsets = [3, 0], sizes = [1, 256], strides = [1, 1]} : vector<40x256xf32> to vector<1x256xf32>
      %convert_element_type3A_212 = arith.truncf %mul3A_210 : vector<1x64xf32> to vector<1x64xbf16>
      %convert_element_type3A_213 = arith.extf %convert_element_type3A_212 : vector<1x64xbf16> to vector<1x64xf32>
      %sub3A_214 = arith.subf %mul3A_210, %convert_element_type3A_213 : vector<1x64xf32>
      %convert_element_type3A_215 = arith.truncf %sub3A_214 : vector<1x64xf32> to vector<1x64xbf16>
      %dot_general3A_216 = arith.constant dense<0.000000e+00> : vector<1x256xf32>
      %dot_general3A_217 = tpu.matmul %convert_element_type3A_212, %get3A_42, %dot_general3A_216 {dimension_numbers = #tpu.dot_dimension_numbers<[1], [0], [0], [1], [0, 0, 1, 1], [], []>, transpose_lhs_hint = false} : vector<1x64xbf16>, vector<64x256xbf16>, vector<1x256xf32> -> vector<1x256xf32>
      %add3A_218 = arith.addf %slice3A_211, %dot_general3A_217 : vector<1x256xf32>
      %dot_general3A_219 = arith.constant dense<0.000000e+00> : vector<1x256xf32>
      %dot_general3A_220 = tpu.matmul %convert_element_type3A_212, %get3A_45, %dot_general3A_219 {dimension_numbers = #tpu.dot_dimension_numbers<[1], [0], [0], [1], [0, 0, 1, 1], [], []>, transpose_lhs_hint = false} : vector<1x64xbf16>, vector<64x256xbf16>, vector<1x256xf32> -> vector<1x256xf32>
      %add3A_221 = arith.addf %add3A_218, %dot_general3A_220 : vector<1x256xf32>
      %dot_general3A_222 = arith.constant dense<0.000000e+00> : vector<1x256xf32>
      %dot_general3A_223 = tpu.matmul %convert_element_type3A_215, %get3A_42, %dot_general3A_222 {dimension_numbers = #tpu.dot_dimension_numbers<[1], [0], [0], [1], [0, 0, 1, 1], [], []>, transpose_lhs_hint = false} : vector<1x64xbf16>, vector<64x256xbf16>, vector<1x256xf32> -> vector<1x256xf32>
      %add3A_224 = arith.addf %add3A_221, %dot_general3A_223 : vector<1x256xf32>
      %mul3A_225 = arith.constant 5.000000e-01 : f32
      %mul3A_226 = vector.broadcast %mul3A_225 : f32 to vector<1x256xf32>
      %mul3A_227 = arith.mulf %add3A_224, %mul3A_226 : vector<1x256xf32>
      %concatenate3A_228 = tpu.concatenate %mul3A_227, %add3A_224 in 0 : vector<1x256xf32>, vector<1x256xf32> -> vector<2x256xf32>
      %tanh3A_229 = math.tanh %concatenate3A_228 : vector<2x256xf32>
      %slice3A_230 = vector.extract_strided_slice %tanh3A_229 {offsets = [0, 0], sizes = [1, 256], strides = [1, 1]} : vector<2x256xf32> to vector<1x256xf32>
      %mul3A_231 = arith.constant 5.000000e-01 : f32
      %mul3A_232 = vector.broadcast %mul3A_231 : f32 to vector<1x256xf32>
      %mul3A_233 = arith.mulf %mul3A_232, %slice3A_230 : vector<1x256xf32>
      %add3A_234 = arith.constant 5.000000e-01 : f32
      %add3A_235 = vector.broadcast %add3A_234 : f32 to vector<1x256xf32>
      %add3A_236 = arith.addf %add3A_235, %mul3A_233 : vector<1x256xf32>
      %slice3A_237 = vector.extract_strided_slice %add3A_236 {offsets = [0, 0], sizes = [1, 64], strides = [1, 1]} : vector<1x256xf32> to vector<1x64xf32>
      %slice3A_238 = vector.extract_strided_slice %add3A_236 {offsets = [0, 64], sizes = [1, 64], strides = [1, 1]} : vector<1x256xf32> to vector<1x64xf32>
      %slice3A_239 = vector.extract_strided_slice %add3A_236 {offsets = [0, 192], sizes = [1, 64], strides = [1, 1]} : vector<1x256xf32> to vector<1x64xf32>
      %slice3A_240 = vector.extract_strided_slice %tanh3A_229 {offsets = [1, 128], sizes = [1, 64], strides = [1, 1]} : vector<2x256xf32> to vector<1x64xf32>
      %mul3A_241 = arith.mulf %slice3A_238, %add3A_208 : vector<1x64xf32>
      %mul3A_242 = arith.mulf %slice3A_237, %slice3A_240 : vector<1x64xf32>
      %add3A_243 = arith.addf %mul3A_241, %mul3A_242 : vector<1x64xf32>
      %tanh3A_244 = math.tanh %add3A_243 : vector<1x64xf32>
      %mul3A_245 = arith.mulf %slice3A_239, %tanh3A_244 : vector<1x64xf32>
      %slice3A_246 = vector.extract_strided_slice %get3A_109 {offsets = [4, 0], sizes = [1, 256], strides = [1, 1]} : vector<40x256xf32> to vector<1x256xf32>
      %convert_element_type3A_247 = arith.truncf %mul3A_245 : vector<1x64xf32> to vector<1x64xbf16>
      %convert_element_type3A_248 = arith.extf %convert_element_type3A_247 : vector<1x64xbf16> to vector<1x64xf32>
      %sub3A_249 = arith.subf %mul3A_245, %convert_element_type3A_248 : vector<1x64xf32>
      %convert_element_type3A_250 = arith.truncf %sub3A_249 : vector<1x64xf32> to vector<1x64xbf16>
      %dot_general3A_251 = arith.constant dense<0.000000e+00> : vector<1x256xf32>
      %dot_general3A_252 = tpu.matmul %convert_element_type3A_247, %get3A_42, %dot_general3A_251 {dimension_numbers = #tpu.dot_dimension_numbers<[1], [0], [0], [1], [0, 0, 1, 1], [], []>, transpose_lhs_hint = false} : vector<1x64xbf16>, vector<64x256xbf16>, vector<1x256xf32> -> vector<1x256xf32>
      %add3A_253 = arith.addf %slice3A_246, %dot_general3A_252 : vector<1x256xf32>
      %dot_general3A_254 = arith.constant dense<0.000000e+00> : vector<1x256xf32>
      %dot_general3A_255 = tpu.matmul %convert_element_type3A_247, %get3A_45, %dot_general3A_254 {dimension_numbers = #tpu.dot_dimension_numbers<[1], [0], [0], [1], [0, 0, 1, 1], [], []>, transpose_lhs_hint = false} : vector<1x64xbf16>, vector<64x256xbf16>, vector<1x256xf32> -> vector<1x256xf32>
      %add3A_256 = arith.addf %add3A_253, %dot_general3A_255 : vector<1x256xf32>
      %dot_general3A_257 = arith.constant dense<0.000000e+00> : vector<1x256xf32>
      %dot_general3A_258 = tpu.matmul %convert_element_type3A_250, %get3A_42, %dot_general3A_257 {dimension_numbers = #tpu.dot_dimension_numbers<[1], [0], [0], [1], [0, 0, 1, 1], [], []>, transpose_lhs_hint = false} : vector<1x64xbf16>, vector<64x256xbf16>, vector<1x256xf32> -> vector<1x256xf32>
      %add3A_259 = arith.addf %add3A_256, %dot_general3A_258 : vector<1x256xf32>
      %mul3A_260 = arith.constant 5.000000e-01 : f32
      %mul3A_261 = vector.broadcast %mul3A_260 : f32 to vector<1x256xf32>
      %mul3A_262 = arith.mulf %add3A_259, %mul3A_261 : vector<1x256xf32>
      %concatenate3A_263 = tpu.concatenate %mul3A_262, %add3A_259 in 0 : vector<1x256xf32>, vector<1x256xf32> -> vector<2x256xf32>
      %tanh3A_264 = math.tanh %concatenate3A_263 : vector<2x256xf32>
      %slice3A_265 = vector.extract_strided_slice %tanh3A_264 {offsets = [0, 0], sizes = [1, 256], strides = [1, 1]} : vector<2x256xf32> to vector<1x256xf32>
      %mul3A_266 = arith.constant 5.000000e-01 : f32
      %mul3A_267 = vector.broadcast %mul3A_266 : f32 to vector<1x256xf32>
      %mul3A_268 = arith.mulf %mul3A_267, %slice3A_265 : vector<1x256xf32>
      %add3A_269 = arith.constant 5.000000e-01 : f32
      %add3A_270 = vector.broadcast %add3A_269 : f32 to vector<1x256xf32>
      %add3A_271 = arith.addf %add3A_270, %mul3A_268 : vector<1x256xf32>
      %slice3A_272 = vector.extract_strided_slice %add3A_271 {offsets = [0, 0], sizes = [1, 64], strides = [1, 1]} : vector<1x256xf32> to vector<1x64xf32>
      %slice3A_273 = vector.extract_strided_slice %add3A_271 {offsets = [0, 64], sizes = [1, 64], strides = [1, 1]} : vector<1x256xf32> to vector<1x64xf32>
      %slice3A_274 = vector.extract_strided_slice %add3A_271 {offsets = [0, 192], sizes = [1, 64], strides = [1, 1]} : vector<1x256xf32> to vector<1x64xf32>
      %slice3A_275 = vector.extract_strided_slice %tanh3A_264 {offsets = [1, 128], sizes = [1, 64], strides = [1, 1]} : vector<2x256xf32> to vector<1x64xf32>
      %mul3A_276 = arith.mulf %slice3A_273, %add3A_243 : vector<1x64xf32>
      %mul3A_277 = arith.mulf %slice3A_272, %slice3A_275 : vector<1x64xf32>
      %add3A_278 = arith.addf %mul3A_276, %mul3A_277 : vector<1x64xf32>
      %tanh3A_279 = math.tanh %add3A_278 : vector<1x64xf32>
      %mul3A_280 = arith.mulf %slice3A_274, %tanh3A_279 : vector<1x64xf32>
      %slice3A_281 = vector.extract_strided_slice %get3A_109 {offsets = [5, 0], sizes = [1, 256], strides = [1, 1]} : vector<40x256xf32> to vector<1x256xf32>
      %convert_element_type3A_282 = arith.truncf %mul3A_280 : vector<1x64xf32> to vector<1x64xbf16>
      %convert_element_type3A_283 = arith.extf %convert_element_type3A_282 : vector<1x64xbf16> to vector<1x64xf32>
      %sub3A_284 = arith.subf %mul3A_280, %convert_element_type3A_283 : vector<1x64xf32>
      %convert_element_type3A_285 = arith.truncf %sub3A_284 : vector<1x64xf32> to vector<1x64xbf16>
      %dot_general3A_286 = arith.constant dense<0.000000e+00> : vector<1x256xf32>
      %dot_general3A_287 = tpu.matmul %convert_element_type3A_282, %get3A_42, %dot_general3A_286 {dimension_numbers = #tpu.dot_dimension_numbers<[1], [0], [0], [1], [0, 0, 1, 1], [], []>, transpose_lhs_hint = false} : vector<1x64xbf16>, vector<64x256xbf16>, vector<1x256xf32> -> vector<1x256xf32>
      %add3A_288 = arith.addf %slice3A_281, %dot_general3A_287 : vector<1x256xf32>
      %dot_general3A_289 = arith.constant dense<0.000000e+00> : vector<1x256xf32>
      %dot_general3A_290 = tpu.matmul %convert_element_type3A_282, %get3A_45, %dot_general3A_289 {dimension_numbers = #tpu.dot_dimension_numbers<[1], [0], [0], [1], [0, 0, 1, 1], [], []>, transpose_lhs_hint = false} : vector<1x64xbf16>, vector<64x256xbf16>, vector<1x256xf32> -> vector<1x256xf32>
      %add3A_291 = arith.addf %add3A_288, %dot_general3A_290 : vector<1x256xf32>
      %dot_general3A_292 = arith.constant dense<0.000000e+00> : vector<1x256xf32>
      %dot_general3A_293 = tpu.matmul %convert_element_type3A_285, %get3A_42, %dot_general3A_292 {dimension_numbers = #tpu.dot_dimension_numbers<[1], [0], [0], [1], [0, 0, 1, 1], [], []>, transpose_lhs_hint = false} : vector<1x64xbf16>, vector<64x256xbf16>, vector<1x256xf32> -> vector<1x256xf32>
      %add3A_294 = arith.addf %add3A_291, %dot_general3A_293 : vector<1x256xf32>
      %mul3A_295 = arith.constant 5.000000e-01 : f32
      %mul3A_296 = vector.broadcast %mul3A_295 : f32 to vector<1x256xf32>
      %mul3A_297 = arith.mulf %add3A_294, %mul3A_296 : vector<1x256xf32>
      %concatenate3A_298 = tpu.concatenate %mul3A_297, %add3A_294 in 0 : vector<1x256xf32>, vector<1x256xf32> -> vector<2x256xf32>
      %tanh3A_299 = math.tanh %concatenate3A_298 : vector<2x256xf32>
      %slice3A_300 = vector.extract_strided_slice %tanh3A_299 {offsets = [0, 0], sizes = [1, 256], strides = [1, 1]} : vector<2x256xf32> to vector<1x256xf32>
      %mul3A_301 = arith.constant 5.000000e-01 : f32
      %mul3A_302 = vector.broadcast %mul3A_301 : f32 to vector<1x256xf32>
      %mul3A_303 = arith.mulf %mul3A_302, %slice3A_300 : vector<1x256xf32>
      %add3A_304 = arith.constant 5.000000e-01 : f32
      %add3A_305 = vector.broadcast %add3A_304 : f32 to vector<1x256xf32>
      %add3A_306 = arith.addf %add3A_305, %mul3A_303 : vector<1x256xf32>
      %slice3A_307 = vector.extract_strided_slice %add3A_306 {offsets = [0, 0], sizes = [1, 64], strides = [1, 1]} : vector<1x256xf32> to vector<1x64xf32>
      %slice3A_308 = vector.extract_strided_slice %add3A_306 {offsets = [0, 64], sizes = [1, 64], strides = [1, 1]} : vector<1x256xf32> to vector<1x64xf32>
      %slice3A_309 = vector.extract_strided_slice %add3A_306 {offsets = [0, 192], sizes = [1, 64], strides = [1, 1]} : vector<1x256xf32> to vector<1x64xf32>
      %slice3A_310 = vector.extract_strided_slice %tanh3A_299 {offsets = [1, 128], sizes = [1, 64], strides = [1, 1]} : vector<2x256xf32> to vector<1x64xf32>
      %mul3A_311 = arith.mulf %slice3A_308, %add3A_278 : vector<1x64xf32>
      %mul3A_312 = arith.mulf %slice3A_307, %slice3A_310 : vector<1x64xf32>
      %add3A_313 = arith.addf %mul3A_311, %mul3A_312 : vector<1x64xf32>
      %tanh3A_314 = math.tanh %add3A_313 : vector<1x64xf32>
      %mul3A_315 = arith.mulf %slice3A_309, %tanh3A_314 : vector<1x64xf32>
      %slice3A_316 = vector.extract_strided_slice %get3A_109 {offsets = [6, 0], sizes = [1, 256], strides = [1, 1]} : vector<40x256xf32> to vector<1x256xf32>
      %convert_element_type3A_317 = arith.truncf %mul3A_315 : vector<1x64xf32> to vector<1x64xbf16>
      %convert_element_type3A_318 = arith.extf %convert_element_type3A_317 : vector<1x64xbf16> to vector<1x64xf32>
      %sub3A_319 = arith.subf %mul3A_315, %convert_element_type3A_318 : vector<1x64xf32>
      %convert_element_type3A_320 = arith.truncf %sub3A_319 : vector<1x64xf32> to vector<1x64xbf16>
      %dot_general3A_321 = arith.constant dense<0.000000e+00> : vector<1x256xf32>
      %dot_general3A_322 = tpu.matmul %convert_element_type3A_317, %get3A_42, %dot_general3A_321 {dimension_numbers = #tpu.dot_dimension_numbers<[1], [0], [0], [1], [0, 0, 1, 1], [], []>, transpose_lhs_hint = false} : vector<1x64xbf16>, vector<64x256xbf16>, vector<1x256xf32> -> vector<1x256xf32>
      %add3A_323 = arith.addf %slice3A_316, %dot_general3A_322 : vector<1x256xf32>
      %dot_general3A_324 = arith.constant dense<0.000000e+00> : vector<1x256xf32>
      %dot_general3A_325 = tpu.matmul %convert_element_type3A_317, %get3A_45, %dot_general3A_324 {dimension_numbers = #tpu.dot_dimension_numbers<[1], [0], [0], [1], [0, 0, 1, 1], [], []>, transpose_lhs_hint = false} : vector<1x64xbf16>, vector<64x256xbf16>, vector<1x256xf32> -> vector<1x256xf32>
      %add3A_326 = arith.addf %add3A_323, %dot_general3A_325 : vector<1x256xf32>
      %dot_general3A_327 = arith.constant dense<0.000000e+00> : vector<1x256xf32>
      %dot_general3A_328 = tpu.matmul %convert_element_type3A_320, %get3A_42, %dot_general3A_327 {dimension_numbers = #tpu.dot_dimension_numbers<[1], [0], [0], [1], [0, 0, 1, 1], [], []>, transpose_lhs_hint = false} : vector<1x64xbf16>, vector<64x256xbf16>, vector<1x256xf32> -> vector<1x256xf32>
      %add3A_329 = arith.addf %add3A_326, %dot_general3A_328 : vector<1x256xf32>
      %mul3A_330 = arith.constant 5.000000e-01 : f32
      %mul3A_331 = vector.broadcast %mul3A_330 : f32 to vector<1x256xf32>
      %mul3A_332 = arith.mulf %add3A_329, %mul3A_331 : vector<1x256xf32>
      %concatenate3A_333 = tpu.concatenate %mul3A_332, %add3A_329 in 0 : vector<1x256xf32>, vector<1x256xf32> -> vector<2x256xf32>
      %tanh3A_334 = math.tanh %concatenate3A_333 : vector<2x256xf32>
      %slice3A_335 = vector.extract_strided_slice %tanh3A_334 {offsets = [0, 0], sizes = [1, 256], strides = [1, 1]} : vector<2x256xf32> to vector<1x256xf32>
      %mul3A_336 = arith.constant 5.000000e-01 : f32
      %mul3A_337 = vector.broadcast %mul3A_336 : f32 to vector<1x256xf32>
      %mul3A_338 = arith.mulf %mul3A_337, %slice3A_335 : vector<1x256xf32>
      %add3A_339 = arith.constant 5.000000e-01 : f32
      %add3A_340 = vector.broadcast %add3A_339 : f32 to vector<1x256xf32>
      %add3A_341 = arith.addf %add3A_340, %mul3A_338 : vector<1x256xf32>
      %slice3A_342 = vector.extract_strided_slice %add3A_341 {offsets = [0, 0], sizes = [1, 64], strides = [1, 1]} : vector<1x256xf32> to vector<1x64xf32>
      %slice3A_343 = vector.extract_strided_slice %add3A_341 {offsets = [0, 64], sizes = [1, 64], strides = [1, 1]} : vector<1x256xf32> to vector<1x64xf32>
      %slice3A_344 = vector.extract_strided_slice %add3A_341 {offsets = [0, 192], sizes = [1, 64], strides = [1, 1]} : vector<1x256xf32> to vector<1x64xf32>
      %slice3A_345 = vector.extract_strided_slice %tanh3A_334 {offsets = [1, 128], sizes = [1, 64], strides = [1, 1]} : vector<2x256xf32> to vector<1x64xf32>
      %mul3A_346 = arith.mulf %slice3A_343, %add3A_313 : vector<1x64xf32>
      %mul3A_347 = arith.mulf %slice3A_342, %slice3A_345 : vector<1x64xf32>
      %add3A_348 = arith.addf %mul3A_346, %mul3A_347 : vector<1x64xf32>
      %tanh3A_349 = math.tanh %add3A_348 : vector<1x64xf32>
      %mul3A_350 = arith.mulf %slice3A_344, %tanh3A_349 : vector<1x64xf32>
      %slice3A_351 = vector.extract_strided_slice %get3A_109 {offsets = [7, 0], sizes = [1, 256], strides = [1, 1]} : vector<40x256xf32> to vector<1x256xf32>
      %convert_element_type3A_352 = arith.truncf %mul3A_350 : vector<1x64xf32> to vector<1x64xbf16>
      %convert_element_type3A_353 = arith.extf %convert_element_type3A_352 : vector<1x64xbf16> to vector<1x64xf32>
      %sub3A_354 = arith.subf %mul3A_350, %convert_element_type3A_353 : vector<1x64xf32>
      %convert_element_type3A_355 = arith.truncf %sub3A_354 : vector<1x64xf32> to vector<1x64xbf16>
      %dot_general3A_356 = arith.constant dense<0.000000e+00> : vector<1x256xf32>
      %dot_general3A_357 = tpu.matmul %convert_element_type3A_352, %get3A_42, %dot_general3A_356 {dimension_numbers = #tpu.dot_dimension_numbers<[1], [0], [0], [1], [0, 0, 1, 1], [], []>, transpose_lhs_hint = false} : vector<1x64xbf16>, vector<64x256xbf16>, vector<1x256xf32> -> vector<1x256xf32>
      %add3A_358 = arith.addf %slice3A_351, %dot_general3A_357 : vector<1x256xf32>
      %dot_general3A_359 = arith.constant dense<0.000000e+00> : vector<1x256xf32>
      %dot_general3A_360 = tpu.matmul %convert_element_type3A_352, %get3A_45, %dot_general3A_359 {dimension_numbers = #tpu.dot_dimension_numbers<[1], [0], [0], [1], [0, 0, 1, 1], [], []>, transpose_lhs_hint = false} : vector<1x64xbf16>, vector<64x256xbf16>, vector<1x256xf32> -> vector<1x256xf32>
      %add3A_361 = arith.addf %add3A_358, %dot_general3A_360 : vector<1x256xf32>
      %dot_general3A_362 = arith.constant dense<0.000000e+00> : vector<1x256xf32>
      %dot_general3A_363 = tpu.matmul %convert_element_type3A_355, %get3A_42, %dot_general3A_362 {dimension_numbers = #tpu.dot_dimension_numbers<[1], [0], [0], [1], [0, 0, 1, 1], [], []>, transpose_lhs_hint = false} : vector<1x64xbf16>, vector<64x256xbf16>, vector<1x256xf32> -> vector<1x256xf32>
      %add3A_364 = arith.addf %add3A_361, %dot_general3A_363 : vector<1x256xf32>
      %mul3A_365 = arith.constant 5.000000e-01 : f32
      %mul3A_366 = vector.broadcast %mul3A_365 : f32 to vector<1x256xf32>
      %mul3A_367 = arith.mulf %add3A_364, %mul3A_366 : vector<1x256xf32>
      %concatenate3A_368 = tpu.concatenate %mul3A_367, %add3A_364 in 0 : vector<1x256xf32>, vector<1x256xf32> -> vector<2x256xf32>
      %tanh3A_369 = math.tanh %concatenate3A_368 : vector<2x256xf32>
      %slice3A_370 = vector.extract_strided_slice %tanh3A_369 {offsets = [0, 0], sizes = [1, 256], strides = [1, 1]} : vector<2x256xf32> to vector<1x256xf32>
      %mul3A_371 = arith.constant 5.000000e-01 : f32
      %mul3A_372 = vector.broadcast %mul3A_371 : f32 to vector<1x256xf32>
      %mul3A_373 = arith.mulf %mul3A_372, %slice3A_370 : vector<1x256xf32>
      %add3A_374 = arith.constant 5.000000e-01 : f32
      %add3A_375 = vector.broadcast %add3A_374 : f32 to vector<1x256xf32>
      %add3A_376 = arith.addf %add3A_375, %mul3A_373 : vector<1x256xf32>
      %slice3A_377 = vector.extract_strided_slice %add3A_376 {offsets = [0, 0], sizes = [1, 64], strides = [1, 1]} : vector<1x256xf32> to vector<1x64xf32>
      %slice3A_378 = vector.extract_strided_slice %add3A_376 {offsets = [0, 64], sizes = [1, 64], strides = [1, 1]} : vector<1x256xf32> to vector<1x64xf32>
      %slice3A_379 = vector.extract_strided_slice %add3A_376 {offsets = [0, 192], sizes = [1, 64], strides = [1, 1]} : vector<1x256xf32> to vector<1x64xf32>
      %slice3A_380 = vector.extract_strided_slice %tanh3A_369 {offsets = [1, 128], sizes = [1, 64], strides = [1, 1]} : vector<2x256xf32> to vector<1x64xf32>
      %mul3A_381 = arith.mulf %slice3A_378, %add3A_348 : vector<1x64xf32>
      %mul3A_382 = arith.mulf %slice3A_377, %slice3A_380 : vector<1x64xf32>
      %add3A_383 = arith.addf %mul3A_381, %mul3A_382 : vector<1x64xf32>
      %tanh3A_384 = math.tanh %add3A_383 : vector<1x64xf32>
      %mul3A_385 = arith.mulf %slice3A_379, %tanh3A_384 : vector<1x64xf32>
      %slice3A_386 = vector.extract_strided_slice %get3A_109 {offsets = [8, 0], sizes = [1, 256], strides = [1, 1]} : vector<40x256xf32> to vector<1x256xf32>
      %convert_element_type3A_387 = arith.truncf %mul3A_385 : vector<1x64xf32> to vector<1x64xbf16>
      %convert_element_type3A_388 = arith.extf %convert_element_type3A_387 : vector<1x64xbf16> to vector<1x64xf32>
      %sub3A_389 = arith.subf %mul3A_385, %convert_element_type3A_388 : vector<1x64xf32>
      %convert_element_type3A_390 = arith.truncf %sub3A_389 : vector<1x64xf32> to vector<1x64xbf16>
      %dot_general3A_391 = arith.constant dense<0.000000e+00> : vector<1x256xf32>
      %dot_general3A_392 = tpu.matmul %convert_element_type3A_387, %get3A_42, %dot_general3A_391 {dimension_numbers = #tpu.dot_dimension_numbers<[1], [0], [0], [1], [0, 0, 1, 1], [], []>, transpose_lhs_hint = false} : vector<1x64xbf16>, vector<64x256xbf16>, vector<1x256xf32> -> vector<1x256xf32>
      %add3A_393 = arith.addf %slice3A_386, %dot_general3A_392 : vector<1x256xf32>
      %dot_general3A_394 = arith.constant dense<0.000000e+00> : vector<1x256xf32>
      %dot_general3A_395 = tpu.matmul %convert_element_type3A_387, %get3A_45, %dot_general3A_394 {dimension_numbers = #tpu.dot_dimension_numbers<[1], [0], [0], [1], [0, 0, 1, 1], [], []>, transpose_lhs_hint = false} : vector<1x64xbf16>, vector<64x256xbf16>, vector<1x256xf32> -> vector<1x256xf32>
      %add3A_396 = arith.addf %add3A_393, %dot_general3A_395 : vector<1x256xf32>
      %dot_general3A_397 = arith.constant dense<0.000000e+00> : vector<1x256xf32>
      %dot_general3A_398 = tpu.matmul %convert_element_type3A_390, %get3A_42, %dot_general3A_397 {dimension_numbers = #tpu.dot_dimension_numbers<[1], [0], [0], [1], [0, 0, 1, 1], [], []>, transpose_lhs_hint = false} : vector<1x64xbf16>, vector<64x256xbf16>, vector<1x256xf32> -> vector<1x256xf32>
      %add3A_399 = arith.addf %add3A_396, %dot_general3A_398 : vector<1x256xf32>
      %mul3A_400 = arith.constant 5.000000e-01 : f32
      %mul3A_401 = vector.broadcast %mul3A_400 : f32 to vector<1x256xf32>
      %mul3A_402 = arith.mulf %add3A_399, %mul3A_401 : vector<1x256xf32>
      %concatenate3A_403 = tpu.concatenate %mul3A_402, %add3A_399 in 0 : vector<1x256xf32>, vector<1x256xf32> -> vector<2x256xf32>
      %tanh3A_404 = math.tanh %concatenate3A_403 : vector<2x256xf32>
      %slice3A_405 = vector.extract_strided_slice %tanh3A_404 {offsets = [0, 0], sizes = [1, 256], strides = [1, 1]} : vector<2x256xf32> to vector<1x256xf32>
      %mul3A_406 = arith.constant 5.000000e-01 : f32
      %mul3A_407 = vector.broadcast %mul3A_406 : f32 to vector<1x256xf32>
      %mul3A_408 = arith.mulf %mul3A_407, %slice3A_405 : vector<1x256xf32>
      %add3A_409 = arith.constant 5.000000e-01 : f32
      %add3A_410 = vector.broadcast %add3A_409 : f32 to vector<1x256xf32>
      %add3A_411 = arith.addf %add3A_410, %mul3A_408 : vector<1x256xf32>
      %slice3A_412 = vector.extract_strided_slice %add3A_411 {offsets = [0, 0], sizes = [1, 64], strides = [1, 1]} : vector<1x256xf32> to vector<1x64xf32>
      %slice3A_413 = vector.extract_strided_slice %add3A_411 {offsets = [0, 64], sizes = [1, 64], strides = [1, 1]} : vector<1x256xf32> to vector<1x64xf32>
      %slice3A_414 = vector.extract_strided_slice %add3A_411 {offsets = [0, 192], sizes = [1, 64], strides = [1, 1]} : vector<1x256xf32> to vector<1x64xf32>
      %slice3A_415 = vector.extract_strided_slice %tanh3A_404 {offsets = [1, 128], sizes = [1, 64], strides = [1, 1]} : vector<2x256xf32> to vector<1x64xf32>
      %mul3A_416 = arith.mulf %slice3A_413, %add3A_383 : vector<1x64xf32>
      %mul3A_417 = arith.mulf %slice3A_412, %slice3A_415 : vector<1x64xf32>
      %add3A_418 = arith.addf %mul3A_416, %mul3A_417 : vector<1x64xf32>
      %tanh3A_419 = math.tanh %add3A_418 : vector<1x64xf32>
      %mul3A_420 = arith.mulf %slice3A_414, %tanh3A_419 : vector<1x64xf32>
      %slice3A_421 = vector.extract_strided_slice %get3A_109 {offsets = [9, 0], sizes = [1, 256], strides = [1, 1]} : vector<40x256xf32> to vector<1x256xf32>
      %convert_element_type3A_422 = arith.truncf %mul3A_420 : vector<1x64xf32> to vector<1x64xbf16>
      %convert_element_type3A_423 = arith.extf %convert_element_type3A_422 : vector<1x64xbf16> to vector<1x64xf32>
      %sub3A_424 = arith.subf %mul3A_420, %convert_element_type3A_423 : vector<1x64xf32>
      %convert_element_type3A_425 = arith.truncf %sub3A_424 : vector<1x64xf32> to vector<1x64xbf16>
      %dot_general3A_426 = arith.constant dense<0.000000e+00> : vector<1x256xf32>
      %dot_general3A_427 = tpu.matmul %convert_element_type3A_422, %get3A_42, %dot_general3A_426 {dimension_numbers = #tpu.dot_dimension_numbers<[1], [0], [0], [1], [0, 0, 1, 1], [], []>, transpose_lhs_hint = false} : vector<1x64xbf16>, vector<64x256xbf16>, vector<1x256xf32> -> vector<1x256xf32>
      %add3A_428 = arith.addf %slice3A_421, %dot_general3A_427 : vector<1x256xf32>
      %dot_general3A_429 = arith.constant dense<0.000000e+00> : vector<1x256xf32>
      %dot_general3A_430 = tpu.matmul %convert_element_type3A_422, %get3A_45, %dot_general3A_429 {dimension_numbers = #tpu.dot_dimension_numbers<[1], [0], [0], [1], [0, 0, 1, 1], [], []>, transpose_lhs_hint = false} : vector<1x64xbf16>, vector<64x256xbf16>, vector<1x256xf32> -> vector<1x256xf32>
      %add3A_431 = arith.addf %add3A_428, %dot_general3A_430 : vector<1x256xf32>
      %dot_general3A_432 = arith.constant dense<0.000000e+00> : vector<1x256xf32>
      %dot_general3A_433 = tpu.matmul %convert_element_type3A_425, %get3A_42, %dot_general3A_432 {dimension_numbers = #tpu.dot_dimension_numbers<[1], [0], [0], [1], [0, 0, 1, 1], [], []>, transpose_lhs_hint = false} : vector<1x64xbf16>, vector<64x256xbf16>, vector<1x256xf32> -> vector<1x256xf32>
      %add3A_434 = arith.addf %add3A_431, %dot_general3A_433 : vector<1x256xf32>
      %mul3A_435 = arith.constant 5.000000e-01 : f32
      %mul3A_436 = vector.broadcast %mul3A_435 : f32 to vector<1x256xf32>
      %mul3A_437 = arith.mulf %add3A_434, %mul3A_436 : vector<1x256xf32>
      %concatenate3A_438 = tpu.concatenate %mul3A_437, %add3A_434 in 0 : vector<1x256xf32>, vector<1x256xf32> -> vector<2x256xf32>
      %tanh3A_439 = math.tanh %concatenate3A_438 : vector<2x256xf32>
      %slice3A_440 = vector.extract_strided_slice %tanh3A_439 {offsets = [0, 0], sizes = [1, 256], strides = [1, 1]} : vector<2x256xf32> to vector<1x256xf32>
      %mul3A_441 = arith.constant 5.000000e-01 : f32
      %mul3A_442 = vector.broadcast %mul3A_441 : f32 to vector<1x256xf32>
      %mul3A_443 = arith.mulf %mul3A_442, %slice3A_440 : vector<1x256xf32>
      %add3A_444 = arith.constant 5.000000e-01 : f32
      %add3A_445 = vector.broadcast %add3A_444 : f32 to vector<1x256xf32>
      %add3A_446 = arith.addf %add3A_445, %mul3A_443 : vector<1x256xf32>
      %slice3A_447 = vector.extract_strided_slice %add3A_446 {offsets = [0, 0], sizes = [1, 64], strides = [1, 1]} : vector<1x256xf32> to vector<1x64xf32>
      %slice3A_448 = vector.extract_strided_slice %add3A_446 {offsets = [0, 64], sizes = [1, 64], strides = [1, 1]} : vector<1x256xf32> to vector<1x64xf32>
      %slice3A_449 = vector.extract_strided_slice %add3A_446 {offsets = [0, 192], sizes = [1, 64], strides = [1, 1]} : vector<1x256xf32> to vector<1x64xf32>
      %slice3A_450 = vector.extract_strided_slice %tanh3A_439 {offsets = [1, 128], sizes = [1, 64], strides = [1, 1]} : vector<2x256xf32> to vector<1x64xf32>
      %mul3A_451 = arith.mulf %slice3A_448, %add3A_418 : vector<1x64xf32>
      %mul3A_452 = arith.mulf %slice3A_447, %slice3A_450 : vector<1x64xf32>
      %add3A_453 = arith.addf %mul3A_451, %mul3A_452 : vector<1x64xf32>
      %tanh3A_454 = math.tanh %add3A_453 : vector<1x64xf32>
      %mul3A_455 = arith.mulf %slice3A_449, %tanh3A_454 : vector<1x64xf32>
      %slice3A_456 = vector.extract_strided_slice %get3A_109 {offsets = [10, 0], sizes = [1, 256], strides = [1, 1]} : vector<40x256xf32> to vector<1x256xf32>
      %convert_element_type3A_457 = arith.truncf %mul3A_455 : vector<1x64xf32> to vector<1x64xbf16>
      %convert_element_type3A_458 = arith.extf %convert_element_type3A_457 : vector<1x64xbf16> to vector<1x64xf32>
      %sub3A_459 = arith.subf %mul3A_455, %convert_element_type3A_458 : vector<1x64xf32>
      %convert_element_type3A_460 = arith.truncf %sub3A_459 : vector<1x64xf32> to vector<1x64xbf16>
      %dot_general3A_461 = arith.constant dense<0.000000e+00> : vector<1x256xf32>
      %dot_general3A_462 = tpu.matmul %convert_element_type3A_457, %get3A_42, %dot_general3A_461 {dimension_numbers = #tpu.dot_dimension_numbers<[1], [0], [0], [1], [0, 0, 1, 1], [], []>, transpose_lhs_hint = false} : vector<1x64xbf16>, vector<64x256xbf16>, vector<1x256xf32> -> vector<1x256xf32>
      %add3A_463 = arith.addf %slice3A_456, %dot_general3A_462 : vector<1x256xf32>
      %dot_general3A_464 = arith.constant dense<0.000000e+00> : vector<1x256xf32>
      %dot_general3A_465 = tpu.matmul %convert_element_type3A_457, %get3A_45, %dot_general3A_464 {dimension_numbers = #tpu.dot_dimension_numbers<[1], [0], [0], [1], [0, 0, 1, 1], [], []>, transpose_lhs_hint = false} : vector<1x64xbf16>, vector<64x256xbf16>, vector<1x256xf32> -> vector<1x256xf32>
      %add3A_466 = arith.addf %add3A_463, %dot_general3A_465 : vector<1x256xf32>
      %dot_general3A_467 = arith.constant dense<0.000000e+00> : vector<1x256xf32>
      %dot_general3A_468 = tpu.matmul %convert_element_type3A_460, %get3A_42, %dot_general3A_467 {dimension_numbers = #tpu.dot_dimension_numbers<[1], [0], [0], [1], [0, 0, 1, 1], [], []>, transpose_lhs_hint = false} : vector<1x64xbf16>, vector<64x256xbf16>, vector<1x256xf32> -> vector<1x256xf32>
      %add3A_469 = arith.addf %add3A_466, %dot_general3A_468 : vector<1x256xf32>
      %mul3A_470 = arith.constant 5.000000e-01 : f32
      %mul3A_471 = vector.broadcast %mul3A_470 : f32 to vector<1x256xf32>
      %mul3A_472 = arith.mulf %add3A_469, %mul3A_471 : vector<1x256xf32>
      %concatenate3A_473 = tpu.concatenate %mul3A_472, %add3A_469 in 0 : vector<1x256xf32>, vector<1x256xf32> -> vector<2x256xf32>
      %tanh3A_474 = math.tanh %concatenate3A_473 : vector<2x256xf32>
      %slice3A_475 = vector.extract_strided_slice %tanh3A_474 {offsets = [0, 0], sizes = [1, 256], strides = [1, 1]} : vector<2x256xf32> to vector<1x256xf32>
      %mul3A_476 = arith.constant 5.000000e-01 : f32
      %mul3A_477 = vector.broadcast %mul3A_476 : f32 to vector<1x256xf32>
      %mul3A_478 = arith.mulf %mul3A_477, %slice3A_475 : vector<1x256xf32>
      %add3A_479 = arith.constant 5.000000e-01 : f32
      %add3A_480 = vector.broadcast %add3A_479 : f32 to vector<1x256xf32>
      %add3A_481 = arith.addf %add3A_480, %mul3A_478 : vector<1x256xf32>
      %slice3A_482 = vector.extract_strided_slice %add3A_481 {offsets = [0, 0], sizes = [1, 64], strides = [1, 1]} : vector<1x256xf32> to vector<1x64xf32>
      %slice3A_483 = vector.extract_strided_slice %add3A_481 {offsets = [0, 64], sizes = [1, 64], strides = [1, 1]} : vector<1x256xf32> to vector<1x64xf32>
      %slice3A_484 = vector.extract_strided_slice %add3A_481 {offsets = [0, 192], sizes = [1, 64], strides = [1, 1]} : vector<1x256xf32> to vector<1x64xf32>
      %slice3A_485 = vector.extract_strided_slice %tanh3A_474 {offsets = [1, 128], sizes = [1, 64], strides = [1, 1]} : vector<2x256xf32> to vector<1x64xf32>
      %mul3A_486 = arith.mulf %slice3A_483, %add3A_453 : vector<1x64xf32>
      %mul3A_487 = arith.mulf %slice3A_482, %slice3A_485 : vector<1x64xf32>
      %add3A_488 = arith.addf %mul3A_486, %mul3A_487 : vector<1x64xf32>
      %tanh3A_489 = math.tanh %add3A_488 : vector<1x64xf32>
      %mul3A_490 = arith.mulf %slice3A_484, %tanh3A_489 : vector<1x64xf32>
      %slice3A_491 = vector.extract_strided_slice %get3A_109 {offsets = [11, 0], sizes = [1, 256], strides = [1, 1]} : vector<40x256xf32> to vector<1x256xf32>
      %convert_element_type3A_492 = arith.truncf %mul3A_490 : vector<1x64xf32> to vector<1x64xbf16>
      %convert_element_type3A_493 = arith.extf %convert_element_type3A_492 : vector<1x64xbf16> to vector<1x64xf32>
      %sub3A_494 = arith.subf %mul3A_490, %convert_element_type3A_493 : vector<1x64xf32>
      %convert_element_type3A_495 = arith.truncf %sub3A_494 : vector<1x64xf32> to vector<1x64xbf16>
      %dot_general3A_496 = arith.constant dense<0.000000e+00> : vector<1x256xf32>
      %dot_general3A_497 = tpu.matmul %convert_element_type3A_492, %get3A_42, %dot_general3A_496 {dimension_numbers = #tpu.dot_dimension_numbers<[1], [0], [0], [1], [0, 0, 1, 1], [], []>, transpose_lhs_hint = false} : vector<1x64xbf16>, vector<64x256xbf16>, vector<1x256xf32> -> vector<1x256xf32>
      %add3A_498 = arith.addf %slice3A_491, %dot_general3A_497 : vector<1x256xf32>
      %dot_general3A_499 = arith.constant dense<0.000000e+00> : vector<1x256xf32>
      %dot_general3A_500 = tpu.matmul %convert_element_type3A_492, %get3A_45, %dot_general3A_499 {dimension_numbers = #tpu.dot_dimension_numbers<[1], [0], [0], [1], [0, 0, 1, 1], [], []>, transpose_lhs_hint = false} : vector<1x64xbf16>, vector<64x256xbf16>, vector<1x256xf32> -> vector<1x256xf32>
      %add3A_501 = arith.addf %add3A_498, %dot_general3A_500 : vector<1x256xf32>
      %dot_general3A_502 = arith.constant dense<0.000000e+00> : vector<1x256xf32>
      %dot_general3A_503 = tpu.matmul %convert_element_type3A_495, %get3A_42, %dot_general3A_502 {dimension_numbers = #tpu.dot_dimension_numbers<[1], [0], [0], [1], [0, 0, 1, 1], [], []>, transpose_lhs_hint = false} : vector<1x64xbf16>, vector<64x256xbf16>, vector<1x256xf32> -> vector<1x256xf32>
      %add3A_504 = arith.addf %add3A_501, %dot_general3A_503 : vector<1x256xf32>
      %mul3A_505 = arith.constant 5.000000e-01 : f32
      %mul3A_506 = vector.broadcast %mul3A_505 : f32 to vector<1x256xf32>
      %mul3A_507 = arith.mulf %add3A_504, %mul3A_506 : vector<1x256xf32>
      %concatenate3A_508 = tpu.concatenate %mul3A_507, %add3A_504 in 0 : vector<1x256xf32>, vector<1x256xf32> -> vector<2x256xf32>
      %tanh3A_509 = math.tanh %concatenate3A_508 : vector<2x256xf32>
      %slice3A_510 = vector.extract_strided_slice %tanh3A_509 {offsets = [0, 0], sizes = [1, 256], strides = [1, 1]} : vector<2x256xf32> to vector<1x256xf32>
      %mul3A_511 = arith.constant 5.000000e-01 : f32
      %mul3A_512 = vector.broadcast %mul3A_511 : f32 to vector<1x256xf32>
      %mul3A_513 = arith.mulf %mul3A_512, %slice3A_510 : vector<1x256xf32>
      %add3A_514 = arith.constant 5.000000e-01 : f32
      %add3A_515 = vector.broadcast %add3A_514 : f32 to vector<1x256xf32>
      %add3A_516 = arith.addf %add3A_515, %mul3A_513 : vector<1x256xf32>
      %slice3A_517 = vector.extract_strided_slice %add3A_516 {offsets = [0, 0], sizes = [1, 64], strides = [1, 1]} : vector<1x256xf32> to vector<1x64xf32>
      %slice3A_518 = vector.extract_strided_slice %add3A_516 {offsets = [0, 64], sizes = [1, 64], strides = [1, 1]} : vector<1x256xf32> to vector<1x64xf32>
      %slice3A_519 = vector.extract_strided_slice %add3A_516 {offsets = [0, 192], sizes = [1, 64], strides = [1, 1]} : vector<1x256xf32> to vector<1x64xf32>
      %slice3A_520 = vector.extract_strided_slice %tanh3A_509 {offsets = [1, 128], sizes = [1, 64], strides = [1, 1]} : vector<2x256xf32> to vector<1x64xf32>
      %mul3A_521 = arith.mulf %slice3A_518, %add3A_488 : vector<1x64xf32>
      %mul3A_522 = arith.mulf %slice3A_517, %slice3A_520 : vector<1x64xf32>
      %add3A_523 = arith.addf %mul3A_521, %mul3A_522 : vector<1x64xf32>
      %tanh3A_524 = math.tanh %add3A_523 : vector<1x64xf32>
      %mul3A_525 = arith.mulf %slice3A_519, %tanh3A_524 : vector<1x64xf32>
      %slice3A_526 = vector.extract_strided_slice %get3A_109 {offsets = [12, 0], sizes = [1, 256], strides = [1, 1]} : vector<40x256xf32> to vector<1x256xf32>
      %convert_element_type3A_527 = arith.truncf %mul3A_525 : vector<1x64xf32> to vector<1x64xbf16>
      %convert_element_type3A_528 = arith.extf %convert_element_type3A_527 : vector<1x64xbf16> to vector<1x64xf32>
      %sub3A_529 = arith.subf %mul3A_525, %convert_element_type3A_528 : vector<1x64xf32>
      %convert_element_type3A_530 = arith.truncf %sub3A_529 : vector<1x64xf32> to vector<1x64xbf16>
      %dot_general3A_531 = arith.constant dense<0.000000e+00> : vector<1x256xf32>
      %dot_general3A_532 = tpu.matmul %convert_element_type3A_527, %get3A_42, %dot_general3A_531 {dimension_numbers = #tpu.dot_dimension_numbers<[1], [0], [0], [1], [0, 0, 1, 1], [], []>, transpose_lhs_hint = false} : vector<1x64xbf16>, vector<64x256xbf16>, vector<1x256xf32> -> vector<1x256xf32>
      %add3A_533 = arith.addf %slice3A_526, %dot_general3A_532 : vector<1x256xf32>
      %dot_general3A_534 = arith.constant dense<0.000000e+00> : vector<1x256xf32>
      %dot_general3A_535 = tpu.matmul %convert_element_type3A_527, %get3A_45, %dot_general3A_534 {dimension_numbers = #tpu.dot_dimension_numbers<[1], [0], [0], [1], [0, 0, 1, 1], [], []>, transpose_lhs_hint = false} : vector<1x64xbf16>, vector<64x256xbf16>, vector<1x256xf32> -> vector<1x256xf32>
      %add3A_536 = arith.addf %add3A_533, %dot_general3A_535 : vector<1x256xf32>
      %dot_general3A_537 = arith.constant dense<0.000000e+00> : vector<1x256xf32>
      %dot_general3A_538 = tpu.matmul %convert_element_type3A_530, %get3A_42, %dot_general3A_537 {dimension_numbers = #tpu.dot_dimension_numbers<[1], [0], [0], [1], [0, 0, 1, 1], [], []>, transpose_lhs_hint = false} : vector<1x64xbf16>, vector<64x256xbf16>, vector<1x256xf32> -> vector<1x256xf32>
      %add3A_539 = arith.addf %add3A_536, %dot_general3A_538 : vector<1x256xf32>
      %mul3A_540 = arith.constant 5.000000e-01 : f32
      %mul3A_541 = vector.broadcast %mul3A_540 : f32 to vector<1x256xf32>
      %mul3A_542 = arith.mulf %add3A_539, %mul3A_541 : vector<1x256xf32>
      %concatenate3A_543 = tpu.concatenate %mul3A_542, %add3A_539 in 0 : vector<1x256xf32>, vector<1x256xf32> -> vector<2x256xf32>
      %tanh3A_544 = math.tanh %concatenate3A_543 : vector<2x256xf32>
      %slice3A_545 = vector.extract_strided_slice %tanh3A_544 {offsets = [0, 0], sizes = [1, 256], strides = [1, 1]} : vector<2x256xf32> to vector<1x256xf32>
      %mul3A_546 = arith.constant 5.000000e-01 : f32
      %mul3A_547 = vector.broadcast %mul3A_546 : f32 to vector<1x256xf32>
      %mul3A_548 = arith.mulf %mul3A_547, %slice3A_545 : vector<1x256xf32>
      %add3A_549 = arith.constant 5.000000e-01 : f32
      %add3A_550 = vector.broadcast %add3A_549 : f32 to vector<1x256xf32>
      %add3A_551 = arith.addf %add3A_550, %mul3A_548 : vector<1x256xf32>
      %slice3A_552 = vector.extract_strided_slice %add3A_551 {offsets = [0, 0], sizes = [1, 64], strides = [1, 1]} : vector<1x256xf32> to vector<1x64xf32>
      %slice3A_553 = vector.extract_strided_slice %add3A_551 {offsets = [0, 64], sizes = [1, 64], strides = [1, 1]} : vector<1x256xf32> to vector<1x64xf32>
      %slice3A_554 = vector.extract_strided_slice %add3A_551 {offsets = [0, 192], sizes = [1, 64], strides = [1, 1]} : vector<1x256xf32> to vector<1x64xf32>
      %slice3A_555 = vector.extract_strided_slice %tanh3A_544 {offsets = [1, 128], sizes = [1, 64], strides = [1, 1]} : vector<2x256xf32> to vector<1x64xf32>
      %mul3A_556 = arith.mulf %slice3A_553, %add3A_523 : vector<1x64xf32>
      %mul3A_557 = arith.mulf %slice3A_552, %slice3A_555 : vector<1x64xf32>
      %add3A_558 = arith.addf %mul3A_556, %mul3A_557 : vector<1x64xf32>
      %tanh3A_559 = math.tanh %add3A_558 : vector<1x64xf32>
      %mul3A_560 = arith.mulf %slice3A_554, %tanh3A_559 : vector<1x64xf32>
      %slice3A_561 = vector.extract_strided_slice %get3A_109 {offsets = [13, 0], sizes = [1, 256], strides = [1, 1]} : vector<40x256xf32> to vector<1x256xf32>
      %convert_element_type3A_562 = arith.truncf %mul3A_560 : vector<1x64xf32> to vector<1x64xbf16>
      %convert_element_type3A_563 = arith.extf %convert_element_type3A_562 : vector<1x64xbf16> to vector<1x64xf32>
      %sub3A_564 = arith.subf %mul3A_560, %convert_element_type3A_563 : vector<1x64xf32>
      %convert_element_type3A_565 = arith.truncf %sub3A_564 : vector<1x64xf32> to vector<1x64xbf16>
      %dot_general3A_566 = arith.constant dense<0.000000e+00> : vector<1x256xf32>
      %dot_general3A_567 = tpu.matmul %convert_element_type3A_562, %get3A_42, %dot_general3A_566 {dimension_numbers = #tpu.dot_dimension_numbers<[1], [0], [0], [1], [0, 0, 1, 1], [], []>, transpose_lhs_hint = false} : vector<1x64xbf16>, vector<64x256xbf16>, vector<1x256xf32> -> vector<1x256xf32>
      %add3A_568 = arith.addf %slice3A_561, %dot_general3A_567 : vector<1x256xf32>
      %dot_general3A_569 = arith.constant dense<0.000000e+00> : vector<1x256xf32>
      %dot_general3A_570 = tpu.matmul %convert_element_type3A_562, %get3A_45, %dot_general3A_569 {dimension_numbers = #tpu.dot_dimension_numbers<[1], [0], [0], [1], [0, 0, 1, 1], [], []>, transpose_lhs_hint = false} : vector<1x64xbf16>, vector<64x256xbf16>, vector<1x256xf32> -> vector<1x256xf32>
      %add3A_571 = arith.addf %add3A_568, %dot_general3A_570 : vector<1x256xf32>
      %dot_general3A_572 = arith.constant dense<0.000000e+00> : vector<1x256xf32>
      %dot_general3A_573 = tpu.matmul %convert_element_type3A_565, %get3A_42, %dot_general3A_572 {dimension_numbers = #tpu.dot_dimension_numbers<[1], [0], [0], [1], [0, 0, 1, 1], [], []>, transpose_lhs_hint = false} : vector<1x64xbf16>, vector<64x256xbf16>, vector<1x256xf32> -> vector<1x256xf32>
      %add3A_574 = arith.addf %add3A_571, %dot_general3A_573 : vector<1x256xf32>
      %mul3A_575 = arith.constant 5.000000e-01 : f32
      %mul3A_576 = vector.broadcast %mul3A_575 : f32 to vector<1x256xf32>
      %mul3A_577 = arith.mulf %add3A_574, %mul3A_576 : vector<1x256xf32>
      %concatenate3A_578 = tpu.concatenate %mul3A_577, %add3A_574 in 0 : vector<1x256xf32>, vector<1x256xf32> -> vector<2x256xf32>
      %tanh3A_579 = math.tanh %concatenate3A_578 : vector<2x256xf32>
      %slice3A_580 = vector.extract_strided_slice %tanh3A_579 {offsets = [0, 0], sizes = [1, 256], strides = [1, 1]} : vector<2x256xf32> to vector<1x256xf32>
      %mul3A_581 = arith.constant 5.000000e-01 : f32
      %mul3A_582 = vector.broadcast %mul3A_581 : f32 to vector<1x256xf32>
      %mul3A_583 = arith.mulf %mul3A_582, %slice3A_580 : vector<1x256xf32>
      %add3A_584 = arith.constant 5.000000e-01 : f32
      %add3A_585 = vector.broadcast %add3A_584 : f32 to vector<1x256xf32>
      %add3A_586 = arith.addf %add3A_585, %mul3A_583 : vector<1x256xf32>
      %slice3A_587 = vector.extract_strided_slice %add3A_586 {offsets = [0, 0], sizes = [1, 64], strides = [1, 1]} : vector<1x256xf32> to vector<1x64xf32>
      %slice3A_588 = vector.extract_strided_slice %add3A_586 {offsets = [0, 64], sizes = [1, 64], strides = [1, 1]} : vector<1x256xf32> to vector<1x64xf32>
      %slice3A_589 = vector.extract_strided_slice %add3A_586 {offsets = [0, 192], sizes = [1, 64], strides = [1, 1]} : vector<1x256xf32> to vector<1x64xf32>
      %slice3A_590 = vector.extract_strided_slice %tanh3A_579 {offsets = [1, 128], sizes = [1, 64], strides = [1, 1]} : vector<2x256xf32> to vector<1x64xf32>
      %mul3A_591 = arith.mulf %slice3A_588, %add3A_558 : vector<1x64xf32>
      %mul3A_592 = arith.mulf %slice3A_587, %slice3A_590 : vector<1x64xf32>
      %add3A_593 = arith.addf %mul3A_591, %mul3A_592 : vector<1x64xf32>
      %tanh3A_594 = math.tanh %add3A_593 : vector<1x64xf32>
      %mul3A_595 = arith.mulf %slice3A_589, %tanh3A_594 : vector<1x64xf32>
      %slice3A_596 = vector.extract_strided_slice %get3A_109 {offsets = [14, 0], sizes = [1, 256], strides = [1, 1]} : vector<40x256xf32> to vector<1x256xf32>
      %convert_element_type3A_597 = arith.truncf %mul3A_595 : vector<1x64xf32> to vector<1x64xbf16>
      %convert_element_type3A_598 = arith.extf %convert_element_type3A_597 : vector<1x64xbf16> to vector<1x64xf32>
      %sub3A_599 = arith.subf %mul3A_595, %convert_element_type3A_598 : vector<1x64xf32>
      %convert_element_type3A_600 = arith.truncf %sub3A_599 : vector<1x64xf32> to vector<1x64xbf16>
      %dot_general3A_601 = arith.constant dense<0.000000e+00> : vector<1x256xf32>
      %dot_general3A_602 = tpu.matmul %convert_element_type3A_597, %get3A_42, %dot_general3A_601 {dimension_numbers = #tpu.dot_dimension_numbers<[1], [0], [0], [1], [0, 0, 1, 1], [], []>, transpose_lhs_hint = false} : vector<1x64xbf16>, vector<64x256xbf16>, vector<1x256xf32> -> vector<1x256xf32>
      %add3A_603 = arith.addf %slice3A_596, %dot_general3A_602 : vector<1x256xf32>
      %dot_general3A_604 = arith.constant dense<0.000000e+00> : vector<1x256xf32>
      %dot_general3A_605 = tpu.matmul %convert_element_type3A_597, %get3A_45, %dot_general3A_604 {dimension_numbers = #tpu.dot_dimension_numbers<[1], [0], [0], [1], [0, 0, 1, 1], [], []>, transpose_lhs_hint = false} : vector<1x64xbf16>, vector<64x256xbf16>, vector<1x256xf32> -> vector<1x256xf32>
      %add3A_606 = arith.addf %add3A_603, %dot_general3A_605 : vector<1x256xf32>
      %dot_general3A_607 = arith.constant dense<0.000000e+00> : vector<1x256xf32>
      %dot_general3A_608 = tpu.matmul %convert_element_type3A_600, %get3A_42, %dot_general3A_607 {dimension_numbers = #tpu.dot_dimension_numbers<[1], [0], [0], [1], [0, 0, 1, 1], [], []>, transpose_lhs_hint = false} : vector<1x64xbf16>, vector<64x256xbf16>, vector<1x256xf32> -> vector<1x256xf32>
      %add3A_609 = arith.addf %add3A_606, %dot_general3A_608 : vector<1x256xf32>
      %mul3A_610 = arith.constant 5.000000e-01 : f32
      %mul3A_611 = vector.broadcast %mul3A_610 : f32 to vector<1x256xf32>
      %mul3A_612 = arith.mulf %add3A_609, %mul3A_611 : vector<1x256xf32>
      %concatenate3A_613 = tpu.concatenate %mul3A_612, %add3A_609 in 0 : vector<1x256xf32>, vector<1x256xf32> -> vector<2x256xf32>
      %tanh3A_614 = math.tanh %concatenate3A_613 : vector<2x256xf32>
      %slice3A_615 = vector.extract_strided_slice %tanh3A_614 {offsets = [0, 0], sizes = [1, 256], strides = [1, 1]} : vector<2x256xf32> to vector<1x256xf32>
      %mul3A_616 = arith.constant 5.000000e-01 : f32
      %mul3A_617 = vector.broadcast %mul3A_616 : f32 to vector<1x256xf32>
      %mul3A_618 = arith.mulf %mul3A_617, %slice3A_615 : vector<1x256xf32>
      %add3A_619 = arith.constant 5.000000e-01 : f32
      %add3A_620 = vector.broadcast %add3A_619 : f32 to vector<1x256xf32>
      %add3A_621 = arith.addf %add3A_620, %mul3A_618 : vector<1x256xf32>
      %slice3A_622 = vector.extract_strided_slice %add3A_621 {offsets = [0, 0], sizes = [1, 64], strides = [1, 1]} : vector<1x256xf32> to vector<1x64xf32>
      %slice3A_623 = vector.extract_strided_slice %add3A_621 {offsets = [0, 64], sizes = [1, 64], strides = [1, 1]} : vector<1x256xf32> to vector<1x64xf32>
      %slice3A_624 = vector.extract_strided_slice %add3A_621 {offsets = [0, 192], sizes = [1, 64], strides = [1, 1]} : vector<1x256xf32> to vector<1x64xf32>
      %slice3A_625 = vector.extract_strided_slice %tanh3A_614 {offsets = [1, 128], sizes = [1, 64], strides = [1, 1]} : vector<2x256xf32> to vector<1x64xf32>
      %mul3A_626 = arith.mulf %slice3A_623, %add3A_593 : vector<1x64xf32>
      %mul3A_627 = arith.mulf %slice3A_622, %slice3A_625 : vector<1x64xf32>
      %add3A_628 = arith.addf %mul3A_626, %mul3A_627 : vector<1x64xf32>
      %tanh3A_629 = math.tanh %add3A_628 : vector<1x64xf32>
      %mul3A_630 = arith.mulf %slice3A_624, %tanh3A_629 : vector<1x64xf32>
      %slice3A_631 = vector.extract_strided_slice %get3A_109 {offsets = [15, 0], sizes = [1, 256], strides = [1, 1]} : vector<40x256xf32> to vector<1x256xf32>
      %convert_element_type3A_632 = arith.truncf %mul3A_630 : vector<1x64xf32> to vector<1x64xbf16>
      %convert_element_type3A_633 = arith.extf %convert_element_type3A_632 : vector<1x64xbf16> to vector<1x64xf32>
      %sub3A_634 = arith.subf %mul3A_630, %convert_element_type3A_633 : vector<1x64xf32>
      %convert_element_type3A_635 = arith.truncf %sub3A_634 : vector<1x64xf32> to vector<1x64xbf16>
      %dot_general3A_636 = arith.constant dense<0.000000e+00> : vector<1x256xf32>
      %dot_general3A_637 = tpu.matmul %convert_element_type3A_632, %get3A_42, %dot_general3A_636 {dimension_numbers = #tpu.dot_dimension_numbers<[1], [0], [0], [1], [0, 0, 1, 1], [], []>, transpose_lhs_hint = false} : vector<1x64xbf16>, vector<64x256xbf16>, vector<1x256xf32> -> vector<1x256xf32>
      %add3A_638 = arith.addf %slice3A_631, %dot_general3A_637 : vector<1x256xf32>
      %dot_general3A_639 = arith.constant dense<0.000000e+00> : vector<1x256xf32>
      %dot_general3A_640 = tpu.matmul %convert_element_type3A_632, %get3A_45, %dot_general3A_639 {dimension_numbers = #tpu.dot_dimension_numbers<[1], [0], [0], [1], [0, 0, 1, 1], [], []>, transpose_lhs_hint = false} : vector<1x64xbf16>, vector<64x256xbf16>, vector<1x256xf32> -> vector<1x256xf32>
      %add3A_641 = arith.addf %add3A_638, %dot_general3A_640 : vector<1x256xf32>
      %dot_general3A_642 = arith.constant dense<0.000000e+00> : vector<1x256xf32>
      %dot_general3A_643 = tpu.matmul %convert_element_type3A_635, %get3A_42, %dot_general3A_642 {dimension_numbers = #tpu.dot_dimension_numbers<[1], [0], [0], [1], [0, 0, 1, 1], [], []>, transpose_lhs_hint = false} : vector<1x64xbf16>, vector<64x256xbf16>, vector<1x256xf32> -> vector<1x256xf32>
      %add3A_644 = arith.addf %add3A_641, %dot_general3A_643 : vector<1x256xf32>
      %mul3A_645 = arith.constant 5.000000e-01 : f32
      %mul3A_646 = vector.broadcast %mul3A_645 : f32 to vector<1x256xf32>
      %mul3A_647 = arith.mulf %add3A_644, %mul3A_646 : vector<1x256xf32>
      %concatenate3A_648 = tpu.concatenate %mul3A_647, %add3A_644 in 0 : vector<1x256xf32>, vector<1x256xf32> -> vector<2x256xf32>
      %tanh3A_649 = math.tanh %concatenate3A_648 : vector<2x256xf32>
      %slice3A_650 = vector.extract_strided_slice %tanh3A_649 {offsets = [0, 0], sizes = [1, 256], strides = [1, 1]} : vector<2x256xf32> to vector<1x256xf32>
      %mul3A_651 = arith.constant 5.000000e-01 : f32
      %mul3A_652 = vector.broadcast %mul3A_651 : f32 to vector<1x256xf32>
      %mul3A_653 = arith.mulf %mul3A_652, %slice3A_650 : vector<1x256xf32>
      %add3A_654 = arith.constant 5.000000e-01 : f32
      %add3A_655 = vector.broadcast %add3A_654 : f32 to vector<1x256xf32>
      %add3A_656 = arith.addf %add3A_655, %mul3A_653 : vector<1x256xf32>
      %slice3A_657 = vector.extract_strided_slice %add3A_656 {offsets = [0, 0], sizes = [1, 64], strides = [1, 1]} : vector<1x256xf32> to vector<1x64xf32>
      %slice3A_658 = vector.extract_strided_slice %add3A_656 {offsets = [0, 64], sizes = [1, 64], strides = [1, 1]} : vector<1x256xf32> to vector<1x64xf32>
      %slice3A_659 = vector.extract_strided_slice %add3A_656 {offsets = [0, 192], sizes = [1, 64], strides = [1, 1]} : vector<1x256xf32> to vector<1x64xf32>
      %slice3A_660 = vector.extract_strided_slice %tanh3A_649 {offsets = [1, 128], sizes = [1, 64], strides = [1, 1]} : vector<2x256xf32> to vector<1x64xf32>
      %mul3A_661 = arith.mulf %slice3A_658, %add3A_628 : vector<1x64xf32>
      %mul3A_662 = arith.mulf %slice3A_657, %slice3A_660 : vector<1x64xf32>
      %add3A_663 = arith.addf %mul3A_661, %mul3A_662 : vector<1x64xf32>
      %tanh3A_664 = math.tanh %add3A_663 : vector<1x64xf32>
      %mul3A_665 = arith.mulf %slice3A_659, %tanh3A_664 : vector<1x64xf32>
      %slice3A_666 = vector.extract_strided_slice %get3A_109 {offsets = [16, 0], sizes = [1, 256], strides = [1, 1]} : vector<40x256xf32> to vector<1x256xf32>
      %convert_element_type3A_667 = arith.truncf %mul3A_665 : vector<1x64xf32> to vector<1x64xbf16>
      %convert_element_type3A_668 = arith.extf %convert_element_type3A_667 : vector<1x64xbf16> to vector<1x64xf32>
      %sub3A_669 = arith.subf %mul3A_665, %convert_element_type3A_668 : vector<1x64xf32>
      %convert_element_type3A_670 = arith.truncf %sub3A_669 : vector<1x64xf32> to vector<1x64xbf16>
      %dot_general3A_671 = arith.constant dense<0.000000e+00> : vector<1x256xf32>
      %dot_general3A_672 = tpu.matmul %convert_element_type3A_667, %get3A_42, %dot_general3A_671 {dimension_numbers = #tpu.dot_dimension_numbers<[1], [0], [0], [1], [0, 0, 1, 1], [], []>, transpose_lhs_hint = false} : vector<1x64xbf16>, vector<64x256xbf16>, vector<1x256xf32> -> vector<1x256xf32>
      %add3A_673 = arith.addf %slice3A_666, %dot_general3A_672 : vector<1x256xf32>
      %dot_general3A_674 = arith.constant dense<0.000000e+00> : vector<1x256xf32>
      %dot_general3A_675 = tpu.matmul %convert_element_type3A_667, %get3A_45, %dot_general3A_674 {dimension_numbers = #tpu.dot_dimension_numbers<[1], [0], [0], [1], [0, 0, 1, 1], [], []>, transpose_lhs_hint = false} : vector<1x64xbf16>, vector<64x256xbf16>, vector<1x256xf32> -> vector<1x256xf32>
      %add3A_676 = arith.addf %add3A_673, %dot_general3A_675 : vector<1x256xf32>
      %dot_general3A_677 = arith.constant dense<0.000000e+00> : vector<1x256xf32>
      %dot_general3A_678 = tpu.matmul %convert_element_type3A_670, %get3A_42, %dot_general3A_677 {dimension_numbers = #tpu.dot_dimension_numbers<[1], [0], [0], [1], [0, 0, 1, 1], [], []>, transpose_lhs_hint = false} : vector<1x64xbf16>, vector<64x256xbf16>, vector<1x256xf32> -> vector<1x256xf32>
      %add3A_679 = arith.addf %add3A_676, %dot_general3A_678 : vector<1x256xf32>
      %mul3A_680 = arith.constant 5.000000e-01 : f32
      %mul3A_681 = vector.broadcast %mul3A_680 : f32 to vector<1x256xf32>
      %mul3A_682 = arith.mulf %add3A_679, %mul3A_681 : vector<1x256xf32>
      %concatenate3A_683 = tpu.concatenate %mul3A_682, %add3A_679 in 0 : vector<1x256xf32>, vector<1x256xf32> -> vector<2x256xf32>
      %tanh3A_684 = math.tanh %concatenate3A_683 : vector<2x256xf32>
      %slice3A_685 = vector.extract_strided_slice %tanh3A_684 {offsets = [0, 0], sizes = [1, 256], strides = [1, 1]} : vector<2x256xf32> to vector<1x256xf32>
      %mul3A_686 = arith.constant 5.000000e-01 : f32
      %mul3A_687 = vector.broadcast %mul3A_686 : f32 to vector<1x256xf32>
      %mul3A_688 = arith.mulf %mul3A_687, %slice3A_685 : vector<1x256xf32>
      %add3A_689 = arith.constant 5.000000e-01 : f32
      %add3A_690 = vector.broadcast %add3A_689 : f32 to vector<1x256xf32>
      %add3A_691 = arith.addf %add3A_690, %mul3A_688 : vector<1x256xf32>
      %slice3A_692 = vector.extract_strided_slice %add3A_691 {offsets = [0, 0], sizes = [1, 64], strides = [1, 1]} : vector<1x256xf32> to vector<1x64xf32>
      %slice3A_693 = vector.extract_strided_slice %add3A_691 {offsets = [0, 64], sizes = [1, 64], strides = [1, 1]} : vector<1x256xf32> to vector<1x64xf32>
      %slice3A_694 = vector.extract_strided_slice %add3A_691 {offsets = [0, 192], sizes = [1, 64], strides = [1, 1]} : vector<1x256xf32> to vector<1x64xf32>
      %slice3A_695 = vector.extract_strided_slice %tanh3A_684 {offsets = [1, 128], sizes = [1, 64], strides = [1, 1]} : vector<2x256xf32> to vector<1x64xf32>
      %mul3A_696 = arith.mulf %slice3A_693, %add3A_663 : vector<1x64xf32>
      %mul3A_697 = arith.mulf %slice3A_692, %slice3A_695 : vector<1x64xf32>
      %add3A_698 = arith.addf %mul3A_696, %mul3A_697 : vector<1x64xf32>
      %tanh3A_699 = math.tanh %add3A_698 : vector<1x64xf32>
      %mul3A_700 = arith.mulf %slice3A_694, %tanh3A_699 : vector<1x64xf32>
      %slice3A_701 = vector.extract_strided_slice %get3A_109 {offsets = [17, 0], sizes = [1, 256], strides = [1, 1]} : vector<40x256xf32> to vector<1x256xf32>
      %convert_element_type3A_702 = arith.truncf %mul3A_700 : vector<1x64xf32> to vector<1x64xbf16>
      %convert_element_type3A_703 = arith.extf %convert_element_type3A_702 : vector<1x64xbf16> to vector<1x64xf32>
      %sub3A_704 = arith.subf %mul3A_700, %convert_element_type3A_703 : vector<1x64xf32>
      %convert_element_type3A_705 = arith.truncf %sub3A_704 : vector<1x64xf32> to vector<1x64xbf16>
      %dot_general3A_706 = arith.constant dense<0.000000e+00> : vector<1x256xf32>
      %dot_general3A_707 = tpu.matmul %convert_element_type3A_702, %get3A_42, %dot_general3A_706 {dimension_numbers = #tpu.dot_dimension_numbers<[1], [0], [0], [1], [0, 0, 1, 1], [], []>, transpose_lhs_hint = false} : vector<1x64xbf16>, vector<64x256xbf16>, vector<1x256xf32> -> vector<1x256xf32>
      %add3A_708 = arith.addf %slice3A_701, %dot_general3A_707 : vector<1x256xf32>
      %dot_general3A_709 = arith.constant dense<0.000000e+00> : vector<1x256xf32>
      %dot_general3A_710 = tpu.matmul %convert_element_type3A_702, %get3A_45, %dot_general3A_709 {dimension_numbers = #tpu.dot_dimension_numbers<[1], [0], [0], [1], [0, 0, 1, 1], [], []>, transpose_lhs_hint = false} : vector<1x64xbf16>, vector<64x256xbf16>, vector<1x256xf32> -> vector<1x256xf32>
      %add3A_711 = arith.addf %add3A_708, %dot_general3A_710 : vector<1x256xf32>
      %dot_general3A_712 = arith.constant dense<0.000000e+00> : vector<1x256xf32>
      %dot_general3A_713 = tpu.matmul %convert_element_type3A_705, %get3A_42, %dot_general3A_712 {dimension_numbers = #tpu.dot_dimension_numbers<[1], [0], [0], [1], [0, 0, 1, 1], [], []>, transpose_lhs_hint = false} : vector<1x64xbf16>, vector<64x256xbf16>, vector<1x256xf32> -> vector<1x256xf32>
      %add3A_714 = arith.addf %add3A_711, %dot_general3A_713 : vector<1x256xf32>
      %mul3A_715 = arith.constant 5.000000e-01 : f32
      %mul3A_716 = vector.broadcast %mul3A_715 : f32 to vector<1x256xf32>
      %mul3A_717 = arith.mulf %add3A_714, %mul3A_716 : vector<1x256xf32>
      %concatenate3A_718 = tpu.concatenate %mul3A_717, %add3A_714 in 0 : vector<1x256xf32>, vector<1x256xf32> -> vector<2x256xf32>
      %tanh3A_719 = math.tanh %concatenate3A_718 : vector<2x256xf32>
      %slice3A_720 = vector.extract_strided_slice %tanh3A_719 {offsets = [0, 0], sizes = [1, 256], strides = [1, 1]} : vector<2x256xf32> to vector<1x256xf32>
      %mul3A_721 = arith.constant 5.000000e-01 : f32
      %mul3A_722 = vector.broadcast %mul3A_721 : f32 to vector<1x256xf32>
      %mul3A_723 = arith.mulf %mul3A_722, %slice3A_720 : vector<1x256xf32>
      %add3A_724 = arith.constant 5.000000e-01 : f32
      %add3A_725 = vector.broadcast %add3A_724 : f32 to vector<1x256xf32>
      %add3A_726 = arith.addf %add3A_725, %mul3A_723 : vector<1x256xf32>
      %slice3A_727 = vector.extract_strided_slice %add3A_726 {offsets = [0, 0], sizes = [1, 64], strides = [1, 1]} : vector<1x256xf32> to vector<1x64xf32>
      %slice3A_728 = vector.extract_strided_slice %add3A_726 {offsets = [0, 64], sizes = [1, 64], strides = [1, 1]} : vector<1x256xf32> to vector<1x64xf32>
      %slice3A_729 = vector.extract_strided_slice %add3A_726 {offsets = [0, 192], sizes = [1, 64], strides = [1, 1]} : vector<1x256xf32> to vector<1x64xf32>
      %slice3A_730 = vector.extract_strided_slice %tanh3A_719 {offsets = [1, 128], sizes = [1, 64], strides = [1, 1]} : vector<2x256xf32> to vector<1x64xf32>
      %mul3A_731 = arith.mulf %slice3A_728, %add3A_698 : vector<1x64xf32>
      %mul3A_732 = arith.mulf %slice3A_727, %slice3A_730 : vector<1x64xf32>
      %add3A_733 = arith.addf %mul3A_731, %mul3A_732 : vector<1x64xf32>
      %tanh3A_734 = math.tanh %add3A_733 : vector<1x64xf32>
      %mul3A_735 = arith.mulf %slice3A_729, %tanh3A_734 : vector<1x64xf32>
      %slice3A_736 = vector.extract_strided_slice %get3A_109 {offsets = [18, 0], sizes = [1, 256], strides = [1, 1]} : vector<40x256xf32> to vector<1x256xf32>
      %convert_element_type3A_737 = arith.truncf %mul3A_735 : vector<1x64xf32> to vector<1x64xbf16>
      %convert_element_type3A_738 = arith.extf %convert_element_type3A_737 : vector<1x64xbf16> to vector<1x64xf32>
      %sub3A_739 = arith.subf %mul3A_735, %convert_element_type3A_738 : vector<1x64xf32>
      %convert_element_type3A_740 = arith.truncf %sub3A_739 : vector<1x64xf32> to vector<1x64xbf16>
      %dot_general3A_741 = arith.constant dense<0.000000e+00> : vector<1x256xf32>
      %dot_general3A_742 = tpu.matmul %convert_element_type3A_737, %get3A_42, %dot_general3A_741 {dimension_numbers = #tpu.dot_dimension_numbers<[1], [0], [0], [1], [0, 0, 1, 1], [], []>, transpose_lhs_hint = false} : vector<1x64xbf16>, vector<64x256xbf16>, vector<1x256xf32> -> vector<1x256xf32>
      %add3A_743 = arith.addf %slice3A_736, %dot_general3A_742 : vector<1x256xf32>
      %dot_general3A_744 = arith.constant dense<0.000000e+00> : vector<1x256xf32>
      %dot_general3A_745 = tpu.matmul %convert_element_type3A_737, %get3A_45, %dot_general3A_744 {dimension_numbers = #tpu.dot_dimension_numbers<[1], [0], [0], [1], [0, 0, 1, 1], [], []>, transpose_lhs_hint = false} : vector<1x64xbf16>, vector<64x256xbf16>, vector<1x256xf32> -> vector<1x256xf32>
      %add3A_746 = arith.addf %add3A_743, %dot_general3A_745 : vector<1x256xf32>
      %dot_general3A_747 = arith.constant dense<0.000000e+00> : vector<1x256xf32>
      %dot_general3A_748 = tpu.matmul %convert_element_type3A_740, %get3A_42, %dot_general3A_747 {dimension_numbers = #tpu.dot_dimension_numbers<[1], [0], [0], [1], [0, 0, 1, 1], [], []>, transpose_lhs_hint = false} : vector<1x64xbf16>, vector<64x256xbf16>, vector<1x256xf32> -> vector<1x256xf32>
      %add3A_749 = arith.addf %add3A_746, %dot_general3A_748 : vector<1x256xf32>
      %mul3A_750 = arith.constant 5.000000e-01 : f32
      %mul3A_751 = vector.broadcast %mul3A_750 : f32 to vector<1x256xf32>
      %mul3A_752 = arith.mulf %add3A_749, %mul3A_751 : vector<1x256xf32>
      %concatenate3A_753 = tpu.concatenate %mul3A_752, %add3A_749 in 0 : vector<1x256xf32>, vector<1x256xf32> -> vector<2x256xf32>
      %tanh3A_754 = math.tanh %concatenate3A_753 : vector<2x256xf32>
      %slice3A_755 = vector.extract_strided_slice %tanh3A_754 {offsets = [0, 0], sizes = [1, 256], strides = [1, 1]} : vector<2x256xf32> to vector<1x256xf32>
      %mul3A_756 = arith.constant 5.000000e-01 : f32
      %mul3A_757 = vector.broadcast %mul3A_756 : f32 to vector<1x256xf32>
      %mul3A_758 = arith.mulf %mul3A_757, %slice3A_755 : vector<1x256xf32>
      %add3A_759 = arith.constant 5.000000e-01 : f32
      %add3A_760 = vector.broadcast %add3A_759 : f32 to vector<1x256xf32>
      %add3A_761 = arith.addf %add3A_760, %mul3A_758 : vector<1x256xf32>
      %slice3A_762 = vector.extract_strided_slice %add3A_761 {offsets = [0, 0], sizes = [1, 64], strides = [1, 1]} : vector<1x256xf32> to vector<1x64xf32>
      %slice3A_763 = vector.extract_strided_slice %add3A_761 {offsets = [0, 64], sizes = [1, 64], strides = [1, 1]} : vector<1x256xf32> to vector<1x64xf32>
      %slice3A_764 = vector.extract_strided_slice %add3A_761 {offsets = [0, 192], sizes = [1, 64], strides = [1, 1]} : vector<1x256xf32> to vector<1x64xf32>
      %slice3A_765 = vector.extract_strided_slice %tanh3A_754 {offsets = [1, 128], sizes = [1, 64], strides = [1, 1]} : vector<2x256xf32> to vector<1x64xf32>
      %mul3A_766 = arith.mulf %slice3A_763, %add3A_733 : vector<1x64xf32>
      %mul3A_767 = arith.mulf %slice3A_762, %slice3A_765 : vector<1x64xf32>
      %add3A_768 = arith.addf %mul3A_766, %mul3A_767 : vector<1x64xf32>
      %tanh3A_769 = math.tanh %add3A_768 : vector<1x64xf32>
      %mul3A_770 = arith.mulf %slice3A_764, %tanh3A_769 : vector<1x64xf32>
      %slice3A_771 = vector.extract_strided_slice %get3A_109 {offsets = [19, 0], sizes = [1, 256], strides = [1, 1]} : vector<40x256xf32> to vector<1x256xf32>
      %convert_element_type3A_772 = arith.truncf %mul3A_770 : vector<1x64xf32> to vector<1x64xbf16>
      %convert_element_type3A_773 = arith.extf %convert_element_type3A_772 : vector<1x64xbf16> to vector<1x64xf32>
      %sub3A_774 = arith.subf %mul3A_770, %convert_element_type3A_773 : vector<1x64xf32>
      %convert_element_type3A_775 = arith.truncf %sub3A_774 : vector<1x64xf32> to vector<1x64xbf16>
      %dot_general3A_776 = arith.constant dense<0.000000e+00> : vector<1x256xf32>
      %dot_general3A_777 = tpu.matmul %convert_element_type3A_772, %get3A_42, %dot_general3A_776 {dimension_numbers = #tpu.dot_dimension_numbers<[1], [0], [0], [1], [0, 0, 1, 1], [], []>, transpose_lhs_hint = false} : vector<1x64xbf16>, vector<64x256xbf16>, vector<1x256xf32> -> vector<1x256xf32>
      %add3A_778 = arith.addf %slice3A_771, %dot_general3A_777 : vector<1x256xf32>
      %dot_general3A_779 = arith.constant dense<0.000000e+00> : vector<1x256xf32>
      %dot_general3A_780 = tpu.matmul %convert_element_type3A_772, %get3A_45, %dot_general3A_779 {dimension_numbers = #tpu.dot_dimension_numbers<[1], [0], [0], [1], [0, 0, 1, 1], [], []>, transpose_lhs_hint = false} : vector<1x64xbf16>, vector<64x256xbf16>, vector<1x256xf32> -> vector<1x256xf32>
      %add3A_781 = arith.addf %add3A_778, %dot_general3A_780 : vector<1x256xf32>
      %dot_general3A_782 = arith.constant dense<0.000000e+00> : vector<1x256xf32>
      %dot_general3A_783 = tpu.matmul %convert_element_type3A_775, %get3A_42, %dot_general3A_782 {dimension_numbers = #tpu.dot_dimension_numbers<[1], [0], [0], [1], [0, 0, 1, 1], [], []>, transpose_lhs_hint = false} : vector<1x64xbf16>, vector<64x256xbf16>, vector<1x256xf32> -> vector<1x256xf32>
      %add3A_784 = arith.addf %add3A_781, %dot_general3A_783 : vector<1x256xf32>
      %mul3A_785 = arith.constant 5.000000e-01 : f32
      %mul3A_786 = vector.broadcast %mul3A_785 : f32 to vector<1x256xf32>
      %mul3A_787 = arith.mulf %add3A_784, %mul3A_786 : vector<1x256xf32>
      %concatenate3A_788 = tpu.concatenate %mul3A_787, %add3A_784 in 0 : vector<1x256xf32>, vector<1x256xf32> -> vector<2x256xf32>
      %tanh3A_789 = math.tanh %concatenate3A_788 : vector<2x256xf32>
      %slice3A_790 = vector.extract_strided_slice %tanh3A_789 {offsets = [0, 0], sizes = [1, 256], strides = [1, 1]} : vector<2x256xf32> to vector<1x256xf32>
      %mul3A_791 = arith.constant 5.000000e-01 : f32
      %mul3A_792 = vector.broadcast %mul3A_791 : f32 to vector<1x256xf32>
      %mul3A_793 = arith.mulf %mul3A_792, %slice3A_790 : vector<1x256xf32>
      %add3A_794 = arith.constant 5.000000e-01 : f32
      %add3A_795 = vector.broadcast %add3A_794 : f32 to vector<1x256xf32>
      %add3A_796 = arith.addf %add3A_795, %mul3A_793 : vector<1x256xf32>
      %slice3A_797 = vector.extract_strided_slice %add3A_796 {offsets = [0, 0], sizes = [1, 64], strides = [1, 1]} : vector<1x256xf32> to vector<1x64xf32>
      %slice3A_798 = vector.extract_strided_slice %add3A_796 {offsets = [0, 64], sizes = [1, 64], strides = [1, 1]} : vector<1x256xf32> to vector<1x64xf32>
      %slice3A_799 = vector.extract_strided_slice %add3A_796 {offsets = [0, 192], sizes = [1, 64], strides = [1, 1]} : vector<1x256xf32> to vector<1x64xf32>
      %slice3A_800 = vector.extract_strided_slice %tanh3A_789 {offsets = [1, 128], sizes = [1, 64], strides = [1, 1]} : vector<2x256xf32> to vector<1x64xf32>
      %mul3A_801 = arith.mulf %slice3A_798, %add3A_768 : vector<1x64xf32>
      %mul3A_802 = arith.mulf %slice3A_797, %slice3A_800 : vector<1x64xf32>
      %add3A_803 = arith.addf %mul3A_801, %mul3A_802 : vector<1x64xf32>
      %tanh3A_804 = math.tanh %add3A_803 : vector<1x64xf32>
      %mul3A_805 = arith.mulf %slice3A_799, %tanh3A_804 : vector<1x64xf32>
      %slice3A_806 = vector.extract_strided_slice %get3A_109 {offsets = [20, 0], sizes = [1, 256], strides = [1, 1]} : vector<40x256xf32> to vector<1x256xf32>
      %convert_element_type3A_807 = arith.truncf %mul3A_805 : vector<1x64xf32> to vector<1x64xbf16>
      %convert_element_type3A_808 = arith.extf %convert_element_type3A_807 : vector<1x64xbf16> to vector<1x64xf32>
      %sub3A_809 = arith.subf %mul3A_805, %convert_element_type3A_808 : vector<1x64xf32>
      %convert_element_type3A_810 = arith.truncf %sub3A_809 : vector<1x64xf32> to vector<1x64xbf16>
      %dot_general3A_811 = arith.constant dense<0.000000e+00> : vector<1x256xf32>
      %dot_general3A_812 = tpu.matmul %convert_element_type3A_807, %get3A_42, %dot_general3A_811 {dimension_numbers = #tpu.dot_dimension_numbers<[1], [0], [0], [1], [0, 0, 1, 1], [], []>, transpose_lhs_hint = false} : vector<1x64xbf16>, vector<64x256xbf16>, vector<1x256xf32> -> vector<1x256xf32>
      %add3A_813 = arith.addf %slice3A_806, %dot_general3A_812 : vector<1x256xf32>
      %dot_general3A_814 = arith.constant dense<0.000000e+00> : vector<1x256xf32>
      %dot_general3A_815 = tpu.matmul %convert_element_type3A_807, %get3A_45, %dot_general3A_814 {dimension_numbers = #tpu.dot_dimension_numbers<[1], [0], [0], [1], [0, 0, 1, 1], [], []>, transpose_lhs_hint = false} : vector<1x64xbf16>, vector<64x256xbf16>, vector<1x256xf32> -> vector<1x256xf32>
      %add3A_816 = arith.addf %add3A_813, %dot_general3A_815 : vector<1x256xf32>
      %dot_general3A_817 = arith.constant dense<0.000000e+00> : vector<1x256xf32>
      %dot_general3A_818 = tpu.matmul %convert_element_type3A_810, %get3A_42, %dot_general3A_817 {dimension_numbers = #tpu.dot_dimension_numbers<[1], [0], [0], [1], [0, 0, 1, 1], [], []>, transpose_lhs_hint = false} : vector<1x64xbf16>, vector<64x256xbf16>, vector<1x256xf32> -> vector<1x256xf32>
      %add3A_819 = arith.addf %add3A_816, %dot_general3A_818 : vector<1x256xf32>
      %mul3A_820 = arith.constant 5.000000e-01 : f32
      %mul3A_821 = vector.broadcast %mul3A_820 : f32 to vector<1x256xf32>
      %mul3A_822 = arith.mulf %add3A_819, %mul3A_821 : vector<1x256xf32>
      %concatenate3A_823 = tpu.concatenate %mul3A_822, %add3A_819 in 0 : vector<1x256xf32>, vector<1x256xf32> -> vector<2x256xf32>
      %tanh3A_824 = math.tanh %concatenate3A_823 : vector<2x256xf32>
      %slice3A_825 = vector.extract_strided_slice %tanh3A_824 {offsets = [0, 0], sizes = [1, 256], strides = [1, 1]} : vector<2x256xf32> to vector<1x256xf32>
      %mul3A_826 = arith.constant 5.000000e-01 : f32
      %mul3A_827 = vector.broadcast %mul3A_826 : f32 to vector<1x256xf32>
      %mul3A_828 = arith.mulf %mul3A_827, %slice3A_825 : vector<1x256xf32>
      %add3A_829 = arith.constant 5.000000e-01 : f32
      %add3A_830 = vector.broadcast %add3A_829 : f32 to vector<1x256xf32>
      %add3A_831 = arith.addf %add3A_830, %mul3A_828 : vector<1x256xf32>
      %slice3A_832 = vector.extract_strided_slice %add3A_831 {offsets = [0, 0], sizes = [1, 64], strides = [1, 1]} : vector<1x256xf32> to vector<1x64xf32>
      %slice3A_833 = vector.extract_strided_slice %add3A_831 {offsets = [0, 64], sizes = [1, 64], strides = [1, 1]} : vector<1x256xf32> to vector<1x64xf32>
      %slice3A_834 = vector.extract_strided_slice %add3A_831 {offsets = [0, 192], sizes = [1, 64], strides = [1, 1]} : vector<1x256xf32> to vector<1x64xf32>
      %slice3A_835 = vector.extract_strided_slice %tanh3A_824 {offsets = [1, 128], sizes = [1, 64], strides = [1, 1]} : vector<2x256xf32> to vector<1x64xf32>
      %mul3A_836 = arith.mulf %slice3A_833, %add3A_803 : vector<1x64xf32>
      %mul3A_837 = arith.mulf %slice3A_832, %slice3A_835 : vector<1x64xf32>
      %add3A_838 = arith.addf %mul3A_836, %mul3A_837 : vector<1x64xf32>
      %tanh3A_839 = math.tanh %add3A_838 : vector<1x64xf32>
      %mul3A_840 = arith.mulf %slice3A_834, %tanh3A_839 : vector<1x64xf32>
      %slice3A_841 = vector.extract_strided_slice %get3A_109 {offsets = [21, 0], sizes = [1, 256], strides = [1, 1]} : vector<40x256xf32> to vector<1x256xf32>
      %convert_element_type3A_842 = arith.truncf %mul3A_840 : vector<1x64xf32> to vector<1x64xbf16>
      %convert_element_type3A_843 = arith.extf %convert_element_type3A_842 : vector<1x64xbf16> to vector<1x64xf32>
      %sub3A_844 = arith.subf %mul3A_840, %convert_element_type3A_843 : vector<1x64xf32>
      %convert_element_type3A_845 = arith.truncf %sub3A_844 : vector<1x64xf32> to vector<1x64xbf16>
      %dot_general3A_846 = arith.constant dense<0.000000e+00> : vector<1x256xf32>
      %dot_general3A_847 = tpu.matmul %convert_element_type3A_842, %get3A_42, %dot_general3A_846 {dimension_numbers = #tpu.dot_dimension_numbers<[1], [0], [0], [1], [0, 0, 1, 1], [], []>, transpose_lhs_hint = false} : vector<1x64xbf16>, vector<64x256xbf16>, vector<1x256xf32> -> vector<1x256xf32>
      %add3A_848 = arith.addf %slice3A_841, %dot_general3A_847 : vector<1x256xf32>
      %dot_general3A_849 = arith.constant dense<0.000000e+00> : vector<1x256xf32>
      %dot_general3A_850 = tpu.matmul %convert_element_type3A_842, %get3A_45, %dot_general3A_849 {dimension_numbers = #tpu.dot_dimension_numbers<[1], [0], [0], [1], [0, 0, 1, 1], [], []>, transpose_lhs_hint = false} : vector<1x64xbf16>, vector<64x256xbf16>, vector<1x256xf32> -> vector<1x256xf32>
      %add3A_851 = arith.addf %add3A_848, %dot_general3A_850 : vector<1x256xf32>
      %dot_general3A_852 = arith.constant dense<0.000000e+00> : vector<1x256xf32>
      %dot_general3A_853 = tpu.matmul %convert_element_type3A_845, %get3A_42, %dot_general3A_852 {dimension_numbers = #tpu.dot_dimension_numbers<[1], [0], [0], [1], [0, 0, 1, 1], [], []>, transpose_lhs_hint = false} : vector<1x64xbf16>, vector<64x256xbf16>, vector<1x256xf32> -> vector<1x256xf32>
      %add3A_854 = arith.addf %add3A_851, %dot_general3A_853 : vector<1x256xf32>
      %mul3A_855 = arith.constant 5.000000e-01 : f32
      %mul3A_856 = vector.broadcast %mul3A_855 : f32 to vector<1x256xf32>
      %mul3A_857 = arith.mulf %add3A_854, %mul3A_856 : vector<1x256xf32>
      %concatenate3A_858 = tpu.concatenate %mul3A_857, %add3A_854 in 0 : vector<1x256xf32>, vector<1x256xf32> -> vector<2x256xf32>
      %tanh3A_859 = math.tanh %concatenate3A_858 : vector<2x256xf32>
      %slice3A_860 = vector.extract_strided_slice %tanh3A_859 {offsets = [0, 0], sizes = [1, 256], strides = [1, 1]} : vector<2x256xf32> to vector<1x256xf32>
      %mul3A_861 = arith.constant 5.000000e-01 : f32
      %mul3A_862 = vector.broadcast %mul3A_861 : f32 to vector<1x256xf32>
      %mul3A_863 = arith.mulf %mul3A_862, %slice3A_860 : vector<1x256xf32>
      %add3A_864 = arith.constant 5.000000e-01 : f32
      %add3A_865 = vector.broadcast %add3A_864 : f32 to vector<1x256xf32>
      %add3A_866 = arith.addf %add3A_865, %mul3A_863 : vector<1x256xf32>
      %slice3A_867 = vector.extract_strided_slice %add3A_866 {offsets = [0, 0], sizes = [1, 64], strides = [1, 1]} : vector<1x256xf32> to vector<1x64xf32>
      %slice3A_868 = vector.extract_strided_slice %add3A_866 {offsets = [0, 64], sizes = [1, 64], strides = [1, 1]} : vector<1x256xf32> to vector<1x64xf32>
      %slice3A_869 = vector.extract_strided_slice %add3A_866 {offsets = [0, 192], sizes = [1, 64], strides = [1, 1]} : vector<1x256xf32> to vector<1x64xf32>
      %slice3A_870 = vector.extract_strided_slice %tanh3A_859 {offsets = [1, 128], sizes = [1, 64], strides = [1, 1]} : vector<2x256xf32> to vector<1x64xf32>
      %mul3A_871 = arith.mulf %slice3A_868, %add3A_838 : vector<1x64xf32>
      %mul3A_872 = arith.mulf %slice3A_867, %slice3A_870 : vector<1x64xf32>
      %add3A_873 = arith.addf %mul3A_871, %mul3A_872 : vector<1x64xf32>
      %tanh3A_874 = math.tanh %add3A_873 : vector<1x64xf32>
      %mul3A_875 = arith.mulf %slice3A_869, %tanh3A_874 : vector<1x64xf32>
      %slice3A_876 = vector.extract_strided_slice %get3A_109 {offsets = [22, 0], sizes = [1, 256], strides = [1, 1]} : vector<40x256xf32> to vector<1x256xf32>
      %convert_element_type3A_877 = arith.truncf %mul3A_875 : vector<1x64xf32> to vector<1x64xbf16>
      %convert_element_type3A_878 = arith.extf %convert_element_type3A_877 : vector<1x64xbf16> to vector<1x64xf32>
      %sub3A_879 = arith.subf %mul3A_875, %convert_element_type3A_878 : vector<1x64xf32>
      %convert_element_type3A_880 = arith.truncf %sub3A_879 : vector<1x64xf32> to vector<1x64xbf16>
      %dot_general3A_881 = arith.constant dense<0.000000e+00> : vector<1x256xf32>
      %dot_general3A_882 = tpu.matmul %convert_element_type3A_877, %get3A_42, %dot_general3A_881 {dimension_numbers = #tpu.dot_dimension_numbers<[1], [0], [0], [1], [0, 0, 1, 1], [], []>, transpose_lhs_hint = false} : vector<1x64xbf16>, vector<64x256xbf16>, vector<1x256xf32> -> vector<1x256xf32>
      %add3A_883 = arith.addf %slice3A_876, %dot_general3A_882 : vector<1x256xf32>
      %dot_general3A_884 = arith.constant dense<0.000000e+00> : vector<1x256xf32>
      %dot_general3A_885 = tpu.matmul %convert_element_type3A_877, %get3A_45, %dot_general3A_884 {dimension_numbers = #tpu.dot_dimension_numbers<[1], [0], [0], [1], [0, 0, 1, 1], [], []>, transpose_lhs_hint = false} : vector<1x64xbf16>, vector<64x256xbf16>, vector<1x256xf32> -> vector<1x256xf32>
      %add3A_886 = arith.addf %add3A_883, %dot_general3A_885 : vector<1x256xf32>
      %dot_general3A_887 = arith.constant dense<0.000000e+00> : vector<1x256xf32>
      %dot_general3A_888 = tpu.matmul %convert_element_type3A_880, %get3A_42, %dot_general3A_887 {dimension_numbers = #tpu.dot_dimension_numbers<[1], [0], [0], [1], [0, 0, 1, 1], [], []>, transpose_lhs_hint = false} : vector<1x64xbf16>, vector<64x256xbf16>, vector<1x256xf32> -> vector<1x256xf32>
      %add3A_889 = arith.addf %add3A_886, %dot_general3A_888 : vector<1x256xf32>
      %mul3A_890 = arith.constant 5.000000e-01 : f32
      %mul3A_891 = vector.broadcast %mul3A_890 : f32 to vector<1x256xf32>
      %mul3A_892 = arith.mulf %add3A_889, %mul3A_891 : vector<1x256xf32>
      %concatenate3A_893 = tpu.concatenate %mul3A_892, %add3A_889 in 0 : vector<1x256xf32>, vector<1x256xf32> -> vector<2x256xf32>
      %tanh3A_894 = math.tanh %concatenate3A_893 : vector<2x256xf32>
      %slice3A_895 = vector.extract_strided_slice %tanh3A_894 {offsets = [0, 0], sizes = [1, 256], strides = [1, 1]} : vector<2x256xf32> to vector<1x256xf32>
      %mul3A_896 = arith.constant 5.000000e-01 : f32
      %mul3A_897 = vector.broadcast %mul3A_896 : f32 to vector<1x256xf32>
      %mul3A_898 = arith.mulf %mul3A_897, %slice3A_895 : vector<1x256xf32>
      %add3A_899 = arith.constant 5.000000e-01 : f32
      %add3A_900 = vector.broadcast %add3A_899 : f32 to vector<1x256xf32>
      %add3A_901 = arith.addf %add3A_900, %mul3A_898 : vector<1x256xf32>
      %slice3A_902 = vector.extract_strided_slice %add3A_901 {offsets = [0, 0], sizes = [1, 64], strides = [1, 1]} : vector<1x256xf32> to vector<1x64xf32>
      %slice3A_903 = vector.extract_strided_slice %add3A_901 {offsets = [0, 64], sizes = [1, 64], strides = [1, 1]} : vector<1x256xf32> to vector<1x64xf32>
      %slice3A_904 = vector.extract_strided_slice %add3A_901 {offsets = [0, 192], sizes = [1, 64], strides = [1, 1]} : vector<1x256xf32> to vector<1x64xf32>
      %slice3A_905 = vector.extract_strided_slice %tanh3A_894 {offsets = [1, 128], sizes = [1, 64], strides = [1, 1]} : vector<2x256xf32> to vector<1x64xf32>
      %mul3A_906 = arith.mulf %slice3A_903, %add3A_873 : vector<1x64xf32>
      %mul3A_907 = arith.mulf %slice3A_902, %slice3A_905 : vector<1x64xf32>
      %add3A_908 = arith.addf %mul3A_906, %mul3A_907 : vector<1x64xf32>
      %tanh3A_909 = math.tanh %add3A_908 : vector<1x64xf32>
      %mul3A_910 = arith.mulf %slice3A_904, %tanh3A_909 : vector<1x64xf32>
      %slice3A_911 = vector.extract_strided_slice %get3A_109 {offsets = [23, 0], sizes = [1, 256], strides = [1, 1]} : vector<40x256xf32> to vector<1x256xf32>
      %convert_element_type3A_912 = arith.truncf %mul3A_910 : vector<1x64xf32> to vector<1x64xbf16>
      %convert_element_type3A_913 = arith.extf %convert_element_type3A_912 : vector<1x64xbf16> to vector<1x64xf32>
      %sub3A_914 = arith.subf %mul3A_910, %convert_element_type3A_913 : vector<1x64xf32>
      %convert_element_type3A_915 = arith.truncf %sub3A_914 : vector<1x64xf32> to vector<1x64xbf16>
      %dot_general3A_916 = arith.constant dense<0.000000e+00> : vector<1x256xf32>
      %dot_general3A_917 = tpu.matmul %convert_element_type3A_912, %get3A_42, %dot_general3A_916 {dimension_numbers = #tpu.dot_dimension_numbers<[1], [0], [0], [1], [0, 0, 1, 1], [], []>, transpose_lhs_hint = false} : vector<1x64xbf16>, vector<64x256xbf16>, vector<1x256xf32> -> vector<1x256xf32>
      %add3A_918 = arith.addf %slice3A_911, %dot_general3A_917 : vector<1x256xf32>
      %dot_general3A_919 = arith.constant dense<0.000000e+00> : vector<1x256xf32>
      %dot_general3A_920 = tpu.matmul %convert_element_type3A_912, %get3A_45, %dot_general3A_919 {dimension_numbers = #tpu.dot_dimension_numbers<[1], [0], [0], [1], [0, 0, 1, 1], [], []>, transpose_lhs_hint = false} : vector<1x64xbf16>, vector<64x256xbf16>, vector<1x256xf32> -> vector<1x256xf32>
      %add3A_921 = arith.addf %add3A_918, %dot_general3A_920 : vector<1x256xf32>
      %dot_general3A_922 = arith.constant dense<0.000000e+00> : vector<1x256xf32>
      %dot_general3A_923 = tpu.matmul %convert_element_type3A_915, %get3A_42, %dot_general3A_922 {dimension_numbers = #tpu.dot_dimension_numbers<[1], [0], [0], [1], [0, 0, 1, 1], [], []>, transpose_lhs_hint = false} : vector<1x64xbf16>, vector<64x256xbf16>, vector<1x256xf32> -> vector<1x256xf32>
      %add3A_924 = arith.addf %add3A_921, %dot_general3A_923 : vector<1x256xf32>
      %mul3A_925 = arith.constant 5.000000e-01 : f32
      %mul3A_926 = vector.broadcast %mul3A_925 : f32 to vector<1x256xf32>
      %mul3A_927 = arith.mulf %add3A_924, %mul3A_926 : vector<1x256xf32>
      %concatenate3A_928 = tpu.concatenate %mul3A_927, %add3A_924 in 0 : vector<1x256xf32>, vector<1x256xf32> -> vector<2x256xf32>
      %tanh3A_929 = math.tanh %concatenate3A_928 : vector<2x256xf32>
      %slice3A_930 = vector.extract_strided_slice %tanh3A_929 {offsets = [0, 0], sizes = [1, 256], strides = [1, 1]} : vector<2x256xf32> to vector<1x256xf32>
      %mul3A_931 = arith.constant 5.000000e-01 : f32
      %mul3A_932 = vector.broadcast %mul3A_931 : f32 to vector<1x256xf32>
      %mul3A_933 = arith.mulf %mul3A_932, %slice3A_930 : vector<1x256xf32>
      %add3A_934 = arith.constant 5.000000e-01 : f32
      %add3A_935 = vector.broadcast %add3A_934 : f32 to vector<1x256xf32>
      %add3A_936 = arith.addf %add3A_935, %mul3A_933 : vector<1x256xf32>
      %slice3A_937 = vector.extract_strided_slice %add3A_936 {offsets = [0, 0], sizes = [1, 64], strides = [1, 1]} : vector<1x256xf32> to vector<1x64xf32>
      %slice3A_938 = vector.extract_strided_slice %add3A_936 {offsets = [0, 64], sizes = [1, 64], strides = [1, 1]} : vector<1x256xf32> to vector<1x64xf32>
      %slice3A_939 = vector.extract_strided_slice %add3A_936 {offsets = [0, 192], sizes = [1, 64], strides = [1, 1]} : vector<1x256xf32> to vector<1x64xf32>
      %slice3A_940 = vector.extract_strided_slice %tanh3A_929 {offsets = [1, 128], sizes = [1, 64], strides = [1, 1]} : vector<2x256xf32> to vector<1x64xf32>
      %mul3A_941 = arith.mulf %slice3A_938, %add3A_908 : vector<1x64xf32>
      %mul3A_942 = arith.mulf %slice3A_937, %slice3A_940 : vector<1x64xf32>
      %add3A_943 = arith.addf %mul3A_941, %mul3A_942 : vector<1x64xf32>
      %tanh3A_944 = math.tanh %add3A_943 : vector<1x64xf32>
      %mul3A_945 = arith.mulf %slice3A_939, %tanh3A_944 : vector<1x64xf32>
      %slice3A_946 = vector.extract_strided_slice %get3A_109 {offsets = [24, 0], sizes = [1, 256], strides = [1, 1]} : vector<40x256xf32> to vector<1x256xf32>
      %convert_element_type3A_947 = arith.truncf %mul3A_945 : vector<1x64xf32> to vector<1x64xbf16>
      %convert_element_type3A_948 = arith.extf %convert_element_type3A_947 : vector<1x64xbf16> to vector<1x64xf32>
      %sub3A_949 = arith.subf %mul3A_945, %convert_element_type3A_948 : vector<1x64xf32>
      %convert_element_type3A_950 = arith.truncf %sub3A_949 : vector<1x64xf32> to vector<1x64xbf16>
      %dot_general3A_951 = arith.constant dense<0.000000e+00> : vector<1x256xf32>
      %dot_general3A_952 = tpu.matmul %convert_element_type3A_947, %get3A_42, %dot_general3A_951 {dimension_numbers = #tpu.dot_dimension_numbers<[1], [0], [0], [1], [0, 0, 1, 1], [], []>, transpose_lhs_hint = false} : vector<1x64xbf16>, vector<64x256xbf16>, vector<1x256xf32> -> vector<1x256xf32>
      %add3A_953 = arith.addf %slice3A_946, %dot_general3A_952 : vector<1x256xf32>
      %dot_general3A_954 = arith.constant dense<0.000000e+00> : vector<1x256xf32>
      %dot_general3A_955 = tpu.matmul %convert_element_type3A_947, %get3A_45, %dot_general3A_954 {dimension_numbers = #tpu.dot_dimension_numbers<[1], [0], [0], [1], [0, 0, 1, 1], [], []>, transpose_lhs_hint = false} : vector<1x64xbf16>, vector<64x256xbf16>, vector<1x256xf32> -> vector<1x256xf32>
      %add3A_956 = arith.addf %add3A_953, %dot_general3A_955 : vector<1x256xf32>
      %dot_general3A_957 = arith.constant dense<0.000000e+00> : vector<1x256xf32>
      %dot_general3A_958 = tpu.matmul %convert_element_type3A_950, %get3A_42, %dot_general3A_957 {dimension_numbers = #tpu.dot_dimension_numbers<[1], [0], [0], [1], [0, 0, 1, 1], [], []>, transpose_lhs_hint = false} : vector<1x64xbf16>, vector<64x256xbf16>, vector<1x256xf32> -> vector<1x256xf32>
      %add3A_959 = arith.addf %add3A_956, %dot_general3A_958 : vector<1x256xf32>
      %mul3A_960 = arith.constant 5.000000e-01 : f32
      %mul3A_961 = vector.broadcast %mul3A_960 : f32 to vector<1x256xf32>
      %mul3A_962 = arith.mulf %add3A_959, %mul3A_961 : vector<1x256xf32>
      %concatenate3A_963 = tpu.concatenate %mul3A_962, %add3A_959 in 0 : vector<1x256xf32>, vector<1x256xf32> -> vector<2x256xf32>
      %tanh3A_964 = math.tanh %concatenate3A_963 : vector<2x256xf32>
      %slice3A_965 = vector.extract_strided_slice %tanh3A_964 {offsets = [0, 0], sizes = [1, 256], strides = [1, 1]} : vector<2x256xf32> to vector<1x256xf32>
      %mul3A_966 = arith.constant 5.000000e-01 : f32
      %mul3A_967 = vector.broadcast %mul3A_966 : f32 to vector<1x256xf32>
      %mul3A_968 = arith.mulf %mul3A_967, %slice3A_965 : vector<1x256xf32>
      %add3A_969 = arith.constant 5.000000e-01 : f32
      %add3A_970 = vector.broadcast %add3A_969 : f32 to vector<1x256xf32>
      %add3A_971 = arith.addf %add3A_970, %mul3A_968 : vector<1x256xf32>
      %slice3A_972 = vector.extract_strided_slice %add3A_971 {offsets = [0, 0], sizes = [1, 64], strides = [1, 1]} : vector<1x256xf32> to vector<1x64xf32>
      %slice3A_973 = vector.extract_strided_slice %add3A_971 {offsets = [0, 64], sizes = [1, 64], strides = [1, 1]} : vector<1x256xf32> to vector<1x64xf32>
      %slice3A_974 = vector.extract_strided_slice %add3A_971 {offsets = [0, 192], sizes = [1, 64], strides = [1, 1]} : vector<1x256xf32> to vector<1x64xf32>
      %slice3A_975 = vector.extract_strided_slice %tanh3A_964 {offsets = [1, 128], sizes = [1, 64], strides = [1, 1]} : vector<2x256xf32> to vector<1x64xf32>
      %mul3A_976 = arith.mulf %slice3A_973, %add3A_943 : vector<1x64xf32>
      %mul3A_977 = arith.mulf %slice3A_972, %slice3A_975 : vector<1x64xf32>
      %add3A_978 = arith.addf %mul3A_976, %mul3A_977 : vector<1x64xf32>
      %tanh3A_979 = math.tanh %add3A_978 : vector<1x64xf32>
      %mul3A_980 = arith.mulf %slice3A_974, %tanh3A_979 : vector<1x64xf32>
      %slice3A_981 = vector.extract_strided_slice %get3A_109 {offsets = [25, 0], sizes = [1, 256], strides = [1, 1]} : vector<40x256xf32> to vector<1x256xf32>
      %convert_element_type3A_982 = arith.truncf %mul3A_980 : vector<1x64xf32> to vector<1x64xbf16>
      %convert_element_type3A_983 = arith.extf %convert_element_type3A_982 : vector<1x64xbf16> to vector<1x64xf32>
      %sub3A_984 = arith.subf %mul3A_980, %convert_element_type3A_983 : vector<1x64xf32>
      %convert_element_type3A_985 = arith.truncf %sub3A_984 : vector<1x64xf32> to vector<1x64xbf16>
      %dot_general3A_986 = arith.constant dense<0.000000e+00> : vector<1x256xf32>
      %dot_general3A_987 = tpu.matmul %convert_element_type3A_982, %get3A_42, %dot_general3A_986 {dimension_numbers = #tpu.dot_dimension_numbers<[1], [0], [0], [1], [0, 0, 1, 1], [], []>, transpose_lhs_hint = false} : vector<1x64xbf16>, vector<64x256xbf16>, vector<1x256xf32> -> vector<1x256xf32>
      %add3A_988 = arith.addf %slice3A_981, %dot_general3A_987 : vector<1x256xf32>
      %dot_general3A_989 = arith.constant dense<0.000000e+00> : vector<1x256xf32>
      %dot_general3A_990 = tpu.matmul %convert_element_type3A_982, %get3A_45, %dot_general3A_989 {dimension_numbers = #tpu.dot_dimension_numbers<[1], [0], [0], [1], [0, 0, 1, 1], [], []>, transpose_lhs_hint = false} : vector<1x64xbf16>, vector<64x256xbf16>, vector<1x256xf32> -> vector<1x256xf32>
      %add3A_991 = arith.addf %add3A_988, %dot_general3A_990 : vector<1x256xf32>
      %dot_general3A_992 = arith.constant dense<0.000000e+00> : vector<1x256xf32>
      %dot_general3A_993 = tpu.matmul %convert_element_type3A_985, %get3A_42, %dot_general3A_992 {dimension_numbers = #tpu.dot_dimension_numbers<[1], [0], [0], [1], [0, 0, 1, 1], [], []>, transpose_lhs_hint = false} : vector<1x64xbf16>, vector<64x256xbf16>, vector<1x256xf32> -> vector<1x256xf32>
      %add3A_994 = arith.addf %add3A_991, %dot_general3A_993 : vector<1x256xf32>
      %mul3A_995 = arith.constant 5.000000e-01 : f32
      %mul3A_996 = vector.broadcast %mul3A_995 : f32 to vector<1x256xf32>
      %mul3A_997 = arith.mulf %add3A_994, %mul3A_996 : vector<1x256xf32>
      %concatenate3A_998 = tpu.concatenate %mul3A_997, %add3A_994 in 0 : vector<1x256xf32>, vector<1x256xf32> -> vector<2x256xf32>
      %tanh3A_999 = math.tanh %concatenate3A_998 : vector<2x256xf32>
      %slice3A_1000 = vector.extract_strided_slice %tanh3A_999 {offsets = [0, 0], sizes = [1, 256], strides = [1, 1]} : vector<2x256xf32> to vector<1x256xf32>
      %mul3A_1001 = arith.constant 5.000000e-01 : f32
      %mul3A_1002 = vector.broadcast %mul3A_1001 : f32 to vector<1x256xf32>
      %mul3A_1003 = arith.mulf %mul3A_1002, %slice3A_1000 : vector<1x256xf32>
      %add3A_1004 = arith.constant 5.000000e-01 : f32
      %add3A_1005 = vector.broadcast %add3A_1004 : f32 to vector<1x256xf32>
      %add3A_1006 = arith.addf %add3A_1005, %mul3A_1003 : vector<1x256xf32>
      %slice3A_1007 = vector.extract_strided_slice %add3A_1006 {offsets = [0, 0], sizes = [1, 64], strides = [1, 1]} : vector<1x256xf32> to vector<1x64xf32>
      %slice3A_1008 = vector.extract_strided_slice %add3A_1006 {offsets = [0, 64], sizes = [1, 64], strides = [1, 1]} : vector<1x256xf32> to vector<1x64xf32>
      %slice3A_1009 = vector.extract_strided_slice %add3A_1006 {offsets = [0, 192], sizes = [1, 64], strides = [1, 1]} : vector<1x256xf32> to vector<1x64xf32>
      %slice3A_1010 = vector.extract_strided_slice %tanh3A_999 {offsets = [1, 128], sizes = [1, 64], strides = [1, 1]} : vector<2x256xf32> to vector<1x64xf32>
      %mul3A_1011 = arith.mulf %slice3A_1008, %add3A_978 : vector<1x64xf32>
      %mul3A_1012 = arith.mulf %slice3A_1007, %slice3A_1010 : vector<1x64xf32>
      %add3A_1013 = arith.addf %mul3A_1011, %mul3A_1012 : vector<1x64xf32>
      %tanh3A_1014 = math.tanh %add3A_1013 : vector<1x64xf32>
      %mul3A_1015 = arith.mulf %slice3A_1009, %tanh3A_1014 : vector<1x64xf32>
      %slice3A_1016 = vector.extract_strided_slice %get3A_109 {offsets = [26, 0], sizes = [1, 256], strides = [1, 1]} : vector<40x256xf32> to vector<1x256xf32>
      %convert_element_type3A_1017 = arith.truncf %mul3A_1015 : vector<1x64xf32> to vector<1x64xbf16>
      %convert_element_type3A_1018 = arith.extf %convert_element_type3A_1017 : vector<1x64xbf16> to vector<1x64xf32>
      %sub3A_1019 = arith.subf %mul3A_1015, %convert_element_type3A_1018 : vector<1x64xf32>
      %convert_element_type3A_1020 = arith.truncf %sub3A_1019 : vector<1x64xf32> to vector<1x64xbf16>
      %dot_general3A_1021 = arith.constant dense<0.000000e+00> : vector<1x256xf32>
      %dot_general3A_1022 = tpu.matmul %convert_element_type3A_1017, %get3A_42, %dot_general3A_1021 {dimension_numbers = #tpu.dot_dimension_numbers<[1], [0], [0], [1], [0, 0, 1, 1], [], []>, transpose_lhs_hint = false} : vector<1x64xbf16>, vector<64x256xbf16>, vector<1x256xf32> -> vector<1x256xf32>
      %add3A_1023 = arith.addf %slice3A_1016, %dot_general3A_1022 : vector<1x256xf32>
      %dot_general3A_1024 = arith.constant dense<0.000000e+00> : vector<1x256xf32>
      %dot_general3A_1025 = tpu.matmul %convert_element_type3A_1017, %get3A_45, %dot_general3A_1024 {dimension_numbers = #tpu.dot_dimension_numbers<[1], [0], [0], [1], [0, 0, 1, 1], [], []>, transpose_lhs_hint = false} : vector<1x64xbf16>, vector<64x256xbf16>, vector<1x256xf32> -> vector<1x256xf32>
      %add3A_1026 = arith.addf %add3A_1023, %dot_general3A_1025 : vector<1x256xf32>
      %dot_general3A_1027 = arith.constant dense<0.000000e+00> : vector<1x256xf32>
      %dot_general3A_1028 = tpu.matmul %convert_element_type3A_1020, %get3A_42, %dot_general3A_1027 {dimension_numbers = #tpu.dot_dimension_numbers<[1], [0], [0], [1], [0, 0, 1, 1], [], []>, transpose_lhs_hint = false} : vector<1x64xbf16>, vector<64x256xbf16>, vector<1x256xf32> -> vector<1x256xf32>
      %add3A_1029 = arith.addf %add3A_1026, %dot_general3A_1028 : vector<1x256xf32>
      %mul3A_1030 = arith.constant 5.000000e-01 : f32
      %mul3A_1031 = vector.broadcast %mul3A_1030 : f32 to vector<1x256xf32>
      %mul3A_1032 = arith.mulf %add3A_1029, %mul3A_1031 : vector<1x256xf32>
      %concatenate3A_1033 = tpu.concatenate %mul3A_1032, %add3A_1029 in 0 : vector<1x256xf32>, vector<1x256xf32> -> vector<2x256xf32>
      %tanh3A_1034 = math.tanh %concatenate3A_1033 : vector<2x256xf32>
      %slice3A_1035 = vector.extract_strided_slice %tanh3A_1034 {offsets = [0, 0], sizes = [1, 256], strides = [1, 1]} : vector<2x256xf32> to vector<1x256xf32>
      %mul3A_1036 = arith.constant 5.000000e-01 : f32
      %mul3A_1037 = vector.broadcast %mul3A_1036 : f32 to vector<1x256xf32>
      %mul3A_1038 = arith.mulf %mul3A_1037, %slice3A_1035 : vector<1x256xf32>
      %add3A_1039 = arith.constant 5.000000e-01 : f32
      %add3A_1040 = vector.broadcast %add3A_1039 : f32 to vector<1x256xf32>
      %add3A_1041 = arith.addf %add3A_1040, %mul3A_1038 : vector<1x256xf32>
      %slice3A_1042 = vector.extract_strided_slice %add3A_1041 {offsets = [0, 0], sizes = [1, 64], strides = [1, 1]} : vector<1x256xf32> to vector<1x64xf32>
      %slice3A_1043 = vector.extract_strided_slice %add3A_1041 {offsets = [0, 64], sizes = [1, 64], strides = [1, 1]} : vector<1x256xf32> to vector<1x64xf32>
      %slice3A_1044 = vector.extract_strided_slice %add3A_1041 {offsets = [0, 192], sizes = [1, 64], strides = [1, 1]} : vector<1x256xf32> to vector<1x64xf32>
      %slice3A_1045 = vector.extract_strided_slice %tanh3A_1034 {offsets = [1, 128], sizes = [1, 64], strides = [1, 1]} : vector<2x256xf32> to vector<1x64xf32>
      %mul3A_1046 = arith.mulf %slice3A_1043, %add3A_1013 : vector<1x64xf32>
      %mul3A_1047 = arith.mulf %slice3A_1042, %slice3A_1045 : vector<1x64xf32>
      %add3A_1048 = arith.addf %mul3A_1046, %mul3A_1047 : vector<1x64xf32>
      %tanh3A_1049 = math.tanh %add3A_1048 : vector<1x64xf32>
      %mul3A_1050 = arith.mulf %slice3A_1044, %tanh3A_1049 : vector<1x64xf32>
      %slice3A_1051 = vector.extract_strided_slice %get3A_109 {offsets = [27, 0], sizes = [1, 256], strides = [1, 1]} : vector<40x256xf32> to vector<1x256xf32>
      %convert_element_type3A_1052 = arith.truncf %mul3A_1050 : vector<1x64xf32> to vector<1x64xbf16>
      %convert_element_type3A_1053 = arith.extf %convert_element_type3A_1052 : vector<1x64xbf16> to vector<1x64xf32>
      %sub3A_1054 = arith.subf %mul3A_1050, %convert_element_type3A_1053 : vector<1x64xf32>
      %convert_element_type3A_1055 = arith.truncf %sub3A_1054 : vector<1x64xf32> to vector<1x64xbf16>
      %dot_general3A_1056 = arith.constant dense<0.000000e+00> : vector<1x256xf32>
      %dot_general3A_1057 = tpu.matmul %convert_element_type3A_1052, %get3A_42, %dot_general3A_1056 {dimension_numbers = #tpu.dot_dimension_numbers<[1], [0], [0], [1], [0, 0, 1, 1], [], []>, transpose_lhs_hint = false} : vector<1x64xbf16>, vector<64x256xbf16>, vector<1x256xf32> -> vector<1x256xf32>
      %add3A_1058 = arith.addf %slice3A_1051, %dot_general3A_1057 : vector<1x256xf32>
      %dot_general3A_1059 = arith.constant dense<0.000000e+00> : vector<1x256xf32>
      %dot_general3A_1060 = tpu.matmul %convert_element_type3A_1052, %get3A_45, %dot_general3A_1059 {dimension_numbers = #tpu.dot_dimension_numbers<[1], [0], [0], [1], [0, 0, 1, 1], [], []>, transpose_lhs_hint = false} : vector<1x64xbf16>, vector<64x256xbf16>, vector<1x256xf32> -> vector<1x256xf32>
      %add3A_1061 = arith.addf %add3A_1058, %dot_general3A_1060 : vector<1x256xf32>
      %dot_general3A_1062 = arith.constant dense<0.000000e+00> : vector<1x256xf32>
      %dot_general3A_1063 = tpu.matmul %convert_element_type3A_1055, %get3A_42, %dot_general3A_1062 {dimension_numbers = #tpu.dot_dimension_numbers<[1], [0], [0], [1], [0, 0, 1, 1], [], []>, transpose_lhs_hint = false} : vector<1x64xbf16>, vector<64x256xbf16>, vector<1x256xf32> -> vector<1x256xf32>
      %add3A_1064 = arith.addf %add3A_1061, %dot_general3A_1063 : vector<1x256xf32>
      %mul3A_1065 = arith.constant 5.000000e-01 : f32
      %mul3A_1066 = vector.broadcast %mul3A_1065 : f32 to vector<1x256xf32>
      %mul3A_1067 = arith.mulf %add3A_1064, %mul3A_1066 : vector<1x256xf32>
      %concatenate3A_1068 = tpu.concatenate %mul3A_1067, %add3A_1064 in 0 : vector<1x256xf32>, vector<1x256xf32> -> vector<2x256xf32>
      %tanh3A_1069 = math.tanh %concatenate3A_1068 : vector<2x256xf32>
      %slice3A_1070 = vector.extract_strided_slice %tanh3A_1069 {offsets = [0, 0], sizes = [1, 256], strides = [1, 1]} : vector<2x256xf32> to vector<1x256xf32>
      %mul3A_1071 = arith.constant 5.000000e-01 : f32
      %mul3A_1072 = vector.broadcast %mul3A_1071 : f32 to vector<1x256xf32>
      %mul3A_1073 = arith.mulf %mul3A_1072, %slice3A_1070 : vector<1x256xf32>
      %add3A_1074 = arith.constant 5.000000e-01 : f32
      %add3A_1075 = vector.broadcast %add3A_1074 : f32 to vector<1x256xf32>
      %add3A_1076 = arith.addf %add3A_1075, %mul3A_1073 : vector<1x256xf32>
      %slice3A_1077 = vector.extract_strided_slice %add3A_1076 {offsets = [0, 0], sizes = [1, 64], strides = [1, 1]} : vector<1x256xf32> to vector<1x64xf32>
      %slice3A_1078 = vector.extract_strided_slice %add3A_1076 {offsets = [0, 64], sizes = [1, 64], strides = [1, 1]} : vector<1x256xf32> to vector<1x64xf32>
      %slice3A_1079 = vector.extract_strided_slice %add3A_1076 {offsets = [0, 192], sizes = [1, 64], strides = [1, 1]} : vector<1x256xf32> to vector<1x64xf32>
      %slice3A_1080 = vector.extract_strided_slice %tanh3A_1069 {offsets = [1, 128], sizes = [1, 64], strides = [1, 1]} : vector<2x256xf32> to vector<1x64xf32>
      %mul3A_1081 = arith.mulf %slice3A_1078, %add3A_1048 : vector<1x64xf32>
      %mul3A_1082 = arith.mulf %slice3A_1077, %slice3A_1080 : vector<1x64xf32>
      %add3A_1083 = arith.addf %mul3A_1081, %mul3A_1082 : vector<1x64xf32>
      %tanh3A_1084 = math.tanh %add3A_1083 : vector<1x64xf32>
      %mul3A_1085 = arith.mulf %slice3A_1079, %tanh3A_1084 : vector<1x64xf32>
      %slice3A_1086 = vector.extract_strided_slice %get3A_109 {offsets = [28, 0], sizes = [1, 256], strides = [1, 1]} : vector<40x256xf32> to vector<1x256xf32>
      %convert_element_type3A_1087 = arith.truncf %mul3A_1085 : vector<1x64xf32> to vector<1x64xbf16>
      %convert_element_type3A_1088 = arith.extf %convert_element_type3A_1087 : vector<1x64xbf16> to vector<1x64xf32>
      %sub3A_1089 = arith.subf %mul3A_1085, %convert_element_type3A_1088 : vector<1x64xf32>
      %convert_element_type3A_1090 = arith.truncf %sub3A_1089 : vector<1x64xf32> to vector<1x64xbf16>
      %dot_general3A_1091 = arith.constant dense<0.000000e+00> : vector<1x256xf32>
      %dot_general3A_1092 = tpu.matmul %convert_element_type3A_1087, %get3A_42, %dot_general3A_1091 {dimension_numbers = #tpu.dot_dimension_numbers<[1], [0], [0], [1], [0, 0, 1, 1], [], []>, transpose_lhs_hint = false} : vector<1x64xbf16>, vector<64x256xbf16>, vector<1x256xf32> -> vector<1x256xf32>
      %add3A_1093 = arith.addf %slice3A_1086, %dot_general3A_1092 : vector<1x256xf32>
      %dot_general3A_1094 = arith.constant dense<0.000000e+00> : vector<1x256xf32>
      %dot_general3A_1095 = tpu.matmul %convert_element_type3A_1087, %get3A_45, %dot_general3A_1094 {dimension_numbers = #tpu.dot_dimension_numbers<[1], [0], [0], [1], [0, 0, 1, 1], [], []>, transpose_lhs_hint = false} : vector<1x64xbf16>, vector<64x256xbf16>, vector<1x256xf32> -> vector<1x256xf32>
      %add3A_1096 = arith.addf %add3A_1093, %dot_general3A_1095 : vector<1x256xf32>
      %dot_general3A_1097 = arith.constant dense<0.000000e+00> : vector<1x256xf32>
      %dot_general3A_1098 = tpu.matmul %convert_element_type3A_1090, %get3A_42, %dot_general3A_1097 {dimension_numbers = #tpu.dot_dimension_numbers<[1], [0], [0], [1], [0, 0, 1, 1], [], []>, transpose_lhs_hint = false} : vector<1x64xbf16>, vector<64x256xbf16>, vector<1x256xf32> -> vector<1x256xf32>
      %add3A_1099 = arith.addf %add3A_1096, %dot_general3A_1098 : vector<1x256xf32>
      %mul3A_1100 = arith.constant 5.000000e-01 : f32
      %mul3A_1101 = vector.broadcast %mul3A_1100 : f32 to vector<1x256xf32>
      %mul3A_1102 = arith.mulf %add3A_1099, %mul3A_1101 : vector<1x256xf32>
      %concatenate3A_1103 = tpu.concatenate %mul3A_1102, %add3A_1099 in 0 : vector<1x256xf32>, vector<1x256xf32> -> vector<2x256xf32>
      %tanh3A_1104 = math.tanh %concatenate3A_1103 : vector<2x256xf32>
      %slice3A_1105 = vector.extract_strided_slice %tanh3A_1104 {offsets = [0, 0], sizes = [1, 256], strides = [1, 1]} : vector<2x256xf32> to vector<1x256xf32>
      %mul3A_1106 = arith.constant 5.000000e-01 : f32
      %mul3A_1107 = vector.broadcast %mul3A_1106 : f32 to vector<1x256xf32>
      %mul3A_1108 = arith.mulf %mul3A_1107, %slice3A_1105 : vector<1x256xf32>
      %add3A_1109 = arith.constant 5.000000e-01 : f32
      %add3A_1110 = vector.broadcast %add3A_1109 : f32 to vector<1x256xf32>
      %add3A_1111 = arith.addf %add3A_1110, %mul3A_1108 : vector<1x256xf32>
      %slice3A_1112 = vector.extract_strided_slice %add3A_1111 {offsets = [0, 0], sizes = [1, 64], strides = [1, 1]} : vector<1x256xf32> to vector<1x64xf32>
      %slice3A_1113 = vector.extract_strided_slice %add3A_1111 {offsets = [0, 64], sizes = [1, 64], strides = [1, 1]} : vector<1x256xf32> to vector<1x64xf32>
      %slice3A_1114 = vector.extract_strided_slice %add3A_1111 {offsets = [0, 192], sizes = [1, 64], strides = [1, 1]} : vector<1x256xf32> to vector<1x64xf32>
      %slice3A_1115 = vector.extract_strided_slice %tanh3A_1104 {offsets = [1, 128], sizes = [1, 64], strides = [1, 1]} : vector<2x256xf32> to vector<1x64xf32>
      %mul3A_1116 = arith.mulf %slice3A_1113, %add3A_1083 : vector<1x64xf32>
      %mul3A_1117 = arith.mulf %slice3A_1112, %slice3A_1115 : vector<1x64xf32>
      %add3A_1118 = arith.addf %mul3A_1116, %mul3A_1117 : vector<1x64xf32>
      %tanh3A_1119 = math.tanh %add3A_1118 : vector<1x64xf32>
      %mul3A_1120 = arith.mulf %slice3A_1114, %tanh3A_1119 : vector<1x64xf32>
      %slice3A_1121 = vector.extract_strided_slice %get3A_109 {offsets = [29, 0], sizes = [1, 256], strides = [1, 1]} : vector<40x256xf32> to vector<1x256xf32>
      %convert_element_type3A_1122 = arith.truncf %mul3A_1120 : vector<1x64xf32> to vector<1x64xbf16>
      %convert_element_type3A_1123 = arith.extf %convert_element_type3A_1122 : vector<1x64xbf16> to vector<1x64xf32>
      %sub3A_1124 = arith.subf %mul3A_1120, %convert_element_type3A_1123 : vector<1x64xf32>
      %convert_element_type3A_1125 = arith.truncf %sub3A_1124 : vector<1x64xf32> to vector<1x64xbf16>
      %dot_general3A_1126 = arith.constant dense<0.000000e+00> : vector<1x256xf32>
      %dot_general3A_1127 = tpu.matmul %convert_element_type3A_1122, %get3A_42, %dot_general3A_1126 {dimension_numbers = #tpu.dot_dimension_numbers<[1], [0], [0], [1], [0, 0, 1, 1], [], []>, transpose_lhs_hint = false} : vector<1x64xbf16>, vector<64x256xbf16>, vector<1x256xf32> -> vector<1x256xf32>
      %add3A_1128 = arith.addf %slice3A_1121, %dot_general3A_1127 : vector<1x256xf32>
      %dot_general3A_1129 = arith.constant dense<0.000000e+00> : vector<1x256xf32>
      %dot_general3A_1130 = tpu.matmul %convert_element_type3A_1122, %get3A_45, %dot_general3A_1129 {dimension_numbers = #tpu.dot_dimension_numbers<[1], [0], [0], [1], [0, 0, 1, 1], [], []>, transpose_lhs_hint = false} : vector<1x64xbf16>, vector<64x256xbf16>, vector<1x256xf32> -> vector<1x256xf32>
      %add3A_1131 = arith.addf %add3A_1128, %dot_general3A_1130 : vector<1x256xf32>
      %dot_general3A_1132 = arith.constant dense<0.000000e+00> : vector<1x256xf32>
      %dot_general3A_1133 = tpu.matmul %convert_element_type3A_1125, %get3A_42, %dot_general3A_1132 {dimension_numbers = #tpu.dot_dimension_numbers<[1], [0], [0], [1], [0, 0, 1, 1], [], []>, transpose_lhs_hint = false} : vector<1x64xbf16>, vector<64x256xbf16>, vector<1x256xf32> -> vector<1x256xf32>
      %add3A_1134 = arith.addf %add3A_1131, %dot_general3A_1133 : vector<1x256xf32>
      %mul3A_1135 = arith.constant 5.000000e-01 : f32
      %mul3A_1136 = vector.broadcast %mul3A_1135 : f32 to vector<1x256xf32>
      %mul3A_1137 = arith.mulf %add3A_1134, %mul3A_1136 : vector<1x256xf32>
      %concatenate3A_1138 = tpu.concatenate %mul3A_1137, %add3A_1134 in 0 : vector<1x256xf32>, vector<1x256xf32> -> vector<2x256xf32>
      %tanh3A_1139 = math.tanh %concatenate3A_1138 : vector<2x256xf32>
      %slice3A_1140 = vector.extract_strided_slice %tanh3A_1139 {offsets = [0, 0], sizes = [1, 256], strides = [1, 1]} : vector<2x256xf32> to vector<1x256xf32>
      %mul3A_1141 = arith.constant 5.000000e-01 : f32
      %mul3A_1142 = vector.broadcast %mul3A_1141 : f32 to vector<1x256xf32>
      %mul3A_1143 = arith.mulf %mul3A_1142, %slice3A_1140 : vector<1x256xf32>
      %add3A_1144 = arith.constant 5.000000e-01 : f32
      %add3A_1145 = vector.broadcast %add3A_1144 : f32 to vector<1x256xf32>
      %add3A_1146 = arith.addf %add3A_1145, %mul3A_1143 : vector<1x256xf32>
      %slice3A_1147 = vector.extract_strided_slice %add3A_1146 {offsets = [0, 0], sizes = [1, 64], strides = [1, 1]} : vector<1x256xf32> to vector<1x64xf32>
      %slice3A_1148 = vector.extract_strided_slice %add3A_1146 {offsets = [0, 64], sizes = [1, 64], strides = [1, 1]} : vector<1x256xf32> to vector<1x64xf32>
      %slice3A_1149 = vector.extract_strided_slice %add3A_1146 {offsets = [0, 192], sizes = [1, 64], strides = [1, 1]} : vector<1x256xf32> to vector<1x64xf32>
      %slice3A_1150 = vector.extract_strided_slice %tanh3A_1139 {offsets = [1, 128], sizes = [1, 64], strides = [1, 1]} : vector<2x256xf32> to vector<1x64xf32>
      %mul3A_1151 = arith.mulf %slice3A_1148, %add3A_1118 : vector<1x64xf32>
      %mul3A_1152 = arith.mulf %slice3A_1147, %slice3A_1150 : vector<1x64xf32>
      %add3A_1153 = arith.addf %mul3A_1151, %mul3A_1152 : vector<1x64xf32>
      %tanh3A_1154 = math.tanh %add3A_1153 : vector<1x64xf32>
      %mul3A_1155 = arith.mulf %slice3A_1149, %tanh3A_1154 : vector<1x64xf32>
      %slice3A_1156 = vector.extract_strided_slice %get3A_109 {offsets = [30, 0], sizes = [1, 256], strides = [1, 1]} : vector<40x256xf32> to vector<1x256xf32>
      %convert_element_type3A_1157 = arith.truncf %mul3A_1155 : vector<1x64xf32> to vector<1x64xbf16>
      %convert_element_type3A_1158 = arith.extf %convert_element_type3A_1157 : vector<1x64xbf16> to vector<1x64xf32>
      %sub3A_1159 = arith.subf %mul3A_1155, %convert_element_type3A_1158 : vector<1x64xf32>
      %convert_element_type3A_1160 = arith.truncf %sub3A_1159 : vector<1x64xf32> to vector<1x64xbf16>
      %dot_general3A_1161 = arith.constant dense<0.000000e+00> : vector<1x256xf32>
      %dot_general3A_1162 = tpu.matmul %convert_element_type3A_1157, %get3A_42, %dot_general3A_1161 {dimension_numbers = #tpu.dot_dimension_numbers<[1], [0], [0], [1], [0, 0, 1, 1], [], []>, transpose_lhs_hint = false} : vector<1x64xbf16>, vector<64x256xbf16>, vector<1x256xf32> -> vector<1x256xf32>
      %add3A_1163 = arith.addf %slice3A_1156, %dot_general3A_1162 : vector<1x256xf32>
      %dot_general3A_1164 = arith.constant dense<0.000000e+00> : vector<1x256xf32>
      %dot_general3A_1165 = tpu.matmul %convert_element_type3A_1157, %get3A_45, %dot_general3A_1164 {dimension_numbers = #tpu.dot_dimension_numbers<[1], [0], [0], [1], [0, 0, 1, 1], [], []>, transpose_lhs_hint = false} : vector<1x64xbf16>, vector<64x256xbf16>, vector<1x256xf32> -> vector<1x256xf32>
      %add3A_1166 = arith.addf %add3A_1163, %dot_general3A_1165 : vector<1x256xf32>
      %dot_general3A_1167 = arith.constant dense<0.000000e+00> : vector<1x256xf32>
      %dot_general3A_1168 = tpu.matmul %convert_element_type3A_1160, %get3A_42, %dot_general3A_1167 {dimension_numbers = #tpu.dot_dimension_numbers<[1], [0], [0], [1], [0, 0, 1, 1], [], []>, transpose_lhs_hint = false} : vector<1x64xbf16>, vector<64x256xbf16>, vector<1x256xf32> -> vector<1x256xf32>
      %add3A_1169 = arith.addf %add3A_1166, %dot_general3A_1168 : vector<1x256xf32>
      %mul3A_1170 = arith.constant 5.000000e-01 : f32
      %mul3A_1171 = vector.broadcast %mul3A_1170 : f32 to vector<1x256xf32>
      %mul3A_1172 = arith.mulf %add3A_1169, %mul3A_1171 : vector<1x256xf32>
      %concatenate3A_1173 = tpu.concatenate %mul3A_1172, %add3A_1169 in 0 : vector<1x256xf32>, vector<1x256xf32> -> vector<2x256xf32>
      %tanh3A_1174 = math.tanh %concatenate3A_1173 : vector<2x256xf32>
      %slice3A_1175 = vector.extract_strided_slice %tanh3A_1174 {offsets = [0, 0], sizes = [1, 256], strides = [1, 1]} : vector<2x256xf32> to vector<1x256xf32>
      %mul3A_1176 = arith.constant 5.000000e-01 : f32
      %mul3A_1177 = vector.broadcast %mul3A_1176 : f32 to vector<1x256xf32>
      %mul3A_1178 = arith.mulf %mul3A_1177, %slice3A_1175 : vector<1x256xf32>
      %add3A_1179 = arith.constant 5.000000e-01 : f32
      %add3A_1180 = vector.broadcast %add3A_1179 : f32 to vector<1x256xf32>
      %add3A_1181 = arith.addf %add3A_1180, %mul3A_1178 : vector<1x256xf32>
      %slice3A_1182 = vector.extract_strided_slice %add3A_1181 {offsets = [0, 0], sizes = [1, 64], strides = [1, 1]} : vector<1x256xf32> to vector<1x64xf32>
      %slice3A_1183 = vector.extract_strided_slice %add3A_1181 {offsets = [0, 64], sizes = [1, 64], strides = [1, 1]} : vector<1x256xf32> to vector<1x64xf32>
      %slice3A_1184 = vector.extract_strided_slice %add3A_1181 {offsets = [0, 192], sizes = [1, 64], strides = [1, 1]} : vector<1x256xf32> to vector<1x64xf32>
      %slice3A_1185 = vector.extract_strided_slice %tanh3A_1174 {offsets = [1, 128], sizes = [1, 64], strides = [1, 1]} : vector<2x256xf32> to vector<1x64xf32>
      %mul3A_1186 = arith.mulf %slice3A_1183, %add3A_1153 : vector<1x64xf32>
      %mul3A_1187 = arith.mulf %slice3A_1182, %slice3A_1185 : vector<1x64xf32>
      %add3A_1188 = arith.addf %mul3A_1186, %mul3A_1187 : vector<1x64xf32>
      %tanh3A_1189 = math.tanh %add3A_1188 : vector<1x64xf32>
      %mul3A_1190 = arith.mulf %slice3A_1184, %tanh3A_1189 : vector<1x64xf32>
      %slice3A_1191 = vector.extract_strided_slice %get3A_109 {offsets = [31, 0], sizes = [1, 256], strides = [1, 1]} : vector<40x256xf32> to vector<1x256xf32>
      %convert_element_type3A_1192 = arith.truncf %mul3A_1190 : vector<1x64xf32> to vector<1x64xbf16>
      %convert_element_type3A_1193 = arith.extf %convert_element_type3A_1192 : vector<1x64xbf16> to vector<1x64xf32>
      %sub3A_1194 = arith.subf %mul3A_1190, %convert_element_type3A_1193 : vector<1x64xf32>
      %convert_element_type3A_1195 = arith.truncf %sub3A_1194 : vector<1x64xf32> to vector<1x64xbf16>
      %dot_general3A_1196 = arith.constant dense<0.000000e+00> : vector<1x256xf32>
      %dot_general3A_1197 = tpu.matmul %convert_element_type3A_1192, %get3A_42, %dot_general3A_1196 {dimension_numbers = #tpu.dot_dimension_numbers<[1], [0], [0], [1], [0, 0, 1, 1], [], []>, transpose_lhs_hint = false} : vector<1x64xbf16>, vector<64x256xbf16>, vector<1x256xf32> -> vector<1x256xf32>
      %add3A_1198 = arith.addf %slice3A_1191, %dot_general3A_1197 : vector<1x256xf32>
      %dot_general3A_1199 = arith.constant dense<0.000000e+00> : vector<1x256xf32>
      %dot_general3A_1200 = tpu.matmul %convert_element_type3A_1192, %get3A_45, %dot_general3A_1199 {dimension_numbers = #tpu.dot_dimension_numbers<[1], [0], [0], [1], [0, 0, 1, 1], [], []>, transpose_lhs_hint = false} : vector<1x64xbf16>, vector<64x256xbf16>, vector<1x256xf32> -> vector<1x256xf32>
      %add3A_1201 = arith.addf %add3A_1198, %dot_general3A_1200 : vector<1x256xf32>
      %dot_general3A_1202 = arith.constant dense<0.000000e+00> : vector<1x256xf32>
      %dot_general3A_1203 = tpu.matmul %convert_element_type3A_1195, %get3A_42, %dot_general3A_1202 {dimension_numbers = #tpu.dot_dimension_numbers<[1], [0], [0], [1], [0, 0, 1, 1], [], []>, transpose_lhs_hint = false} : vector<1x64xbf16>, vector<64x256xbf16>, vector<1x256xf32> -> vector<1x256xf32>
      %add3A_1204 = arith.addf %add3A_1201, %dot_general3A_1203 : vector<1x256xf32>
      %mul3A_1205 = arith.constant 5.000000e-01 : f32
      %mul3A_1206 = vector.broadcast %mul3A_1205 : f32 to vector<1x256xf32>
      %mul3A_1207 = arith.mulf %add3A_1204, %mul3A_1206 : vector<1x256xf32>
      %concatenate3A_1208 = tpu.concatenate %mul3A_1207, %add3A_1204 in 0 : vector<1x256xf32>, vector<1x256xf32> -> vector<2x256xf32>
      %tanh3A_1209 = math.tanh %concatenate3A_1208 : vector<2x256xf32>
      %slice3A_1210 = vector.extract_strided_slice %tanh3A_1209 {offsets = [0, 0], sizes = [1, 256], strides = [1, 1]} : vector<2x256xf32> to vector<1x256xf32>
      %mul3A_1211 = arith.constant 5.000000e-01 : f32
      %mul3A_1212 = vector.broadcast %mul3A_1211 : f32 to vector<1x256xf32>
      %mul3A_1213 = arith.mulf %mul3A_1212, %slice3A_1210 : vector<1x256xf32>
      %add3A_1214 = arith.constant 5.000000e-01 : f32
      %add3A_1215 = vector.broadcast %add3A_1214 : f32 to vector<1x256xf32>
      %add3A_1216 = arith.addf %add3A_1215, %mul3A_1213 : vector<1x256xf32>
      %slice3A_1217 = vector.extract_strided_slice %add3A_1216 {offsets = [0, 0], sizes = [1, 64], strides = [1, 1]} : vector<1x256xf32> to vector<1x64xf32>
      %slice3A_1218 = vector.extract_strided_slice %add3A_1216 {offsets = [0, 64], sizes = [1, 64], strides = [1, 1]} : vector<1x256xf32> to vector<1x64xf32>
      %slice3A_1219 = vector.extract_strided_slice %add3A_1216 {offsets = [0, 192], sizes = [1, 64], strides = [1, 1]} : vector<1x256xf32> to vector<1x64xf32>
      %slice3A_1220 = vector.extract_strided_slice %tanh3A_1209 {offsets = [1, 128], sizes = [1, 64], strides = [1, 1]} : vector<2x256xf32> to vector<1x64xf32>
      %mul3A_1221 = arith.mulf %slice3A_1218, %add3A_1188 : vector<1x64xf32>
      %mul3A_1222 = arith.mulf %slice3A_1217, %slice3A_1220 : vector<1x64xf32>
      %add3A_1223 = arith.addf %mul3A_1221, %mul3A_1222 : vector<1x64xf32>
      %tanh3A_1224 = math.tanh %add3A_1223 : vector<1x64xf32>
      %mul3A_1225 = arith.mulf %slice3A_1219, %tanh3A_1224 : vector<1x64xf32>
      %slice3A_1226 = vector.extract_strided_slice %get3A_109 {offsets = [32, 0], sizes = [1, 256], strides = [1, 1]} : vector<40x256xf32> to vector<1x256xf32>
      %convert_element_type3A_1227 = arith.truncf %mul3A_1225 : vector<1x64xf32> to vector<1x64xbf16>
      %convert_element_type3A_1228 = arith.extf %convert_element_type3A_1227 : vector<1x64xbf16> to vector<1x64xf32>
      %sub3A_1229 = arith.subf %mul3A_1225, %convert_element_type3A_1228 : vector<1x64xf32>
      %convert_element_type3A_1230 = arith.truncf %sub3A_1229 : vector<1x64xf32> to vector<1x64xbf16>
      %dot_general3A_1231 = arith.constant dense<0.000000e+00> : vector<1x256xf32>
      %dot_general3A_1232 = tpu.matmul %convert_element_type3A_1227, %get3A_42, %dot_general3A_1231 {dimension_numbers = #tpu.dot_dimension_numbers<[1], [0], [0], [1], [0, 0, 1, 1], [], []>, transpose_lhs_hint = false} : vector<1x64xbf16>, vector<64x256xbf16>, vector<1x256xf32> -> vector<1x256xf32>
      %add3A_1233 = arith.addf %slice3A_1226, %dot_general3A_1232 : vector<1x256xf32>
      %dot_general3A_1234 = arith.constant dense<0.000000e+00> : vector<1x256xf32>
      %dot_general3A_1235 = tpu.matmul %convert_element_type3A_1227, %get3A_45, %dot_general3A_1234 {dimension_numbers = #tpu.dot_dimension_numbers<[1], [0], [0], [1], [0, 0, 1, 1], [], []>, transpose_lhs_hint = false} : vector<1x64xbf16>, vector<64x256xbf16>, vector<1x256xf32> -> vector<1x256xf32>
      %add3A_1236 = arith.addf %add3A_1233, %dot_general3A_1235 : vector<1x256xf32>
      %dot_general3A_1237 = arith.constant dense<0.000000e+00> : vector<1x256xf32>
      %dot_general3A_1238 = tpu.matmul %convert_element_type3A_1230, %get3A_42, %dot_general3A_1237 {dimension_numbers = #tpu.dot_dimension_numbers<[1], [0], [0], [1], [0, 0, 1, 1], [], []>, transpose_lhs_hint = false} : vector<1x64xbf16>, vector<64x256xbf16>, vector<1x256xf32> -> vector<1x256xf32>
      %add3A_1239 = arith.addf %add3A_1236, %dot_general3A_1238 : vector<1x256xf32>
      %mul3A_1240 = arith.constant 5.000000e-01 : f32
      %mul3A_1241 = vector.broadcast %mul3A_1240 : f32 to vector<1x256xf32>
      %mul3A_1242 = arith.mulf %add3A_1239, %mul3A_1241 : vector<1x256xf32>
      %concatenate3A_1243 = tpu.concatenate %mul3A_1242, %add3A_1239 in 0 : vector<1x256xf32>, vector<1x256xf32> -> vector<2x256xf32>
      %tanh3A_1244 = math.tanh %concatenate3A_1243 : vector<2x256xf32>
      %slice3A_1245 = vector.extract_strided_slice %tanh3A_1244 {offsets = [0, 0], sizes = [1, 256], strides = [1, 1]} : vector<2x256xf32> to vector<1x256xf32>
      %mul3A_1246 = arith.constant 5.000000e-01 : f32
      %mul3A_1247 = vector.broadcast %mul3A_1246 : f32 to vector<1x256xf32>
      %mul3A_1248 = arith.mulf %mul3A_1247, %slice3A_1245 : vector<1x256xf32>
      %add3A_1249 = arith.constant 5.000000e-01 : f32
      %add3A_1250 = vector.broadcast %add3A_1249 : f32 to vector<1x256xf32>
      %add3A_1251 = arith.addf %add3A_1250, %mul3A_1248 : vector<1x256xf32>
      %slice3A_1252 = vector.extract_strided_slice %add3A_1251 {offsets = [0, 0], sizes = [1, 64], strides = [1, 1]} : vector<1x256xf32> to vector<1x64xf32>
      %slice3A_1253 = vector.extract_strided_slice %add3A_1251 {offsets = [0, 64], sizes = [1, 64], strides = [1, 1]} : vector<1x256xf32> to vector<1x64xf32>
      %slice3A_1254 = vector.extract_strided_slice %add3A_1251 {offsets = [0, 192], sizes = [1, 64], strides = [1, 1]} : vector<1x256xf32> to vector<1x64xf32>
      %slice3A_1255 = vector.extract_strided_slice %tanh3A_1244 {offsets = [1, 128], sizes = [1, 64], strides = [1, 1]} : vector<2x256xf32> to vector<1x64xf32>
      %mul3A_1256 = arith.mulf %slice3A_1253, %add3A_1223 : vector<1x64xf32>
      %mul3A_1257 = arith.mulf %slice3A_1252, %slice3A_1255 : vector<1x64xf32>
      %add3A_1258 = arith.addf %mul3A_1256, %mul3A_1257 : vector<1x64xf32>
      %tanh3A_1259 = math.tanh %add3A_1258 : vector<1x64xf32>
      %mul3A_1260 = arith.mulf %slice3A_1254, %tanh3A_1259 : vector<1x64xf32>
      %slice3A_1261 = vector.extract_strided_slice %get3A_109 {offsets = [33, 0], sizes = [1, 256], strides = [1, 1]} : vector<40x256xf32> to vector<1x256xf32>
      %convert_element_type3A_1262 = arith.truncf %mul3A_1260 : vector<1x64xf32> to vector<1x64xbf16>
      %convert_element_type3A_1263 = arith.extf %convert_element_type3A_1262 : vector<1x64xbf16> to vector<1x64xf32>
      %sub3A_1264 = arith.subf %mul3A_1260, %convert_element_type3A_1263 : vector<1x64xf32>
      %convert_element_type3A_1265 = arith.truncf %sub3A_1264 : vector<1x64xf32> to vector<1x64xbf16>
      %dot_general3A_1266 = arith.constant dense<0.000000e+00> : vector<1x256xf32>
      %dot_general3A_1267 = tpu.matmul %convert_element_type3A_1262, %get3A_42, %dot_general3A_1266 {dimension_numbers = #tpu.dot_dimension_numbers<[1], [0], [0], [1], [0, 0, 1, 1], [], []>, transpose_lhs_hint = false} : vector<1x64xbf16>, vector<64x256xbf16>, vector<1x256xf32> -> vector<1x256xf32>
      %add3A_1268 = arith.addf %slice3A_1261, %dot_general3A_1267 : vector<1x256xf32>
      %dot_general3A_1269 = arith.constant dense<0.000000e+00> : vector<1x256xf32>
      %dot_general3A_1270 = tpu.matmul %convert_element_type3A_1262, %get3A_45, %dot_general3A_1269 {dimension_numbers = #tpu.dot_dimension_numbers<[1], [0], [0], [1], [0, 0, 1, 1], [], []>, transpose_lhs_hint = false} : vector<1x64xbf16>, vector<64x256xbf16>, vector<1x256xf32> -> vector<1x256xf32>
      %add3A_1271 = arith.addf %add3A_1268, %dot_general3A_1270 : vector<1x256xf32>
      %dot_general3A_1272 = arith.constant dense<0.000000e+00> : vector<1x256xf32>
      %dot_general3A_1273 = tpu.matmul %convert_element_type3A_1265, %get3A_42, %dot_general3A_1272 {dimension_numbers = #tpu.dot_dimension_numbers<[1], [0], [0], [1], [0, 0, 1, 1], [], []>, transpose_lhs_hint = false} : vector<1x64xbf16>, vector<64x256xbf16>, vector<1x256xf32> -> vector<1x256xf32>
      %add3A_1274 = arith.addf %add3A_1271, %dot_general3A_1273 : vector<1x256xf32>
      %mul3A_1275 = arith.constant 5.000000e-01 : f32
      %mul3A_1276 = vector.broadcast %mul3A_1275 : f32 to vector<1x256xf32>
      %mul3A_1277 = arith.mulf %add3A_1274, %mul3A_1276 : vector<1x256xf32>
      %concatenate3A_1278 = tpu.concatenate %mul3A_1277, %add3A_1274 in 0 : vector<1x256xf32>, vector<1x256xf32> -> vector<2x256xf32>
      %tanh3A_1279 = math.tanh %concatenate3A_1278 : vector<2x256xf32>
      %slice3A_1280 = vector.extract_strided_slice %tanh3A_1279 {offsets = [0, 0], sizes = [1, 256], strides = [1, 1]} : vector<2x256xf32> to vector<1x256xf32>
      %mul3A_1281 = arith.constant 5.000000e-01 : f32
      %mul3A_1282 = vector.broadcast %mul3A_1281 : f32 to vector<1x256xf32>
      %mul3A_1283 = arith.mulf %mul3A_1282, %slice3A_1280 : vector<1x256xf32>
      %add3A_1284 = arith.constant 5.000000e-01 : f32
      %add3A_1285 = vector.broadcast %add3A_1284 : f32 to vector<1x256xf32>
      %add3A_1286 = arith.addf %add3A_1285, %mul3A_1283 : vector<1x256xf32>
      %slice3A_1287 = vector.extract_strided_slice %add3A_1286 {offsets = [0, 0], sizes = [1, 64], strides = [1, 1]} : vector<1x256xf32> to vector<1x64xf32>
      %slice3A_1288 = vector.extract_strided_slice %add3A_1286 {offsets = [0, 64], sizes = [1, 64], strides = [1, 1]} : vector<1x256xf32> to vector<1x64xf32>
      %slice3A_1289 = vector.extract_strided_slice %add3A_1286 {offsets = [0, 192], sizes = [1, 64], strides = [1, 1]} : vector<1x256xf32> to vector<1x64xf32>
      %slice3A_1290 = vector.extract_strided_slice %tanh3A_1279 {offsets = [1, 128], sizes = [1, 64], strides = [1, 1]} : vector<2x256xf32> to vector<1x64xf32>
      %mul3A_1291 = arith.mulf %slice3A_1288, %add3A_1258 : vector<1x64xf32>
      %mul3A_1292 = arith.mulf %slice3A_1287, %slice3A_1290 : vector<1x64xf32>
      %add3A_1293 = arith.addf %mul3A_1291, %mul3A_1292 : vector<1x64xf32>
      %tanh3A_1294 = math.tanh %add3A_1293 : vector<1x64xf32>
      %mul3A_1295 = arith.mulf %slice3A_1289, %tanh3A_1294 : vector<1x64xf32>
      %slice3A_1296 = vector.extract_strided_slice %get3A_109 {offsets = [34, 0], sizes = [1, 256], strides = [1, 1]} : vector<40x256xf32> to vector<1x256xf32>
      %convert_element_type3A_1297 = arith.truncf %mul3A_1295 : vector<1x64xf32> to vector<1x64xbf16>
      %convert_element_type3A_1298 = arith.extf %convert_element_type3A_1297 : vector<1x64xbf16> to vector<1x64xf32>
      %sub3A_1299 = arith.subf %mul3A_1295, %convert_element_type3A_1298 : vector<1x64xf32>
      %convert_element_type3A_1300 = arith.truncf %sub3A_1299 : vector<1x64xf32> to vector<1x64xbf16>
      %dot_general3A_1301 = arith.constant dense<0.000000e+00> : vector<1x256xf32>
      %dot_general3A_1302 = tpu.matmul %convert_element_type3A_1297, %get3A_42, %dot_general3A_1301 {dimension_numbers = #tpu.dot_dimension_numbers<[1], [0], [0], [1], [0, 0, 1, 1], [], []>, transpose_lhs_hint = false} : vector<1x64xbf16>, vector<64x256xbf16>, vector<1x256xf32> -> vector<1x256xf32>
      %add3A_1303 = arith.addf %slice3A_1296, %dot_general3A_1302 : vector<1x256xf32>
      %dot_general3A_1304 = arith.constant dense<0.000000e+00> : vector<1x256xf32>
      %dot_general3A_1305 = tpu.matmul %convert_element_type3A_1297, %get3A_45, %dot_general3A_1304 {dimension_numbers = #tpu.dot_dimension_numbers<[1], [0], [0], [1], [0, 0, 1, 1], [], []>, transpose_lhs_hint = false} : vector<1x64xbf16>, vector<64x256xbf16>, vector<1x256xf32> -> vector<1x256xf32>
      %add3A_1306 = arith.addf %add3A_1303, %dot_general3A_1305 : vector<1x256xf32>
      %dot_general3A_1307 = arith.constant dense<0.000000e+00> : vector<1x256xf32>
      %dot_general3A_1308 = tpu.matmul %convert_element_type3A_1300, %get3A_42, %dot_general3A_1307 {dimension_numbers = #tpu.dot_dimension_numbers<[1], [0], [0], [1], [0, 0, 1, 1], [], []>, transpose_lhs_hint = false} : vector<1x64xbf16>, vector<64x256xbf16>, vector<1x256xf32> -> vector<1x256xf32>
      %add3A_1309 = arith.addf %add3A_1306, %dot_general3A_1308 : vector<1x256xf32>
      %mul3A_1310 = arith.constant 5.000000e-01 : f32
      %mul3A_1311 = vector.broadcast %mul3A_1310 : f32 to vector<1x256xf32>
      %mul3A_1312 = arith.mulf %add3A_1309, %mul3A_1311 : vector<1x256xf32>
      %concatenate3A_1313 = tpu.concatenate %mul3A_1312, %add3A_1309 in 0 : vector<1x256xf32>, vector<1x256xf32> -> vector<2x256xf32>
      %tanh3A_1314 = math.tanh %concatenate3A_1313 : vector<2x256xf32>
      %slice3A_1315 = vector.extract_strided_slice %tanh3A_1314 {offsets = [0, 0], sizes = [1, 256], strides = [1, 1]} : vector<2x256xf32> to vector<1x256xf32>
      %mul3A_1316 = arith.constant 5.000000e-01 : f32
      %mul3A_1317 = vector.broadcast %mul3A_1316 : f32 to vector<1x256xf32>
      %mul3A_1318 = arith.mulf %mul3A_1317, %slice3A_1315 : vector<1x256xf32>
      %add3A_1319 = arith.constant 5.000000e-01 : f32
      %add3A_1320 = vector.broadcast %add3A_1319 : f32 to vector<1x256xf32>
      %add3A_1321 = arith.addf %add3A_1320, %mul3A_1318 : vector<1x256xf32>
      %slice3A_1322 = vector.extract_strided_slice %add3A_1321 {offsets = [0, 0], sizes = [1, 64], strides = [1, 1]} : vector<1x256xf32> to vector<1x64xf32>
      %slice3A_1323 = vector.extract_strided_slice %add3A_1321 {offsets = [0, 64], sizes = [1, 64], strides = [1, 1]} : vector<1x256xf32> to vector<1x64xf32>
      %slice3A_1324 = vector.extract_strided_slice %add3A_1321 {offsets = [0, 192], sizes = [1, 64], strides = [1, 1]} : vector<1x256xf32> to vector<1x64xf32>
      %slice3A_1325 = vector.extract_strided_slice %tanh3A_1314 {offsets = [1, 128], sizes = [1, 64], strides = [1, 1]} : vector<2x256xf32> to vector<1x64xf32>
      %mul3A_1326 = arith.mulf %slice3A_1323, %add3A_1293 : vector<1x64xf32>
      %mul3A_1327 = arith.mulf %slice3A_1322, %slice3A_1325 : vector<1x64xf32>
      %add3A_1328 = arith.addf %mul3A_1326, %mul3A_1327 : vector<1x64xf32>
      %tanh3A_1329 = math.tanh %add3A_1328 : vector<1x64xf32>
      %mul3A_1330 = arith.mulf %slice3A_1324, %tanh3A_1329 : vector<1x64xf32>
      %slice3A_1331 = vector.extract_strided_slice %get3A_109 {offsets = [35, 0], sizes = [1, 256], strides = [1, 1]} : vector<40x256xf32> to vector<1x256xf32>
      %convert_element_type3A_1332 = arith.truncf %mul3A_1330 : vector<1x64xf32> to vector<1x64xbf16>
      %convert_element_type3A_1333 = arith.extf %convert_element_type3A_1332 : vector<1x64xbf16> to vector<1x64xf32>
      %sub3A_1334 = arith.subf %mul3A_1330, %convert_element_type3A_1333 : vector<1x64xf32>
      %convert_element_type3A_1335 = arith.truncf %sub3A_1334 : vector<1x64xf32> to vector<1x64xbf16>
      %dot_general3A_1336 = arith.constant dense<0.000000e+00> : vector<1x256xf32>
      %dot_general3A_1337 = tpu.matmul %convert_element_type3A_1332, %get3A_42, %dot_general3A_1336 {dimension_numbers = #tpu.dot_dimension_numbers<[1], [0], [0], [1], [0, 0, 1, 1], [], []>, transpose_lhs_hint = false} : vector<1x64xbf16>, vector<64x256xbf16>, vector<1x256xf32> -> vector<1x256xf32>
      %add3A_1338 = arith.addf %slice3A_1331, %dot_general3A_1337 : vector<1x256xf32>
      %dot_general3A_1339 = arith.constant dense<0.000000e+00> : vector<1x256xf32>
      %dot_general3A_1340 = tpu.matmul %convert_element_type3A_1332, %get3A_45, %dot_general3A_1339 {dimension_numbers = #tpu.dot_dimension_numbers<[1], [0], [0], [1], [0, 0, 1, 1], [], []>, transpose_lhs_hint = false} : vector<1x64xbf16>, vector<64x256xbf16>, vector<1x256xf32> -> vector<1x256xf32>
      %add3A_1341 = arith.addf %add3A_1338, %dot_general3A_1340 : vector<1x256xf32>
      %dot_general3A_1342 = arith.constant dense<0.000000e+00> : vector<1x256xf32>
      %dot_general3A_1343 = tpu.matmul %convert_element_type3A_1335, %get3A_42, %dot_general3A_1342 {dimension_numbers = #tpu.dot_dimension_numbers<[1], [0], [0], [1], [0, 0, 1, 1], [], []>, transpose_lhs_hint = false} : vector<1x64xbf16>, vector<64x256xbf16>, vector<1x256xf32> -> vector<1x256xf32>
      %add3A_1344 = arith.addf %add3A_1341, %dot_general3A_1343 : vector<1x256xf32>
      %mul3A_1345 = arith.constant 5.000000e-01 : f32
      %mul3A_1346 = vector.broadcast %mul3A_1345 : f32 to vector<1x256xf32>
      %mul3A_1347 = arith.mulf %add3A_1344, %mul3A_1346 : vector<1x256xf32>
      %concatenate3A_1348 = tpu.concatenate %mul3A_1347, %add3A_1344 in 0 : vector<1x256xf32>, vector<1x256xf32> -> vector<2x256xf32>
      %tanh3A_1349 = math.tanh %concatenate3A_1348 : vector<2x256xf32>
      %slice3A_1350 = vector.extract_strided_slice %tanh3A_1349 {offsets = [0, 0], sizes = [1, 256], strides = [1, 1]} : vector<2x256xf32> to vector<1x256xf32>
      %mul3A_1351 = arith.constant 5.000000e-01 : f32
      %mul3A_1352 = vector.broadcast %mul3A_1351 : f32 to vector<1x256xf32>
      %mul3A_1353 = arith.mulf %mul3A_1352, %slice3A_1350 : vector<1x256xf32>
      %add3A_1354 = arith.constant 5.000000e-01 : f32
      %add3A_1355 = vector.broadcast %add3A_1354 : f32 to vector<1x256xf32>
      %add3A_1356 = arith.addf %add3A_1355, %mul3A_1353 : vector<1x256xf32>
      %slice3A_1357 = vector.extract_strided_slice %add3A_1356 {offsets = [0, 0], sizes = [1, 64], strides = [1, 1]} : vector<1x256xf32> to vector<1x64xf32>
      %slice3A_1358 = vector.extract_strided_slice %add3A_1356 {offsets = [0, 64], sizes = [1, 64], strides = [1, 1]} : vector<1x256xf32> to vector<1x64xf32>
      %slice3A_1359 = vector.extract_strided_slice %add3A_1356 {offsets = [0, 192], sizes = [1, 64], strides = [1, 1]} : vector<1x256xf32> to vector<1x64xf32>
      %slice3A_1360 = vector.extract_strided_slice %tanh3A_1349 {offsets = [1, 128], sizes = [1, 64], strides = [1, 1]} : vector<2x256xf32> to vector<1x64xf32>
      %mul3A_1361 = arith.mulf %slice3A_1358, %add3A_1328 : vector<1x64xf32>
      %mul3A_1362 = arith.mulf %slice3A_1357, %slice3A_1360 : vector<1x64xf32>
      %add3A_1363 = arith.addf %mul3A_1361, %mul3A_1362 : vector<1x64xf32>
      %tanh3A_1364 = math.tanh %add3A_1363 : vector<1x64xf32>
      %mul3A_1365 = arith.mulf %slice3A_1359, %tanh3A_1364 : vector<1x64xf32>
      %slice3A_1366 = vector.extract_strided_slice %get3A_109 {offsets = [36, 0], sizes = [1, 256], strides = [1, 1]} : vector<40x256xf32> to vector<1x256xf32>
      %convert_element_type3A_1367 = arith.truncf %mul3A_1365 : vector<1x64xf32> to vector<1x64xbf16>
      %convert_element_type3A_1368 = arith.extf %convert_element_type3A_1367 : vector<1x64xbf16> to vector<1x64xf32>
      %sub3A_1369 = arith.subf %mul3A_1365, %convert_element_type3A_1368 : vector<1x64xf32>
      %convert_element_type3A_1370 = arith.truncf %sub3A_1369 : vector<1x64xf32> to vector<1x64xbf16>
      %dot_general3A_1371 = arith.constant dense<0.000000e+00> : vector<1x256xf32>
      %dot_general3A_1372 = tpu.matmul %convert_element_type3A_1367, %get3A_42, %dot_general3A_1371 {dimension_numbers = #tpu.dot_dimension_numbers<[1], [0], [0], [1], [0, 0, 1, 1], [], []>, transpose_lhs_hint = false} : vector<1x64xbf16>, vector<64x256xbf16>, vector<1x256xf32> -> vector<1x256xf32>
      %add3A_1373 = arith.addf %slice3A_1366, %dot_general3A_1372 : vector<1x256xf32>
      %dot_general3A_1374 = arith.constant dense<0.000000e+00> : vector<1x256xf32>
      %dot_general3A_1375 = tpu.matmul %convert_element_type3A_1367, %get3A_45, %dot_general3A_1374 {dimension_numbers = #tpu.dot_dimension_numbers<[1], [0], [0], [1], [0, 0, 1, 1], [], []>, transpose_lhs_hint = false} : vector<1x64xbf16>, vector<64x256xbf16>, vector<1x256xf32> -> vector<1x256xf32>
      %add3A_1376 = arith.addf %add3A_1373, %dot_general3A_1375 : vector<1x256xf32>
      %dot_general3A_1377 = arith.constant dense<0.000000e+00> : vector<1x256xf32>
      %dot_general3A_1378 = tpu.matmul %convert_element_type3A_1370, %get3A_42, %dot_general3A_1377 {dimension_numbers = #tpu.dot_dimension_numbers<[1], [0], [0], [1], [0, 0, 1, 1], [], []>, transpose_lhs_hint = false} : vector<1x64xbf16>, vector<64x256xbf16>, vector<1x256xf32> -> vector<1x256xf32>
      %add3A_1379 = arith.addf %add3A_1376, %dot_general3A_1378 : vector<1x256xf32>
      %mul3A_1380 = arith.constant 5.000000e-01 : f32
      %mul3A_1381 = vector.broadcast %mul3A_1380 : f32 to vector<1x256xf32>
      %mul3A_1382 = arith.mulf %add3A_1379, %mul3A_1381 : vector<1x256xf32>
      %concatenate3A_1383 = tpu.concatenate %mul3A_1382, %add3A_1379 in 0 : vector<1x256xf32>, vector<1x256xf32> -> vector<2x256xf32>
      %tanh3A_1384 = math.tanh %concatenate3A_1383 : vector<2x256xf32>
      %slice3A_1385 = vector.extract_strided_slice %tanh3A_1384 {offsets = [0, 0], sizes = [1, 256], strides = [1, 1]} : vector<2x256xf32> to vector<1x256xf32>
      %mul3A_1386 = arith.constant 5.000000e-01 : f32
      %mul3A_1387 = vector.broadcast %mul3A_1386 : f32 to vector<1x256xf32>
      %mul3A_1388 = arith.mulf %mul3A_1387, %slice3A_1385 : vector<1x256xf32>
      %add3A_1389 = arith.constant 5.000000e-01 : f32
      %add3A_1390 = vector.broadcast %add3A_1389 : f32 to vector<1x256xf32>
      %add3A_1391 = arith.addf %add3A_1390, %mul3A_1388 : vector<1x256xf32>
      %slice3A_1392 = vector.extract_strided_slice %add3A_1391 {offsets = [0, 0], sizes = [1, 64], strides = [1, 1]} : vector<1x256xf32> to vector<1x64xf32>
      %slice3A_1393 = vector.extract_strided_slice %add3A_1391 {offsets = [0, 64], sizes = [1, 64], strides = [1, 1]} : vector<1x256xf32> to vector<1x64xf32>
      %slice3A_1394 = vector.extract_strided_slice %add3A_1391 {offsets = [0, 192], sizes = [1, 64], strides = [1, 1]} : vector<1x256xf32> to vector<1x64xf32>
      %slice3A_1395 = vector.extract_strided_slice %tanh3A_1384 {offsets = [1, 128], sizes = [1, 64], strides = [1, 1]} : vector<2x256xf32> to vector<1x64xf32>
      %mul3A_1396 = arith.mulf %slice3A_1393, %add3A_1363 : vector<1x64xf32>
      %mul3A_1397 = arith.mulf %slice3A_1392, %slice3A_1395 : vector<1x64xf32>
      %add3A_1398 = arith.addf %mul3A_1396, %mul3A_1397 : vector<1x64xf32>
      %tanh3A_1399 = math.tanh %add3A_1398 : vector<1x64xf32>
      %mul3A_1400 = arith.mulf %slice3A_1394, %tanh3A_1399 : vector<1x64xf32>
      %slice3A_1401 = vector.extract_strided_slice %get3A_109 {offsets = [37, 0], sizes = [1, 256], strides = [1, 1]} : vector<40x256xf32> to vector<1x256xf32>
      %convert_element_type3A_1402 = arith.truncf %mul3A_1400 : vector<1x64xf32> to vector<1x64xbf16>
      %convert_element_type3A_1403 = arith.extf %convert_element_type3A_1402 : vector<1x64xbf16> to vector<1x64xf32>
      %sub3A_1404 = arith.subf %mul3A_1400, %convert_element_type3A_1403 : vector<1x64xf32>
      %convert_element_type3A_1405 = arith.truncf %sub3A_1404 : vector<1x64xf32> to vector<1x64xbf16>
      %dot_general3A_1406 = arith.constant dense<0.000000e+00> : vector<1x256xf32>
      %dot_general3A_1407 = tpu.matmul %convert_element_type3A_1402, %get3A_42, %dot_general3A_1406 {dimension_numbers = #tpu.dot_dimension_numbers<[1], [0], [0], [1], [0, 0, 1, 1], [], []>, transpose_lhs_hint = false} : vector<1x64xbf16>, vector<64x256xbf16>, vector<1x256xf32> -> vector<1x256xf32>
      %add3A_1408 = arith.addf %slice3A_1401, %dot_general3A_1407 : vector<1x256xf32>
      %dot_general3A_1409 = arith.constant dense<0.000000e+00> : vector<1x256xf32>
      %dot_general3A_1410 = tpu.matmul %convert_element_type3A_1402, %get3A_45, %dot_general3A_1409 {dimension_numbers = #tpu.dot_dimension_numbers<[1], [0], [0], [1], [0, 0, 1, 1], [], []>, transpose_lhs_hint = false} : vector<1x64xbf16>, vector<64x256xbf16>, vector<1x256xf32> -> vector<1x256xf32>
      %add3A_1411 = arith.addf %add3A_1408, %dot_general3A_1410 : vector<1x256xf32>
      %dot_general3A_1412 = arith.constant dense<0.000000e+00> : vector<1x256xf32>
      %dot_general3A_1413 = tpu.matmul %convert_element_type3A_1405, %get3A_42, %dot_general3A_1412 {dimension_numbers = #tpu.dot_dimension_numbers<[1], [0], [0], [1], [0, 0, 1, 1], [], []>, transpose_lhs_hint = false} : vector<1x64xbf16>, vector<64x256xbf16>, vector<1x256xf32> -> vector<1x256xf32>
      %add3A_1414 = arith.addf %add3A_1411, %dot_general3A_1413 : vector<1x256xf32>
      %mul3A_1415 = arith.constant 5.000000e-01 : f32
      %mul3A_1416 = vector.broadcast %mul3A_1415 : f32 to vector<1x256xf32>
      %mul3A_1417 = arith.mulf %add3A_1414, %mul3A_1416 : vector<1x256xf32>
      %concatenate3A_1418 = tpu.concatenate %mul3A_1417, %add3A_1414 in 0 : vector<1x256xf32>, vector<1x256xf32> -> vector<2x256xf32>
      %tanh3A_1419 = math.tanh %concatenate3A_1418 : vector<2x256xf32>
      %slice3A_1420 = vector.extract_strided_slice %tanh3A_1419 {offsets = [0, 0], sizes = [1, 256], strides = [1, 1]} : vector<2x256xf32> to vector<1x256xf32>
      %mul3A_1421 = arith.constant 5.000000e-01 : f32
      %mul3A_1422 = vector.broadcast %mul3A_1421 : f32 to vector<1x256xf32>
      %mul3A_1423 = arith.mulf %mul3A_1422, %slice3A_1420 : vector<1x256xf32>
      %add3A_1424 = arith.constant 5.000000e-01 : f32
      %add3A_1425 = vector.broadcast %add3A_1424 : f32 to vector<1x256xf32>
      %add3A_1426 = arith.addf %add3A_1425, %mul3A_1423 : vector<1x256xf32>
      %slice3A_1427 = vector.extract_strided_slice %add3A_1426 {offsets = [0, 0], sizes = [1, 64], strides = [1, 1]} : vector<1x256xf32> to vector<1x64xf32>
      %slice3A_1428 = vector.extract_strided_slice %add3A_1426 {offsets = [0, 64], sizes = [1, 64], strides = [1, 1]} : vector<1x256xf32> to vector<1x64xf32>
      %slice3A_1429 = vector.extract_strided_slice %add3A_1426 {offsets = [0, 192], sizes = [1, 64], strides = [1, 1]} : vector<1x256xf32> to vector<1x64xf32>
      %slice3A_1430 = vector.extract_strided_slice %tanh3A_1419 {offsets = [1, 128], sizes = [1, 64], strides = [1, 1]} : vector<2x256xf32> to vector<1x64xf32>
      %mul3A_1431 = arith.mulf %slice3A_1428, %add3A_1398 : vector<1x64xf32>
      %mul3A_1432 = arith.mulf %slice3A_1427, %slice3A_1430 : vector<1x64xf32>
      %add3A_1433 = arith.addf %mul3A_1431, %mul3A_1432 : vector<1x64xf32>
      %tanh3A_1434 = math.tanh %add3A_1433 : vector<1x64xf32>
      %mul3A_1435 = arith.mulf %slice3A_1429, %tanh3A_1434 : vector<1x64xf32>
      %slice3A_1436 = vector.extract_strided_slice %get3A_109 {offsets = [38, 0], sizes = [1, 256], strides = [1, 1]} : vector<40x256xf32> to vector<1x256xf32>
      %convert_element_type3A_1437 = arith.truncf %mul3A_1435 : vector<1x64xf32> to vector<1x64xbf16>
      %convert_element_type3A_1438 = arith.extf %convert_element_type3A_1437 : vector<1x64xbf16> to vector<1x64xf32>
      %sub3A_1439 = arith.subf %mul3A_1435, %convert_element_type3A_1438 : vector<1x64xf32>
      %convert_element_type3A_1440 = arith.truncf %sub3A_1439 : vector<1x64xf32> to vector<1x64xbf16>
      %dot_general3A_1441 = arith.constant dense<0.000000e+00> : vector<1x256xf32>
      %dot_general3A_1442 = tpu.matmul %convert_element_type3A_1437, %get3A_42, %dot_general3A_1441 {dimension_numbers = #tpu.dot_dimension_numbers<[1], [0], [0], [1], [0, 0, 1, 1], [], []>, transpose_lhs_hint = false} : vector<1x64xbf16>, vector<64x256xbf16>, vector<1x256xf32> -> vector<1x256xf32>
      %add3A_1443 = arith.addf %slice3A_1436, %dot_general3A_1442 : vector<1x256xf32>
      %dot_general3A_1444 = arith.constant dense<0.000000e+00> : vector<1x256xf32>
      %dot_general3A_1445 = tpu.matmul %convert_element_type3A_1437, %get3A_45, %dot_general3A_1444 {dimension_numbers = #tpu.dot_dimension_numbers<[1], [0], [0], [1], [0, 0, 1, 1], [], []>, transpose_lhs_hint = false} : vector<1x64xbf16>, vector<64x256xbf16>, vector<1x256xf32> -> vector<1x256xf32>
      %add3A_1446 = arith.addf %add3A_1443, %dot_general3A_1445 : vector<1x256xf32>
      %dot_general3A_1447 = arith.constant dense<0.000000e+00> : vector<1x256xf32>
      %dot_general3A_1448 = tpu.matmul %convert_element_type3A_1440, %get3A_42, %dot_general3A_1447 {dimension_numbers = #tpu.dot_dimension_numbers<[1], [0], [0], [1], [0, 0, 1, 1], [], []>, transpose_lhs_hint = false} : vector<1x64xbf16>, vector<64x256xbf16>, vector<1x256xf32> -> vector<1x256xf32>
      %add3A_1449 = arith.addf %add3A_1446, %dot_general3A_1448 : vector<1x256xf32>
      %mul3A_1450 = arith.constant 5.000000e-01 : f32
      %mul3A_1451 = vector.broadcast %mul3A_1450 : f32 to vector<1x256xf32>
      %mul3A_1452 = arith.mulf %add3A_1449, %mul3A_1451 : vector<1x256xf32>
      %concatenate3A_1453 = tpu.concatenate %mul3A_1452, %add3A_1449 in 0 : vector<1x256xf32>, vector<1x256xf32> -> vector<2x256xf32>
      %tanh3A_1454 = math.tanh %concatenate3A_1453 : vector<2x256xf32>
      %slice3A_1455 = vector.extract_strided_slice %tanh3A_1454 {offsets = [0, 0], sizes = [1, 256], strides = [1, 1]} : vector<2x256xf32> to vector<1x256xf32>
      %mul3A_1456 = arith.constant 5.000000e-01 : f32
      %mul3A_1457 = vector.broadcast %mul3A_1456 : f32 to vector<1x256xf32>
      %mul3A_1458 = arith.mulf %mul3A_1457, %slice3A_1455 : vector<1x256xf32>
      %add3A_1459 = arith.constant 5.000000e-01 : f32
      %add3A_1460 = vector.broadcast %add3A_1459 : f32 to vector<1x256xf32>
      %add3A_1461 = arith.addf %add3A_1460, %mul3A_1458 : vector<1x256xf32>
      %slice3A_1462 = vector.extract_strided_slice %add3A_1461 {offsets = [0, 0], sizes = [1, 64], strides = [1, 1]} : vector<1x256xf32> to vector<1x64xf32>
      %slice3A_1463 = vector.extract_strided_slice %add3A_1461 {offsets = [0, 64], sizes = [1, 64], strides = [1, 1]} : vector<1x256xf32> to vector<1x64xf32>
      %slice3A_1464 = vector.extract_strided_slice %add3A_1461 {offsets = [0, 192], sizes = [1, 64], strides = [1, 1]} : vector<1x256xf32> to vector<1x64xf32>
      %slice3A_1465 = vector.extract_strided_slice %tanh3A_1454 {offsets = [1, 128], sizes = [1, 64], strides = [1, 1]} : vector<2x256xf32> to vector<1x64xf32>
      %mul3A_1466 = arith.mulf %slice3A_1463, %add3A_1433 : vector<1x64xf32>
      %mul3A_1467 = arith.mulf %slice3A_1462, %slice3A_1465 : vector<1x64xf32>
      %add3A_1468 = arith.addf %mul3A_1466, %mul3A_1467 : vector<1x64xf32>
      %tanh3A_1469 = math.tanh %add3A_1468 : vector<1x64xf32>
      %mul3A_1470 = arith.mulf %slice3A_1464, %tanh3A_1469 : vector<1x64xf32>
      %slice3A_1471 = vector.extract_strided_slice %get3A_109 {offsets = [39, 0], sizes = [1, 256], strides = [1, 1]} : vector<40x256xf32> to vector<1x256xf32>
      %convert_element_type3A_1472 = arith.truncf %mul3A_1470 : vector<1x64xf32> to vector<1x64xbf16>
      %convert_element_type3A_1473 = arith.extf %convert_element_type3A_1472 : vector<1x64xbf16> to vector<1x64xf32>
      %sub3A_1474 = arith.subf %mul3A_1470, %convert_element_type3A_1473 : vector<1x64xf32>
      %convert_element_type3A_1475 = arith.truncf %sub3A_1474 : vector<1x64xf32> to vector<1x64xbf16>
      %dot_general3A_1476 = arith.constant dense<0.000000e+00> : vector<1x256xf32>
      %dot_general3A_1477 = tpu.matmul %convert_element_type3A_1472, %get3A_42, %dot_general3A_1476 {dimension_numbers = #tpu.dot_dimension_numbers<[1], [0], [0], [1], [0, 0, 1, 1], [], []>, transpose_lhs_hint = false} : vector<1x64xbf16>, vector<64x256xbf16>, vector<1x256xf32> -> vector<1x256xf32>
      %add3A_1478 = arith.addf %slice3A_1471, %dot_general3A_1477 : vector<1x256xf32>
      %dot_general3A_1479 = arith.constant dense<0.000000e+00> : vector<1x256xf32>
      %dot_general3A_1480 = tpu.matmul %convert_element_type3A_1472, %get3A_45, %dot_general3A_1479 {dimension_numbers = #tpu.dot_dimension_numbers<[1], [0], [0], [1], [0, 0, 1, 1], [], []>, transpose_lhs_hint = false} : vector<1x64xbf16>, vector<64x256xbf16>, vector<1x256xf32> -> vector<1x256xf32>
      %add3A_1481 = arith.addf %add3A_1478, %dot_general3A_1480 : vector<1x256xf32>
      %dot_general3A_1482 = arith.constant dense<0.000000e+00> : vector<1x256xf32>
      %dot_general3A_1483 = tpu.matmul %convert_element_type3A_1475, %get3A_42, %dot_general3A_1482 {dimension_numbers = #tpu.dot_dimension_numbers<[1], [0], [0], [1], [0, 0, 1, 1], [], []>, transpose_lhs_hint = false} : vector<1x64xbf16>, vector<64x256xbf16>, vector<1x256xf32> -> vector<1x256xf32>
      %add3A_1484 = arith.addf %add3A_1481, %dot_general3A_1483 : vector<1x256xf32>
      %mul3A_1485 = arith.constant 5.000000e-01 : f32
      %mul3A_1486 = vector.broadcast %mul3A_1485 : f32 to vector<1x256xf32>
      %mul3A_1487 = arith.mulf %add3A_1484, %mul3A_1486 : vector<1x256xf32>
      %concatenate3A_1488 = tpu.concatenate %mul3A_1487, %add3A_1484 in 0 : vector<1x256xf32>, vector<1x256xf32> -> vector<2x256xf32>
      %tanh3A_1489 = math.tanh %concatenate3A_1488 : vector<2x256xf32>
      %slice3A_1490 = vector.extract_strided_slice %tanh3A_1489 {offsets = [0, 0], sizes = [1, 256], strides = [1, 1]} : vector<2x256xf32> to vector<1x256xf32>
      %mul3A_1491 = arith.constant 5.000000e-01 : f32
      %mul3A_1492 = vector.broadcast %mul3A_1491 : f32 to vector<1x256xf32>
      %mul3A_1493 = arith.mulf %mul3A_1492, %slice3A_1490 : vector<1x256xf32>
      %add3A_1494 = arith.constant 5.000000e-01 : f32
      %add3A_1495 = vector.broadcast %add3A_1494 : f32 to vector<1x256xf32>
      %add3A_1496 = arith.addf %add3A_1495, %mul3A_1493 : vector<1x256xf32>
      %slice3A_1497 = vector.extract_strided_slice %add3A_1496 {offsets = [0, 0], sizes = [1, 64], strides = [1, 1]} : vector<1x256xf32> to vector<1x64xf32>
      %slice3A_1498 = vector.extract_strided_slice %add3A_1496 {offsets = [0, 64], sizes = [1, 64], strides = [1, 1]} : vector<1x256xf32> to vector<1x64xf32>
      %slice3A_1499 = vector.extract_strided_slice %add3A_1496 {offsets = [0, 192], sizes = [1, 64], strides = [1, 1]} : vector<1x256xf32> to vector<1x64xf32>
      %slice3A_1500 = vector.extract_strided_slice %tanh3A_1489 {offsets = [1, 128], sizes = [1, 64], strides = [1, 1]} : vector<2x256xf32> to vector<1x64xf32>
      %mul3A_1501 = arith.mulf %slice3A_1498, %add3A_1468 : vector<1x64xf32>
      %mul3A_1502 = arith.mulf %slice3A_1497, %slice3A_1500 : vector<1x64xf32>
      %add3A_1503 = arith.addf %mul3A_1501, %mul3A_1502 : vector<1x64xf32>
      %tanh3A_1504 = math.tanh %add3A_1503 : vector<1x64xf32>
      %mul3A_1505 = arith.mulf %slice3A_1499, %tanh3A_1504 : vector<1x64xf32>
      %concatenate3A_1506 = tpu.concatenate %mul3A_140, %mul3A_175, %mul3A_210, %mul3A_245, %mul3A_280, %mul3A_315, %mul3A_350, %mul3A_385, %mul3A_420, %mul3A_455, %mul3A_490, %mul3A_525, %mul3A_560, %mul3A_595, %mul3A_630, %mul3A_665, %mul3A_700, %mul3A_735, %mul3A_770, %mul3A_805, %mul3A_840, %mul3A_875, %mul3A_910, %mul3A_945, %mul3A_980, %mul3A_1015, %mul3A_1050, %mul3A_1085, %mul3A_1120, %mul3A_1155, %mul3A_1190, %mul3A_1225, %mul3A_1260, %mul3A_1295, %mul3A_1330, %mul3A_1365, %mul3A_1400, %mul3A_1435, %mul3A_1470, %mul3A_1505 in 0 : vector<1x64xf32>, vector<1x64xf32>, vector<1x64xf32>, vector<1x64xf32>, vector<1x64xf32>, vector<1x64xf32>, vector<1x64xf32>, vector<1x64xf32>, vector<1x64xf32>, vector<1x64xf32>, vector<1x64xf32>, vector<1x64xf32>, vector<1x64xf32>, vector<1x64xf32>, vector<1x64xf32>, vector<1x64xf32>, vector<1x64xf32>, vector<1x64xf32>, vector<1x64xf32>, vector<1x64xf32>, vector<1x64xf32>, vector<1x64xf32>, vector<1x64xf32>, vector<1x64xf32>, vector<1x64xf32>, vector<1x64xf32>, vector<1x64xf32>, vector<1x64xf32>, vector<1x64xf32>, vector<1x64xf32>, vector<1x64xf32>, vector<1x64xf32>, vector<1x64xf32>, vector<1x64xf32>, vector<1x64xf32>, vector<1x64xf32>, vector<1x64xf32>, vector<1x64xf32>, vector<1x64xf32>, vector<1x64xf32> -> vector<40x64xf32>
      %mul3A_1507 = arith.constant 40 : i32
      %mul3A_1508 = arith.muli %scan3A_103, %mul3A_1507 : i32
      %swap3A_1509 = arith.index_cast %mul3A_1508 : i32 to index
      %swap3A_1510 = arith.constant 0 : index
      %swap3A_1511 = vector.load %arg13[%swap3A_1509, %swap3A_1510] : memref<10000x64xf32, #tpu.memory_space<vmem>>, vector<40x64xf32>
      tpu.vector_store %arg13[%swap3A_1509, %swap3A_1510], %concatenate3A_1506 {strides = array<i32>} : memref<10000x64xf32, #tpu.memory_space<vmem>>, vector<40x64xf32>,
      scf.yield %mul3A_1505, %add3A_1503 : vector<1x64xf32>, vector<1x64xf32>
    }
    %scan3A_52 = arith.constant 250 : i32
    %get3A_53 = arith.constant 0 : index
    %get3A_54 = arith.constant 0 : index
    %get3A_55 = vector.load %arg13[%get3A_53, %get3A_54] : memref<10000x64xf32, #tpu.memory_space<vmem>>, vector<10000x64xf32>
    %get3A_56 = arith.constant 0 : index
    %get3A_57 = arith.constant 0 : index
    %get3A_58 = vector.load %arg7[%get3A_56, %get3A_57] : memref<64x1xf32, #tpu.memory_space<vmem>>, vector<64x1xf32>
    %dot_general3A_59 = arith.constant dense<0.000000e+00> : vector<10000x1xf32>
    %dot_general3A_60 = tpu.matmul %get3A_55, %get3A_58, %dot_general3A_59 {dimension_numbers = #tpu.dot_dimension_numbers<[1], [0], [0], [1], [0, 0, 1, 1], [], []>, transpose_lhs_hint = false} : vector<10000x64xf32>, vector<64x1xf32>, vector<10000x1xf32> -> vector<10000x1xf32>
    %get3A_61 = arith.constant 0 : index
    %get3A_62 = arith.constant 0 : index
    %get3A_63 = vector.load %arg8[%get3A_61, %get3A_62] : memref<1x1xf32, #tpu.memory_space<vmem>>, vector<1x1xf32>
    %get3A_64 = vector.extract %get3A_63[0, 0] : f32 from vector<1x1xf32>
    %add3A_65 = vector.broadcast %get3A_64 : f32 to vector<10000x1xf32>
    %add3A_66 = arith.addf %dot_general3A_60, %add3A_65 : vector<10000x1xf32>
    %reduce_max3A = vector.shape_cast %add3A_66 : vector<10000x1xf32> to vector<1x10000x1xf32>
    %reduce_max3A_67 = arith.constant dense<0xFF800000> : vector<1xf32>
    %reduce_max3A_68 = vector.multi_reduction <maximumf>, %reduce_max3A, %reduce_max3A_67 [1, 2] : vector<1x10000x1xf32> to vector<1xf32>
    %reduce_max3A_69 = vector.shape_cast %reduce_max3A_68 : vector<1xf32> to vector<1x1x1xf32>
    %reduce_max3A_70 = vector.extract %reduce_max3A_69[0, 0, 0] : f32 from vector<1x1x1xf32>
    %sub3A = vector.broadcast %reduce_max3A_70 : f32 to vector<10000x1xf32>
    %sub3A_71 = arith.subf %add3A_66, %sub3A : vector<10000x1xf32>
    %exp3A = math.exp %sub3A_71 : vector<10000x1xf32>
    %reduce_sum3A = vector.shape_cast %exp3A : vector<10000x1xf32> to vector<1x10000x1xf32>
    %reduce_sum3A_72 = arith.constant dense<0.000000e+00> : vector<1xf32>
    %reduce_sum3A_73 = vector.multi_reduction <add>, %reduce_sum3A, %reduce_sum3A_72 [1, 2] : vector<1x10000x1xf32> to vector<1xf32>
    %reduce_sum3A_74 = vector.shape_cast %reduce_sum3A_73 : vector<1xf32> to vector<1x1x1xf32>
    %reduce_sum3A_75 = vector.extract %reduce_sum3A_74[0, 0, 0] : f32 from vector<1x1x1xf32>
    %transpose3A = tpu.transpose %exp3A, [1, 0] : vector<10000x1xf32> -> vector<1x10000xf32>
    %dot_general3A_76 = arith.constant dense<0.000000e+00> : vector<1x64xf32>
    %dot_general3A_77 = tpu.matmul %transpose3A, %get3A_55, %dot_general3A_76 {dimension_numbers = #tpu.dot_dimension_numbers<[1], [0], [0], [1], [0, 0, 1, 1], [], []>, transpose_lhs_hint = false} : vector<1x10000xf32>, vector<10000x64xf32>, vector<1x64xf32> -> vector<1x64xf32>
    %div3A_78 = vector.broadcast %reduce_sum3A_75 : f32 to vector<1x64xf32>
    %div3A_79 = arith.divf %dot_general3A_77, %div3A_78 : vector<1x64xf32>
    %get3A_80 = arith.constant 0 : index
    %get3A_81 = arith.constant 0 : index
    %get3A_82 = vector.load %arg9[%get3A_80, %get3A_81] : memref<64x2xf32, #tpu.memory_space<vmem>>, vector<64x2xf32>
    %dot_general3A_83 = arith.constant dense<0.000000e+00> : vector<1x2xf32>
    %dot_general3A_84 = tpu.matmul %div3A_79, %get3A_82, %dot_general3A_83 {dimension_numbers = #tpu.dot_dimension_numbers<[1], [0], [0], [1], [0, 0, 1, 1], [], []>, transpose_lhs_hint = false} : vector<1x64xf32>, vector<64x2xf32>, vector<1x2xf32> -> vector<1x2xf32>
    %get3A_85 = arith.constant 0 : index
    %get3A_86 = arith.constant 0 : index
    %get3A_87 = vector.load %arg10[%get3A_85, %get3A_86] : memref<1x2xf32, #tpu.memory_space<vmem>>, vector<1x2xf32>
    %add3A_88 = arith.addf %dot_general3A_84, %get3A_87 : vector<1x2xf32>
    %reduce_max3A_89 = arith.constant dense<0xFF800000> : vector<1xf32>
    %reduce_max3A_90 = vector.multi_reduction <maximumf>, %add3A_88, %reduce_max3A_89 [1] : vector<1x2xf32> to vector<1xf32>
    %broadcast_in_dim3A_91 = vector.shape_cast %reduce_max3A_90 : vector<1xf32> to vector<1x1xf32>
    %sub3A_92 = vector.broadcast %broadcast_in_dim3A_91 : vector<1x1xf32> to vector<1x2xf32>
    %sub3A_93 = arith.subf %add3A_88, %sub3A_92 : vector<1x2xf32>
    %exp3A_94 = math.exp %sub3A_93 : vector<1x2xf32>
    %reduce_sum3A_95 = arith.constant dense<0.000000e+00> : vector<1xf32>
    %reduce_sum3A_96 = vector.multi_reduction <add>, %exp3A_94, %reduce_sum3A_95 [1] : vector<1x2xf32> to vector<1xf32>
    %broadcast_in_dim3A_97 = vector.shape_cast %reduce_sum3A_96 : vector<1xf32> to vector<1x1xf32>
    %div3A_98 = vector.broadcast %broadcast_in_dim3A_97 : vector<1x1xf32> to vector<1x2xf32>
    %div3A_99 = arith.divf %exp3A_94, %div3A_98 : vector<1x2xf32>
    %swap3A_100 = arith.constant 0 : index
    %swap3A_101 = arith.constant 0 : index
    %swap3A_102 = vector.load %arg11[%swap3A_100, %swap3A_101] : memref<1x2xf32, #tpu.memory_space<vmem>>, vector<1x2xf32>
    tpu.vector_store %arg11[%swap3A_100, %swap3A_101], %div3A_99 {strides = array<i32>} : memref<1x2xf32, #tpu.memory_space<vmem>>, vector<1x2xf32>,
    return
  }
}

</mosaic_0001>

<sc_bundles>
// kernel: kernel.10.cloned.1.call-start
scs
__scs_entry_jumppad:
0x0: {  	(pc) =	sbr.rel $0x88, $3  }
0x1: {  	(tag) =	ssettag $0x0;
	lr =	simm.s32 $0x1  }
0x2: {  	[smem:$0x3F8F] =	sst lr;
	_ =	strace $0xD0000000  }
0x3: {  	_ = 	snop  }
0x4: {  	_ = 	snop  }
0x5: {  	_ = 	snop  }
0x6: {  	_ = 	snop  }
0x7: {  	_ = 	snop  }
__scs_overlays_trampoline_lowered:
0x8: {  	[smem:$0x3F9E] =	sst s0  }
0x9: {  	[smem:$0x3F9F] =	sst s1  }
0xa: {  	[smem:$0x3FA0] =	sst s2  }
0xb: {  	[smem:$0x3FA1] =	sst s3  }
0xc: {  	[smem:$0x3FA2] =	sst s4  }
0xd: {  	[smem:$0x3FA3] =	sst s5  }
0xe: {  	[smem:$0x3FA4] =	sst s6  }
0xf: {  	[smem:$0x3FA5] =	sst s7  }
0x10: {  	[smem:$0x3FA6] =	sst s8  }
0x11: {  	[smem:$0x3FA7] =	sst s9;
	s0 =	simm.s32 @!p0 $0x0  }
0x12: {  	s1 =	sld [smem:$0x3F8D];
	s0 =	simm.s32 @p0 $0x1  }
0x13: {  	[smem:$0x3FA8] =	sst s0;
	s0 =	simm.s32 @!p1 $0x0  }
0x14: {  	s2 =	sld [smem:$0x3F8C];
	s0 =	simm.s32 @p1 $0x1  }
0x15: {  	[smem:$0x3FA9] =	sst s0;
	s0 =	simm.s32 @!p2 $0x0  }
0x16: {  	s3 =	sld [smem:$0x3FDB];
	s0 =	simm.s32 @p2 $0x1  }
0x17: {  	s4 =	simm.s32 $0x1BF5;
	[smem:$0x3FAB] =	sst s0  }
0x18: {  	s0 =	sld [smem:$0x3F8E];
	_ =	swait.ge [sflag:s4], $0x0  }
0x19: {  	s7 =	sld [smem:$0x3F8F]  }
0x1a: {  	s8 =	sadd.s32 $0xFFFFE003, lr  }
0x1b: {  	s9 =	sadd.s32 $0xFFFFFEF7, lr;
	s5 =	simm.s32 $0xFFFFFFFF;
	p2 =	slt.u32 s8, $0xFFFFF086  }
0x1c: {  	p1 =	slt.u32 s9, $0xF7A;
	s5 =	simm.s32 @!p2 $0x0  }
0x1d: {  	s5 =	simm.s32 @p1 $0x1;
	p0 =	seq.s32 s7, s2  }
0x1e: {  	s7 =	smul.u32 @!p0 $0xF7A, s2;
	p2 =	seq.s32 @!p0 s5, $0x0  }
0x1f: {  	s9 =	smul.u32 $0xF7A, s1;
	s8 =	simm.s32 @!p0 $0x1BF5;
	p2 =	por !p2, p0  }
0x20: {  	[sflag:s8] =	ssyncset.s32 @!p0 $0xFFFFF086;
	s6 =	sadd.s32 @!p0 s3, s7;
	s7 =	simm.s32 @!p0 $0x108  }
0x21: {  	s3 =	sadd.s32 s3, s9;
	s6 =	sadd.s32 @!p0 $0x88, s6;
	s7 =	simm.s32 @p2 $0x1082  }
0x22: {  	[simem:s7], [sflag:s8] =	dma.local @!p0 [hbm:s6], $0xF7A  }
0x23: {  	s9 =	sor.u32 $0xD0000000, s2;
	s6 =	simm.s32 $0x108;
	_ =	swait.ge @!p0 [sflag:s8], $0x0  }
0x24: {  	s3 =	sadd.s32 $0x88, s3;
	s6 =	simm.s32 @!p1 $0x1082;
	[sflag:s4] =	ssyncset.s32 $0xFFFFF086  }
0x25: {  	[simem:s6], [sflag:s4] =	dma.local [hbm:s3], $0xF7A  }
0x26: {  	[smem:$0x3F8F] =	sst s1;
	(tag) =	ssettag s2;
	_ =	strace s9  }
0x27: {  	s1 =	sld [smem:$0x3F9F]  }
0x28: {  	s2 =	sld [smem:$0x3FA0]  }
0x29: {  	s4 =	sld [smem:$0x3FA2]  }
0x2a: {  	p0 =	seq.s32 s5, $0x0;
	s5 =	sld [smem:$0x3FA3]  }
0x2b: {  	s6 =	sld [smem:$0x3FA4]  }
0x2c: {  	s7 =	sld [smem:$0x3FA5]  }
0x2d: {  	s3 =	simm.s32 $0x108;
	s8 =	sld [smem:$0x3FA6]  }
0x2e: {  	s3 =	simm.s32 @!p0 $0x1082;
	s9 =	sld [smem:$0x3FA7]  }
0x2f: {  	lr =	sadd.s32 s0, s3;
	s0 =	sld [smem:$0x3F9E]  }
0x30: {  	s3 =	sld [smem:$0x3FA1]  }
0x31: {  	[smem:$0x3FAA] =	sst s10  }
0x32: {  	s10 =	sld [smem:$0x3FA8];
	_ =	sdelay $0x3  }
0x33: {  	p0 =	seq.s32 s10, $0x1;
	s10 =	sld [smem:$0x3FAA];
	_ =	sdelay $0x3  }
0x34: {  	[smem:$0x3FAA] =	sst s10  }
0x35: {  	s10 =	sld [smem:$0x3FA9];
	_ =	sdelay $0x3  }
0x36: {  	p1 =	seq.s32 s10, $0x1;
	s10 =	sld [smem:$0x3FAA];
	_ =	sdelay $0x3  }
0x37: {  	[smem:$0x3FAA] =	sst s10  }
0x38: {  	s10 =	sld [smem:$0x3FAB]  }
0x39: {  	_ = 	snop;
	(pc) =	sbr.ind lr, $3  }
0x3a: {  	_ = 	snop  }
0x3b: {  	_ = 	snop  }
0x3c: {  	p2 =	seq.s32 s10, $0x1;
	s10 =	sld [smem:$0x3FAA]  }
0x3d: {  	_ =	shalt  }
0x3e: {  	_ =	shalt  }
0x3f: {  	_ =	shalt  }
0x40: {  	_ =	shalt  }
0x41: {  	_ =	shalt  }
0x42: {  	_ =	shalt  }
0x43: {  	_ =	shalt  }
0x44: {  	_ =	shalt  }
0x45: {  	_ =	shalt  }
0x46: {  	_ =	shalt  }
0x47: {  	_ =	shalt  }
0x48: {  	_ =	shalt  }
0x49: {  	_ =	shalt  }
0x4a: {  	_ =	shalt  }
0x4b: {  	_ =	shalt  }
0x4c: {  	_ =	shalt  }
0x4d: {  	_ =	shalt  }
0x4e: {  	_ =	shalt  }
0x4f: {  	_ =	shalt  }
0x50: {  	_ =	shalt  }
0x51: {  	_ =	shalt  }
0x52: {  	_ =	shalt  }
0x53: {  	_ =	shalt  }
0x54: {  	_ =	shalt  }
0x55: {  	_ =	shalt  }
0x56: {  	_ =	shalt  }
0x57: {  	_ =	shalt  }
0x58: {  	_ =	shalt  }
0x59: {  	_ =	shalt  }
0x5a: {  	_ =	shalt  }
0x5b: {  	_ =	shalt  }
0x5c: {  	_ =	shalt  }
0x5d: {  	_ =	shalt  }
0x5e: {  	_ =	shalt  }
0x5f: {  	_ =	shalt  }
0x60: {  	_ =	shalt  }
0x61: {  	_ =	shalt  }
0x62: {  	_ =	shalt  }
0x63: {  	_ =	shalt  }
0x64: {  	_ =	shalt  }
0x65: {  	_ =	shalt  }
0x66: {  	_ =	shalt  }
0x67: {  	_ =	shalt  }
0x68: {  	_ =	shalt  }
0x69: {  	_ =	shalt  }
0x6a: {  	_ =	shalt  }
0x6b: {  	_ =	shalt  }
0x6c: {  	_ =	shalt  }
0x6d: {  	_ =	shalt  }
0x6e: {  	_ =	shalt  }
0x6f: {  	_ =	shalt  }
0x70: {  	_ =	shalt  }
0x71: {  	_ =	shalt  }
0x72: {  	_ =	shalt  }
0x73: {  	_ =	shalt  }
0x74: {  	_ =	shalt  }
0x75: {  	_ =	shalt  }
0x76: {  	_ =	shalt  }
0x77: {  	_ =	shalt  }
0x78: {  	_ =	shalt  }
0x79: {  	_ =	shalt  }
0x7a: {  	_ =	shalt  }
0x7b: {  	_ =	shalt  }
0x7c: {  	_ =	shalt  }
0x7d: {  	_ =	shalt  }
0x7e: {  	_ =	shalt  }
0x7f: {  	_ =	shalt  }
0x80: {  	_ =	shalt  }
0x81: {  	_ =	shalt  }
0x82: {  	_ =	shalt  }
0x83: {  	_ =	shalt  }
0x84: {  	_ =	shalt  }
0x85: {  	_ =	shalt  }
0x86: {  	_ =	shalt  }
0x87: {  	_ =	shalt  }
.Lfunc_end0:
.L_simem_size_0:
called_computation.1_lowered:
.L_overlay_start_0:
0x88: {  	s2 =	sld [smem:$0x3FD9]  }
0x89: {  	s3 =	sld [smem:$0x3FFE];
	_ =	sdelay $0x1  }
0x8a: {  	s1 =	srdreg.scid  }
0x8b: {  	s0 =	sand.u32 $0x1, s1  }
0x8c: {  	s17 =	sshll.u32 s0, $0xA;
	s2 =	sadd.s32 s3, s2  }
0x8d: {  	s2 =	sadd.s32 s2, s17  }
0x8e: {  	[smem:$0x3FB6] =	sst s2  }
0x8f: {  	_ = 	snop  }
0x90: {  	s2 =	sld [smem:$0x3FD0];
	(tm) =	ssettm $0x1  }
0x91: {  	s18 =	sld [smem:$0x3FFB];
	_ =	sdelay $0x3  }
0x92: {  	_ =	strace s18  }
0x93: {  	s3 =	sld [smem:$0x3FFC];
	_ =	sdelay $0x3  }
0x94: {  	_ =	strace s3  }
0x95: {  	s3 =	sld [smem:$0x3FFD];
	_ =	sdelay $0x3  }
0x96: {  	_ =	strace s3  }
0x97: {  	_ =	strace $0x8FFFFFFF  }
0x98: {  	s19 =	sld [smem:$0x3FDB];
	_ =	sdelay $0x1  }
0x99: {  	s4 =	simm.s32 $_scs_section_size  }
0x9a: {  	s5 =	simm.s32 $_size__tile_overlayer_lowered;
	s6 =	simm.s32 $_tile_overlayer_lowered  }
0x9b: {  	s22 =	simm.s32 $0x1BFF;
	s21 =	sshll.u32 s6, $0x1;
	s3 =	sadd.s32 s4, s19  }
0x9c: {  	s7 =	simm.s32 $0x0;
	s20 =	sshll.u32 s5, $0x1;
	s5 =	sadd.s32 s21, s3  }
0x9d: {  	[timem:s7], [sflag:s22] =	dma.local [hbm:s5], s20  }
0x9e: {  	_ =	swait.ge [sflag:s22], s20  }
0x9f: {  	s4 =	ssub.s32 $0x0, s20;
	[sflag:s22] =	ssyncset.done $0x0  }
0xa0: {  	[sflag:s22] =	ssyncadd.s32 s4;
	_ =	sdelay $0x1  }
0xa1: {  	s23 =	simm.s32 $0x1B8B  }
0xa2: {  	_ =	swait.ge [sflag:s23], $0x1  }
0xa3: {  	[sflag:s23] =	ssyncset.done $0x0  }
0xa4: {  	s25 =	simm.s32 $0x1B8E;
	s24 =	sld [smem:$0x3FFE];
	[sflag:s23] =	ssyncadd.s32 $0xFFFFFFFF  }
0xa5: {  	s26 =	simm.s32 $execute0_lowered;
	[smem:$0x3FD2] =	sst s25  }
0xa6: {  	s5 =	sshll.u32 s26, $0x1;
	_ =	strace $0x80000049;
	[dreg:$0x1] =	wrdreg $0xFFFFFFFF  }
0xa7: {  	s28 =	simm.s32 $_size_execute0_lowered;
	s3 =	sadd.s32 s3, s5;
	[dreg:$0x0] =	wrdreg $0x0  }
0xa8: {  	s5 =	sshll.u32 s28, $0x1;
	[dreg:$0x2] =	wrdreg s3  }
0xa9: {  	[dreg:$0x3] =	wrdreg s5  }
0xaa: {  	[dreg:$0x4] =	wrdreg $0xC0  }
0xab: {  	_ =	task [dreg:s7], $0x5FFFF  }
0xac: {  	[dreg:$0x1] =	wrdreg $0xFFFFFFFF  }
0xad: {  	[dreg:$0x0] =	wrdreg $0x60  }
0xae: {  	[dreg:$0x2] =	wrdreg s24  }
0xaf: {  	[dreg:$0x3] =	wrdreg s2  }
0xb0: {  	[dreg:$0x4] =	wrdreg $0xB8C00  }
0xb1: {  	[dreg:$0x5] =	wrdreg $0x158C00  }
0xb2: {  	[dreg:$0x6] =	wrdreg $0x9  }
0xb3: {  	_ =	task.clear_ibuf [dreg:s7], $0x7FFFF;
	_ =	strace $0x90000049  }
0xb4: {  	s29 =	simm.s32 $0x9;
	_ =	strace $0x8000004B  }
0xb5: {  	_ =	swait.ge [sflag:s29], $0x1  }
0xb6: {  	[sflag:s29] =	ssyncadd.s32 $0xFFFFFFFF  }
0xb7: {  	_ =	strace $0x9000004B  }
0xb8: {  	_ =	sfence  }
0xb9: {  	s30 =	sld [smem:$0x0];
	_ =	sdelay $0x2  }
0xba: {  	s31 =	sshll.u32 s1, $0xD;
	s1 =	sshrl.u32 s1, $0x2  }
0xbb: {  	s3 =	sand.u32 $0x4000, s31;
	s1 =	sadd.s32 s1, s30  }
0xbc: {  	s0 =	sor.u32 s3, s0;
	s1 =	sshll.u32 s1, $0x11  }
0xbd: {  	s0 =	sor.u32 s1, s0  }
0xbe: {  	s0 =	sadd.s32 $0x8F2B, s0  }
0xbf: {  	[sflag:s0] =	ssyncadd.remote.s32 $0x1  }
0xc0: {  	_ =	sfence.sel $0xFFFF  }
0xc1: {  	[dreg:$0x0] =	wrdreg $0xFFFFFFFF;
	(pc) =	sbr.abs _section_cstart, $3  }
0xc2: {  	[dreg:$0x1] =	wrdreg $0xFFFFFFFF  }
0xc3: {  	_ =	task.clear_ibuf [dreg:s7], $0x2FFFF;
	_ =	strace $0x9FFFFFFF  }
0xc4: {  	(tm) =	ssettm $0x7FFFFFFF  }
0xc5: {  	_ =	shalt  }
tec
execute0_lowered:
.L_overlay_start_1:
0x0: {  	(tag) =	ssettag $0x1  }
0x1: {  	s0 =	rddreg [dreg:$0x0]  }
0x2: {  	s2 =	rddreg [dreg:$0x2]  }
0x3: {  	s3 =	rddreg [dreg:$0x3]  }
0x4: {  	s5 =	simm.s32 $0x0;
	s18 =	stileid.u32;
	s4 =	srdreg.scid  }
0x5: {  	s23 =	simm.s32 $0x5010;
	s28 =	simm.s32 $0x1;
	s29 =	simm.s32 $0x5330  }
0x6: {  	s30 =	simm.s32 $0x0;
	[smem:$0x7FF] =	sst s5;
	s1 =	smul.u32 $0xA000, s18  }
0x7: {  	s6 =	sadd.s32 $0x20200, s0;
	s7 =	sadd.s32 $0x16400, s0;
	s12 =	smul.u32 $0x280, s18  }
0x8: {  	s4 =	sand.u32 $0x1, s4;
	s8 =	sadd.s32 $0x15E00, s0;
	s9 =	sadd.s32 $0x15800, s0  }
0x9: {  	s10 =	sadd.s32 $0x1800, s0;
	s31 =	sshll.u32 s18, $0x6;
	s11 =	smul.u32 $0xA0000, s4  }
0xa: {  	_ =	strace $0x8000004A;
	s14 =	smul.u32 $0x2800, s4;
	s25 =	ssub.s32 $0x2, s4  }
0xb: {  	s4 =	sshll.u32 s4, $0x4;
	s20 =	sor.u32 $0x1C02, s31;
	s13 =	sshrl.u32 s1, $0x3  }
0xc: {  	s15 =	sshrl.u32 s12, $0x3;
	s26 =	sshrl.u32 s25, $0x1;
	s4 =	sor.u32 s18, s4  }
0xd: {  	s22 =	sadd.s32 s12, s3;
	s18 =	simm.s32 $0x2800;
	s13 =	sadd.s32 s13, s0  }
0xe: {  	s11 =	sadd.s32 s1, s11;
	s15 =	sadd.s32 s15, s0;
	s14 =	sadd.s32 s12, s14  }
0xf: {  	s17 =	ssub.s32 s25, s26;
	s1 =	sadd.s32 s1, s2;
	s22 =	sshrl.u32 s22, $0x3  }
0x10: {  	s25 =	simm.s32 $0x190;
	s26 =	simm.s32 $0x54C0;
	s11 =	sshrl.u32 s11, $0x3  }
0x11: {  	s24 =	sshrl.u32 s14, $0x3;
	s12 =	sadd.s32 $0x3E000, s15;
	s21 =	sshrl.u32 s1, $0x3  }
0x12: {  	s16 =	sadd.s32 s11, s0;
	s0 =	sadd.s32 s24, s0;
	s11 =	sadd.s32 $0x2A000, s13  }
0x13: {  	s13 =	smul.u32 $0x2710, s4;
	s24 =	simm.s32 $0x51A0;
	s14 =	sadd.s32 $0x3E600, s16  }
0x14: {  	s15 =	sadd.s32 $0x66600, s0;
	s16 =	smax.u32 s17, $0x1;
	s17 =	simm.s32 $0x2  }
.LBB2_1:
0x15: {  	[tilespmem:s5], [sflag:$0x2] =	stream.linear.gather [hbm4b:s8+s5], $0x2800, $0x38;
	[tilespmem:$0x15B40] =	vst v63  }
0x16: {  	_ =	swait.ge [sflag:s17], $0x2800  }
0x17: {  	[sflag:s17] =	ssyncset.done $0x0  }
0x18: {  	[sflag:s17] =	ssyncadd.s32 $0xFFFFD800  }
0x19: {  	[tilespmem:s18], [sflag:$0x2] =	stream.linear.gather [hbm4b:s9+s5], $0x2800, $0x38;
	[tilespmem:$0x15B40] =	vst v63  }
0x1a: {  	_ =	swait.ge [sflag:s17], $0x2800  }
0x1b: {  	[sflag:s17] =	ssyncset.done $0x0  }
0x1c: {  	[sflag:s17] =	ssyncadd.s32 $0xFFFFD800  }
0x1d: {  	s1 =	simm.s32 $0x5000;
	s0 =	rddreg [dreg:$0x1]  }
0x1e: {  	[tilespmem:s1], [sflag:$0x2] =	stream.linear.gather [hbm4b:s0+s5], $0x10, $0x38;
	[tilespmem:$0x15B40] =	vst v63  }
0x1f: {  	_ =	swait.ge [sflag:s17], $0x10  }
0x20: {  	[sflag:s17] =	ssyncset.done $0x0  }
0x21: {  	[sflag:s17] =	ssyncadd.s32 $0xFFFFFFF0  }
0x22: {  	[spmem:s21], [sflag:s20] =	dma.local [hbm:s11], $0x1400  }
0x23: {  	_ =	swait.ge [sflag:s17], $0x1400  }
0x24: {  	[sflag:s17] =	ssyncset.done $0x0  }
0x25: {  	[sflag:s17] =	ssyncadd.s32 $0xFFFFEC00  }
0x26: {  	[spmem:s22], [sflag:s20] =	dma.local [hbm:s12], $0x50  }
0x27: {  	_ =	swait.ge [sflag:s17], $0x50  }
0x28: {  	[sflag:s17] =	ssyncset.done $0x0  }
0x29: {  	[sflag:s17] =	ssyncadd.s32 $0xFFFFFFB0  }
0x2a: {  	[bflag:$0x0] =	sbarrier.arrive $0xFFFF  }
0x2b: {  	s31 =	simm.s32 $0x0;
	v0 =	vld [tilespmem:$0x5000]  }
.LBB2_2:
0x2c: {  	s0 =	smul.u32 $0x190, s31;
	_ =	sdelay $0x1  }
0x2d: {  	s0 =	sadd.s32 s13, s0  }
0x2e: {  	s0 =	sshrl.u32 s0, $0x3  }
0x2f: {  	s4 =	simm.s32 $0x0;
	s1 =	sadd.s32 s6, s0  }
0x30: {  	[tilespmem:s23], [sflag:$0x2] =	stream.linear.gather [hbm4b:s1+s4], $0x190, $0x38;
	[tilespmem:$0x15B40] =	vst v63  }
0x31: {  	_ =	swait.ge [sflag:s17], $0x190  }
0x32: {  	[sflag:s17] =	ssyncset.done $0x0  }
0x33: {  	s0 =	sadd.s32 s7, s0;
	[sflag:s17] =	ssyncadd.s32 $0xFFFFFE70  }
0x34: {  	[tilespmem:s24], [sflag:$0x2] =	stream.linear.gather [hbm4b:s0+s4], $0x190, $0x38;
	[tilespmem:$0x15B40] =	vst v63  }
0x35: {  	_ =	swait.ge [sflag:s17], $0x190  }
0x36: {  	[sflag:s17] =	ssyncset.done $0x0  }
0x37: {  	s0 =	simm.s32 $0x0;
	[sflag:s17] =	ssyncadd.s32 $0xFFFFFE70  }
0x38: {  	[tilespmem:s26], [sflag:$0x1] =	stream.indirect.gather [hbm4b:s10+s25], $0x40, s23, s25, $0xb8;
	[tilespmem:$0x15B40] =	vst v63  }
0x39: {  	v1 =	vld [tilespmem:s0+$0x51A0]  }
0x3a: {  	v2 =	vld [tilespmem:s0+$0x5010];
	_ =	sdelay $0x6  }
0x3b: {  	v1 =	vld.idx.msk [tilespmem:v1+s18+$0x0], $0xffff  }
0x3c: {  	v2 =	vld.idx.msk [tilespmem:v2+s5+$0x0], $0xffff;
	_ =	sdelay $0x4  }
0x3d: {  	v1 =	vadd.f32 v1, v2;
	_ =	sdelay $0x1  }
0x3e: {  	v2 =	vmul.f32 $2.000000030e-01, v1;
	_ =	sdelay $0x1  }
0x3f: {  	v1 =	vmax.f32 v1, v2  }
0x40: {  	v1 =	vsub.f32 v1, v0;
	_ =	sdelay $0x1  }
0x41: {  	v1 =	vmul.f32 $1.442695020e+00, v1;
	_ =	sdelay $0x1  }
0x42: {  	(erf) = vpow2.f32 v1;
	_ =	sdelay $0x1  }
0x43: {  	s1 =	simm.s32 $0x10  }
0x44: {  	s4 =	simm.s32 $0x80;
	v1 =	vld [tilespmem:s1+$0x51A0]  }
.LBB2_3:
0x45: {  	p0 =	sne.s32 s4, $0x600;
	v2 =	vld [tilespmem:s1+$0x5010];
	_ =	sdelay $0x4  }
0x46: {  	v3 =	vpop (erf)  }
0x47: {  	[tilespmem:s0+$0x5330] =	vst v3;
	s0 =	smov.u32 s1  }
0x48: {  	v1 =	vld.idx.msk [tilespmem:v1+s18+$0x0], $0xffff  }
0x49: {  	v2 =	vld.idx.msk [tilespmem:v2+s5+$0x0], $0xffff;
	_ =	sdelay $0x5  }
0x4a: {  	v1 =	vadd.f32 v1, v2;
	_ =	sdelay $0x1  }
0x4b: {  	v2 =	vmul.f32 $2.000000030e-01, v1;
	_ =	sdelay $0x1  }
0x4c: {  	v1 =	vmax.f32 v1, v2  }
0x4d: {  	v1 =	vsub.f32 v1, v0;
	_ =	sdelay $0x1  }
0x4e: {  	v1 =	vmul.f32 $1.442695020e+00, v1  }
.Ltmp0:
0x4f: {  	(pc) =	sbr.rel @p0 .LBB2_3-.Ltmp0, $3  }
0x50: {  	(erf) = vpow2.f32 v1;
	_ =	sdelay $0x1  }
0x51: {  	s1 =	sshra.s32 s4, $0x2  }
0x52: {  	s4 =	sadd.s32 $0x40, s4;
	v1 =	vld [tilespmem:s1+$0x51A0]  }
0x53: {  	_ = 	snop  }
0x54: {  	v2 =	vld [tilespmem:s1+$0x5010];
	_ =	sdelay $0x4  }
0x55: {  	v3 =	vpop (erf)  }
0x56: {  	[tilespmem:s0+$0x5330] =	vst v3  }
0x57: {  	v1 =	vld.idx.msk [tilespmem:v1+s18+$0x0], $0xffff  }
0x58: {  	v2 =	vld.idx.msk [tilespmem:v2+s5+$0x0], $0xffff;
	_ =	sdelay $0x4  }
0x59: {  	v1 =	vadd.f32 v1, v2;
	_ =	sdelay $0x1  }
0x5a: {  	v2 =	vmul.f32 $2.000000030e-01, v1;
	_ =	sdelay $0x1  }
0x5b: {  	v1 =	vmax.f32 v1, v2  }
0x5c: {  	v1 =	vsub.f32 v1, v0;
	_ =	sdelay $0x1  }
0x5d: {  	v1 =	vmul.f32 $1.442695020e+00, v1;
	_ =	sdelay $0x1  }
0x5e: {  	(erf) = vpow2.f32 v1;
	_ =	sdelay $0x8  }
0x5f: {  	v1 =	vpop (erf)  }
0x60: {  	s4 =	simm.s32 $0x0;
	[tilespmem:s1+$0x5330] =	vst v1  }
0x61: {  	v1 =	vmov s4;
	_ =	swait.ge [sflag:s28], $0x6400  }
0x62: {  	[sflag:s28] =	ssyncset.done $0x0  }
0x63: {  	s0 =	simm.s32 $0x54E0;
	[sflag:s28] =	ssyncadd.s32 $0xFFFF9C00  }
0x64: {  	v3 =	vld [tilespmem:s0+$0xFFFFFFF0]  }
0x65: {  	v4 =	vld [tilespmem:s0+$0x10]  }
0x66: {  	v6 =	vld.idx.msk [tilespmem:v1+s29+$0x0], $0xffff  }
0x67: {  	v1 =	vld [tilespmem:s0+$0xFFFFFFE0]  }
0x68: {  	v7 =	vld [tilespmem:s0+$0x0];
	_ =	sdelay $0x3  }
0x69: {  	s19 =	simm.s32 $0x1;
	v2 =	vmul.f32 v1, v6;
	v5 =	vmul.f32 v4, v6  }
0x6a: {  	s4 =	simm.s32 $0x2;
	s1 =	simm.s32 $0x54E0;
	v1 =	vmov s19;
	v4 =	vmul.f32 v3, v6;
	v3 =	vmul.f32 v7, v6  }
.LBB2_5:
0x6b: {  	p0 =	sne.s32 s4, $0x18F  }
0x6c: {  	[tilespmem:s0+$0x10] =	vst v5;
	s1 =	sadd.s32 $0x40, s1;
	s19 =	smov.u32 s4;
	s4 =	sadd.s32 $0x1, s4  }
0x6d: {  	[tilespmem:s0+$0xFFFFFFE0] =	vst v2  }
0x6e: {  	v6 =	vld [tilespmem:s1+$0xFFFFFFF0];
	[tilespmem:s0+$0xFFFFFFF0] =	vst v4  }
0x6f: {  	v4 =	vld [tilespmem:s1+$0x10];
	[tilespmem:s0+$0x0] =	vst v3;
	s0 =	smov.u32 s1  }
0x70: {  	v3 =	vld.idx.msk [tilespmem:v1+s29+$0x0], $0xffff  }
0x71: {  	v1 =	vld [tilespmem:s1+$0xFFFFFFE0]  }
0x72: {  	v7 =	vld [tilespmem:s1+$0x0]  }
.Ltmp1:
0x73: {  	(pc) =	sbr.rel @p0 .LBB2_5-.Ltmp1, $3  }
0x74: {  	_ =	sdelay $0x1  }
0x75: {  	v5 =	vmul.f32 v4, v3;
	v2 =	vmul.f32 v1, v3  }
0x76: {  	v4 =	vmul.f32 v6, v3;
	v1 =	vmov s19;
	v3 =	vmul.f32 v7, v3  }
0x77: {  	[tilespmem:s0+$0x10] =	vst v5  }
0x78: {  	s1 =	sadd.s32 $0x40, s1;
	[tilespmem:s0+$0xFFFFFFE0] =	vst v2  }
0x79: {  	v2 =	vld [tilespmem:s1+$0xFFFFFFF0];
	[tilespmem:s0+$0xFFFFFFF0] =	vst v4  }
0x7a: {  	v4 =	vld [tilespmem:s1+$0x10];
	[tilespmem:s0+$0x0] =	vst v3  }
0x7b: {  	v1 =	vld.idx.msk [tilespmem:v1+s29+$0x0], $0xffff  }
0x7c: {  	v3 =	vld [tilespmem:s1+$0xFFFFFFE0];
	_ =	sdelay $0x1  }
0x7d: {  	v5 =	vld [tilespmem:s1+$0x0];
	_ =	sdelay $0x1  }
0x7e: {  	v4 =	vmul.f32 v4, v1  }
0x7f: {  	v3 =	vmul.f32 v3, v1  }
0x80: {  	v2 =	vmul.f32 v2, v1;
	[tilespmem:s1+$0x10] =	vst v4  }
0x81: {  	v1 =	vmul.f32 v5, v1;
	[tilespmem:s1+$0xFFFFFFE0] =	vst v3  }
0x82: {  	[tilespmem:s1+$0xFFFFFFF0] =	vst v2  }
0x83: {  	[tilespmem:s1+$0x0] =	vst v1  }
0x84: {  	[spmem:s2] =	stream.indirect.scatter.add.f32 [tilespmem:s26], [sflag:$0x2], $0x40, s24, s25, $0xb8;
	[tilespmem:$0x15B40] =	vst v63  }
0x85: {  	s31 =	sadd.s32 $0x1, s31;
	_ =	swait.ge [sflag:s17], $0x6400  }
0x86: {  	p0 =	sne.s32 s31, $0x19;
	[sflag:s17] =	ssyncset.done $0x0  }
.Ltmp2:
0x87: {  	[sflag:s17] =	ssyncadd.s32 $0xFFFF9C00;
	(pc) =	sbr.rel @p0 .LBB2_2-.Ltmp2, $4  }
0x88: {  	[spmem:s3] =	stream.indirect.scatter.add.f32 [tilespmem:s29], [sflag:$0x2], $0x1, s24, s25, $0xb8;
	[tilespmem:$0x15B40] =	vst v63  }
0x89: {  	_ =	swait.ge [sflag:s17], $0x190  }
0x8a: {  	[sflag:s17] =	ssyncset.done $0x0  }
0x8b: {  	[sflag:s17] =	ssyncadd.s32 $0xFFFFFE70  }
0x8c: {  	[bflag:$0x0] =	sbarrier.arrive $0xFFFF  }
0x8d: {  	[hbm:s14], [sflag:s20] =	dma.local [spmem:s21], $0x1400  }
0x8e: {  	s30 =	sadd.s32 $0x1, s30;
	_ =	swait.ge [sflag:s17], $0x1400  }
0x8f: {  	p0 =	sne.s32 s30, s16;
	[sflag:s17] =	ssyncset.done $0x0  }
.Ltmp3:
0x90: {  	[sflag:s17] =	ssyncadd.s32 $0xFFFFEC00;
	(pc) =	sbr.rel @p0 .LBB2_1-.Ltmp3, $4  }
0x91: {  	[hbm:s15], [sflag:s20] =	dma.local [spmem:s22], $0x50  }
0x92: {  	_ =	swait.ge [sflag:s17], $0x50  }
0x93: {  	[sflag:s17] =	ssyncset.done $0x0  }
0x94: {  	[sflag:s17] =	ssyncadd.s32 $0xFFFFFFB0  }
0x95: {  	_ =	sfence.sel $0x180000  }
0x96: {  	[bflag:$0x0] =	sbarrier.arrive $0xFFFF  }
0x97: {  	_ =	strace $0x9000004A  }
0x98: {  	s0 =	stileid.u32;
	[bflag:$0x2] =	sbarrier.arrive $0xFFFF  }
0x99: {  	p0 =	sne.s32 s0, $0x0;
	s0 =	rddreg [dreg:$0x4]  }
0x9a: {  	s0 =	sadd.s32 @!p0 $0x100000, s0  }
0x9b: {  	[sflag:s0] =	ssyncadd.tile.s32 @!p0 $0x1;
	_ =	shalt  }
.Lfunc_end2:
_tile_overlayer_lowered:
.L_overlay_start_2:
0x9c: {  	(tag) =	ssettag $0x2  }
0x9d: {  	s0 =	rddreg [dreg:$0x0];
	s2 =	stileid.u32  }
0x9e: {  	s1 =	rddreg [dreg:$0x1];
	p0 =	sne.s32 s2, $0x0  }
0x9f: {  	s3 =	rddreg [dreg:$0x2];
	[bflag:$0x3] =	sbarrier.arrive $0xFFFF;
	s2 =	simm.s32 @!p0 $0x1C02  }
0xa0: {  	[timem:s3], [sflag:s2] =	dma.local @!p0 [hbm:s0], s1  }
0xa1: {  	s0 =	simm.s32 @!p0 $0x2  }
0xa2: {  	_ =	swait.ge @!p0 [sflag:s0], s1  }
0xa3: {  	s1 =	ssub.s32 @!p0 $0x0, s1;
	[sflag:s0] =	ssyncset.done @!p0 $0x0  }
0xa4: {  	[sflag:s0] =	ssyncadd.s32 @!p0 s1  }
0xa5: {  	[bflag:$0x3] =	sbarrier.arrive $0xFFFF  }
0xa6: {  	_ =	shalt  }

// kernel: kernel.7.cloned.1.call-start
scs
__scs_entry_jumppad:
0x0: {  	(pc) =	sbr.rel $0x88, $3  }
0x1: {  	(tag) =	ssettag $0x0;
	lr =	simm.s32 $0x1  }
0x2: {  	[smem:$0x3F8F] =	sst lr;
	_ =	strace $0xD0000000  }
0x3: {  	_ = 	snop  }
0x4: {  	_ = 	snop  }
0x5: {  	_ = 	snop  }
0x6: {  	_ = 	snop  }
0x7: {  	_ = 	snop  }
__scs_overlays_trampoline_lowered:
0x8: {  	[smem:$0x3F9E] =	sst s0  }
0x9: {  	[smem:$0x3F9F] =	sst s1  }
0xa: {  	[smem:$0x3FA0] =	sst s2  }
0xb: {  	[smem:$0x3FA1] =	sst s3  }
0xc: {  	[smem:$0x3FA2] =	sst s4  }
0xd: {  	[smem:$0x3FA3] =	sst s5  }
0xe: {  	[smem:$0x3FA4] =	sst s6  }
0xf: {  	[smem:$0x3FA5] =	sst s7  }
0x10: {  	[smem:$0x3FA6] =	sst s8  }
0x11: {  	[smem:$0x3FA7] =	sst s9;
	s0 =	simm.s32 @!p0 $0x0  }
0x12: {  	s1 =	sld [smem:$0x3F8D];
	s0 =	simm.s32 @p0 $0x1  }
0x13: {  	[smem:$0x3FA8] =	sst s0;
	s0 =	simm.s32 @!p1 $0x0  }
0x14: {  	s2 =	sld [smem:$0x3F8C];
	s0 =	simm.s32 @p1 $0x1  }
0x15: {  	[smem:$0x3FA9] =	sst s0;
	s0 =	simm.s32 @!p2 $0x0  }
0x16: {  	s3 =	sld [smem:$0x3FDB];
	s0 =	simm.s32 @p2 $0x1  }
0x17: {  	s4 =	simm.s32 $0x1BF5;
	[smem:$0x3FAB] =	sst s0  }
0x18: {  	s0 =	sld [smem:$0x3F8E];
	_ =	swait.ge [sflag:s4], $0x0  }
0x19: {  	s7 =	sld [smem:$0x3F8F]  }
0x1a: {  	s8 =	sadd.s32 $0xFFFFE003, lr  }
0x1b: {  	s9 =	sadd.s32 $0xFFFFFEF7, lr;
	s5 =	simm.s32 $0xFFFFFFFF;
	p2 =	slt.u32 s8, $0xFFFFF086  }
0x1c: {  	p1 =	slt.u32 s9, $0xF7A;
	s5 =	simm.s32 @!p2 $0x0  }
0x1d: {  	s5 =	simm.s32 @p1 $0x1;
	p0 =	seq.s32 s7, s2  }
0x1e: {  	s7 =	smul.u32 @!p0 $0xF7A, s2;
	p2 =	seq.s32 @!p0 s5, $0x0  }
0x1f: {  	s9 =	smul.u32 $0xF7A, s1;
	s8 =	simm.s32 @!p0 $0x1BF5;
	p2 =	por !p2, p0  }
0x20: {  	[sflag:s8] =	ssyncset.s32 @!p0 $0xFFFFF086;
	s6 =	sadd.s32 @!p0 s3, s7;
	s7 =	simm.s32 @!p0 $0x108  }
0x21: {  	s3 =	sadd.s32 s3, s9;
	s6 =	sadd.s32 @!p0 $0x88, s6;
	s7 =	simm.s32 @p2 $0x1082  }
0x22: {  	[simem:s7], [sflag:s8] =	dma.local @!p0 [hbm:s6], $0xF7A  }
0x23: {  	s9 =	sor.u32 $0xD0000000, s2;
	s6 =	simm.s32 $0x108;
	_ =	swait.ge @!p0 [sflag:s8], $0x0  }
0x24: {  	s3 =	sadd.s32 $0x88, s3;
	s6 =	simm.s32 @!p1 $0x1082;
	[sflag:s4] =	ssyncset.s32 $0xFFFFF086  }
0x25: {  	[simem:s6], [sflag:s4] =	dma.local [hbm:s3], $0xF7A  }
0x26: {  	[smem:$0x3F8F] =	sst s1;
	(tag) =	ssettag s2;
	_ =	strace s9  }
0x27: {  	s1 =	sld [smem:$0x3F9F]  }
0x28: {  	s2 =	sld [smem:$0x3FA0]  }
0x29: {  	s4 =	sld [smem:$0x3FA2]  }
0x2a: {  	p0 =	seq.s32 s5, $0x0;
	s5 =	sld [smem:$0x3FA3]  }
0x2b: {  	s6 =	sld [smem:$0x3FA4]  }
0x2c: {  	s7 =	sld [smem:$0x3FA5]  }
0x2d: {  	s3 =	simm.s32 $0x108;
	s8 =	sld [smem:$0x3FA6]  }
0x2e: {  	s3 =	simm.s32 @!p0 $0x1082;
	s9 =	sld [smem:$0x3FA7]  }
0x2f: {  	lr =	sadd.s32 s0, s3;
	s0 =	sld [smem:$0x3F9E]  }
0x30: {  	s3 =	sld [smem:$0x3FA1]  }
0x31: {  	[smem:$0x3FAA] =	sst s10  }
0x32: {  	s10 =	sld [smem:$0x3FA8];
	_ =	sdelay $0x3  }
0x33: {  	p0 =	seq.s32 s10, $0x1;
	s10 =	sld [smem:$0x3FAA];
	_ =	sdelay $0x3  }
0x34: {  	[smem:$0x3FAA] =	sst s10  }
0x35: {  	s10 =	sld [smem:$0x3FA9];
	_ =	sdelay $0x3  }
0x36: {  	p1 =	seq.s32 s10, $0x1;
	s10 =	sld [smem:$0x3FAA];
	_ =	sdelay $0x3  }
0x37: {  	[smem:$0x3FAA] =	sst s10  }
0x38: {  	s10 =	sld [smem:$0x3FAB]  }
0x39: {  	_ = 	snop;
	(pc) =	sbr.ind lr, $3  }
0x3a: {  	_ = 	snop  }
0x3b: {  	_ = 	snop  }
0x3c: {  	p2 =	seq.s32 s10, $0x1;
	s10 =	sld [smem:$0x3FAA]  }
0x3d: {  	_ =	shalt  }
0x3e: {  	_ =	shalt  }
0x3f: {  	_ =	shalt  }
0x40: {  	_ =	shalt  }
0x41: {  	_ =	shalt  }
0x42: {  	_ =	shalt  }
0x43: {  	_ =	shalt  }
0x44: {  	_ =	shalt  }
0x45: {  	_ =	shalt  }
0x46: {  	_ =	shalt  }
0x47: {  	_ =	shalt  }
0x48: {  	_ =	shalt  }
0x49: {  	_ =	shalt  }
0x4a: {  	_ =	shalt  }
0x4b: {  	_ =	shalt  }
0x4c: {  	_ =	shalt  }
0x4d: {  	_ =	shalt  }
0x4e: {  	_ =	shalt  }
0x4f: {  	_ =	shalt  }
0x50: {  	_ =	shalt  }
0x51: {  	_ =	shalt  }
0x52: {  	_ =	shalt  }
0x53: {  	_ =	shalt  }
0x54: {  	_ =	shalt  }
0x55: {  	_ =	shalt  }
0x56: {  	_ =	shalt  }
0x57: {  	_ =	shalt  }
0x58: {  	_ =	shalt  }
0x59: {  	_ =	shalt  }
0x5a: {  	_ =	shalt  }
0x5b: {  	_ =	shalt  }
0x5c: {  	_ =	shalt  }
0x5d: {  	_ =	shalt  }
0x5e: {  	_ =	shalt  }
0x5f: {  	_ =	shalt  }
0x60: {  	_ =	shalt  }
0x61: {  	_ =	shalt  }
0x62: {  	_ =	shalt  }
0x63: {  	_ =	shalt  }
0x64: {  	_ =	shalt  }
0x65: {  	_ =	shalt  }
0x66: {  	_ =	shalt  }
0x67: {  	_ =	shalt  }
0x68: {  	_ =	shalt  }
0x69: {  	_ =	shalt  }
0x6a: {  	_ =	shalt  }
0x6b: {  	_ =	shalt  }
0x6c: {  	_ =	shalt  }
0x6d: {  	_ =	shalt  }
0x6e: {  	_ =	shalt  }
0x6f: {  	_ =	shalt  }
0x70: {  	_ =	shalt  }
0x71: {  	_ =	shalt  }
0x72: {  	_ =	shalt  }
0x73: {  	_ =	shalt  }
0x74: {  	_ =	shalt  }
0x75: {  	_ =	shalt  }
0x76: {  	_ =	shalt  }
0x77: {  	_ =	shalt  }
0x78: {  	_ =	shalt  }
0x79: {  	_ =	shalt  }
0x7a: {  	_ =	shalt  }
0x7b: {  	_ =	shalt  }
0x7c: {  	_ =	shalt  }
0x7d: {  	_ =	shalt  }
0x7e: {  	_ =	shalt  }
0x7f: {  	_ =	shalt  }
0x80: {  	_ =	shalt  }
0x81: {  	_ =	shalt  }
0x82: {  	_ =	shalt  }
0x83: {  	_ =	shalt  }
0x84: {  	_ =	shalt  }
0x85: {  	_ =	shalt  }
0x86: {  	_ =	shalt  }
0x87: {  	_ =	shalt  }
.Lfunc_end0:
.L_simem_size_0:
called_computation_lowered:
.L_overlay_start_0:
0x88: {  	s2 =	sld [smem:$0x3FD9]  }
0x89: {  	s3 =	sld [smem:$0x3FFE];
	_ =	sdelay $0x1  }
0x8a: {  	s1 =	srdreg.scid  }
0x8b: {  	s0 =	sand.u32 $0x1, s1  }
0x8c: {  	s17 =	sshll.u32 s0, $0xA;
	s2 =	sadd.s32 s3, s2  }
0x8d: {  	s2 =	sadd.s32 s2, s17  }
0x8e: {  	[smem:$0x3FB6] =	sst s2  }
0x8f: {  	_ = 	snop  }
0x90: {  	s2 =	sld [smem:$0x3FD0];
	(tm) =	ssettm $0x1  }
0x91: {  	s18 =	sld [smem:$0x3FFB];
	_ =	sdelay $0x3  }
0x92: {  	_ =	strace s18  }
0x93: {  	s3 =	sld [smem:$0x3FFC];
	_ =	sdelay $0x3  }
0x94: {  	_ =	strace s3  }
0x95: {  	s3 =	sld [smem:$0x3FFD];
	_ =	sdelay $0x3  }
0x96: {  	_ =	strace s3  }
0x97: {  	_ =	strace $0x8FFFFFFF  }
0x98: {  	s19 =	sld [smem:$0x3FDB];
	_ =	sdelay $0x1  }
0x99: {  	s4 =	simm.s32 $_scs_section_size  }
0x9a: {  	s5 =	simm.s32 $_size__tile_overlayer_lowered;
	s6 =	simm.s32 $_tile_overlayer_lowered  }
0x9b: {  	s22 =	simm.s32 $0x1BFF;
	s21 =	sshll.u32 s6, $0x1;
	s3 =	sadd.s32 s4, s19  }
0x9c: {  	s7 =	simm.s32 $0x0;
	s20 =	sshll.u32 s5, $0x1;
	s5 =	sadd.s32 s21, s3  }
0x9d: {  	[timem:s7], [sflag:s22] =	dma.local [hbm:s5], s20  }
0x9e: {  	_ =	swait.ge [sflag:s22], s20  }
0x9f: {  	s4 =	ssub.s32 $0x0, s20;
	[sflag:s22] =	ssyncset.done $0x0  }
0xa0: {  	[sflag:s22] =	ssyncadd.s32 s4;
	_ =	sdelay $0x1  }
0xa1: {  	s23 =	simm.s32 $0x1B8B  }
0xa2: {  	_ =	swait.ge [sflag:s23], $0x1  }
0xa3: {  	[sflag:s23] =	ssyncset.done $0x0  }
0xa4: {  	s25 =	simm.s32 $0x1B8E;
	s24 =	sld [smem:$0x3FFE];
	[sflag:s23] =	ssyncadd.s32 $0xFFFFFFFF  }
0xa5: {  	s26 =	simm.s32 $execute0_lowered;
	[smem:$0x3FD2] =	sst s25  }
0xa6: {  	s5 =	sshll.u32 s26, $0x1;
	_ =	strace $0x80000046;
	[dreg:$0x1] =	wrdreg $0xFFFFFFFF  }
0xa7: {  	s28 =	simm.s32 $_size_execute0_lowered;
	s3 =	sadd.s32 s3, s5;
	[dreg:$0x0] =	wrdreg $0x0  }
0xa8: {  	s5 =	sshll.u32 s28, $0x1;
	[dreg:$0x2] =	wrdreg s3  }
0xa9: {  	[dreg:$0x3] =	wrdreg s5  }
0xaa: {  	[dreg:$0x4] =	wrdreg $0xC0  }
0xab: {  	_ =	task [dreg:s7], $0x5FFFF  }
0xac: {  	[dreg:$0x1] =	wrdreg $0xFFFFFFFF  }
0xad: {  	[dreg:$0x0] =	wrdreg $0x60  }
0xae: {  	[dreg:$0x2] =	wrdreg s24  }
0xaf: {  	[dreg:$0x3] =	wrdreg s2  }
0xb0: {  	[dreg:$0x4] =	wrdreg $0xB8C00  }
0xb1: {  	[dreg:$0x5] =	wrdreg $0x158C00  }
0xb2: {  	[dreg:$0x6] =	wrdreg $0x9  }
0xb3: {  	_ =	task.clear_ibuf [dreg:s7], $0x7FFFF;
	_ =	strace $0x90000046  }
0xb4: {  	s29 =	simm.s32 $0x9;
	_ =	strace $0x80000048  }
0xb5: {  	_ =	swait.ge [sflag:s29], $0x1  }
0xb6: {  	[sflag:s29] =	ssyncadd.s32 $0xFFFFFFFF  }
0xb7: {  	_ =	strace $0x90000048  }
0xb8: {  	_ =	sfence  }
0xb9: {  	s30 =	sld [smem:$0x0];
	_ =	sdelay $0x2  }
0xba: {  	s31 =	sshll.u32 s1, $0xD;
	s1 =	sshrl.u32 s1, $0x2  }
0xbb: {  	s3 =	sand.u32 $0x4000, s31;
	s1 =	sadd.s32 s1, s30  }
0xbc: {  	s0 =	sor.u32 s3, s0;
	s1 =	sshll.u32 s1, $0x11  }
0xbd: {  	s0 =	sor.u32 s1, s0  }
0xbe: {  	s0 =	sadd.s32 $0x8F2B, s0  }
0xbf: {  	[sflag:s0] =	ssyncadd.remote.s32 $0x1  }
0xc0: {  	_ =	sfence.sel $0xFFFF  }
0xc1: {  	[dreg:$0x0] =	wrdreg $0xFFFFFFFF;
	(pc) =	sbr.abs _section_cstart, $3  }
0xc2: {  	[dreg:$0x1] =	wrdreg $0xFFFFFFFF  }
0xc3: {  	_ =	task.clear_ibuf [dreg:s7], $0x2FFFF;
	_ =	strace $0x9FFFFFFF  }
0xc4: {  	(tm) =	ssettm $0x7FFFFFFF  }
0xc5: {  	_ =	shalt  }
tec
execute0_lowered:
.L_overlay_start_1:
0x0: {  	(tag) =	ssettag $0x1  }
0x1: {  	s0 =	rddreg [dreg:$0x0]  }
0x2: {  	s2 =	rddreg [dreg:$0x2]  }
0x3: {  	s3 =	rddreg [dreg:$0x3]  }
0x4: {  	s5 =	simm.s32 $0x0;
	s18 =	stileid.u32;
	s4 =	srdreg.scid  }
0x5: {  	s23 =	simm.s32 $0x5010;
	s28 =	simm.s32 $0x1;
	s29 =	simm.s32 $0x5330  }
0x6: {  	s30 =	simm.s32 $0x0;
	[smem:$0x7FF] =	sst s5;
	s1 =	smul.u32 $0xA000, s18  }
0x7: {  	s6 =	sadd.s32 $0x20200, s0;
	s7 =	sadd.s32 $0x16400, s0;
	s12 =	smul.u32 $0x280, s18  }
0x8: {  	s4 =	sand.u32 $0x1, s4;
	s8 =	sadd.s32 $0x15E00, s0;
	s9 =	sadd.s32 $0x15800, s0  }
0x9: {  	s10 =	sadd.s32 $0x1800, s0;
	s31 =	sshll.u32 s18, $0x6;
	s11 =	smul.u32 $0xA0000, s4  }
0xa: {  	_ =	strace $0x80000047;
	s14 =	smul.u32 $0x2800, s4;
	s25 =	ssub.s32 $0x2, s4  }
0xb: {  	s4 =	sshll.u32 s4, $0x4;
	s20 =	sor.u32 $0x1C02, s31;
	s13 =	sshrl.u32 s1, $0x3  }
0xc: {  	s15 =	sshrl.u32 s12, $0x3;
	s26 =	sshrl.u32 s25, $0x1;
	s4 =	sor.u32 s18, s4  }
0xd: {  	s22 =	sadd.s32 s12, s3;
	s18 =	simm.s32 $0x2800;
	s13 =	sadd.s32 s13, s0  }
0xe: {  	s11 =	sadd.s32 s1, s11;
	s15 =	sadd.s32 s15, s0;
	s14 =	sadd.s32 s12, s14  }
0xf: {  	s17 =	ssub.s32 s25, s26;
	s1 =	sadd.s32 s1, s2;
	s22 =	sshrl.u32 s22, $0x3  }
0x10: {  	s25 =	simm.s32 $0x190;
	s26 =	simm.s32 $0x54C0;
	s11 =	sshrl.u32 s11, $0x3  }
0x11: {  	s24 =	sshrl.u32 s14, $0x3;
	s12 =	sadd.s32 $0x3E000, s15;
	s21 =	sshrl.u32 s1, $0x3  }
0x12: {  	s16 =	sadd.s32 s11, s0;
	s0 =	sadd.s32 s24, s0;
	s11 =	sadd.s32 $0x2A000, s13  }
0x13: {  	s13 =	smul.u32 $0x2710, s4;
	s24 =	simm.s32 $0x51A0;
	s14 =	sadd.s32 $0x3E600, s16  }
0x14: {  	s15 =	sadd.s32 $0x66600, s0;
	s16 =	smax.u32 s17, $0x1;
	s17 =	simm.s32 $0x2  }
.LBB2_1:
0x15: {  	[tilespmem:s5], [sflag:$0x2] =	stream.linear.gather [hbm4b:s8+s5], $0x2800, $0x38;
	[tilespmem:$0x15B40] =	vst v63  }
0x16: {  	_ =	swait.ge [sflag:s17], $0x2800  }
0x17: {  	[sflag:s17] =	ssyncset.done $0x0  }
0x18: {  	[sflag:s17] =	ssyncadd.s32 $0xFFFFD800  }
0x19: {  	[tilespmem:s18], [sflag:$0x2] =	stream.linear.gather [hbm4b:s9+s5], $0x2800, $0x38;
	[tilespmem:$0x15B40] =	vst v63  }
0x1a: {  	_ =	swait.ge [sflag:s17], $0x2800  }
0x1b: {  	[sflag:s17] =	ssyncset.done $0x0  }
0x1c: {  	[sflag:s17] =	ssyncadd.s32 $0xFFFFD800  }
0x1d: {  	s1 =	simm.s32 $0x5000;
	s0 =	rddreg [dreg:$0x1]  }
0x1e: {  	[tilespmem:s1], [sflag:$0x2] =	stream.linear.gather [hbm4b:s0+s5], $0x10, $0x38;
	[tilespmem:$0x15B40] =	vst v63  }
0x1f: {  	_ =	swait.ge [sflag:s17], $0x10  }
0x20: {  	[sflag:s17] =	ssyncset.done $0x0  }
0x21: {  	[sflag:s17] =	ssyncadd.s32 $0xFFFFFFF0  }
0x22: {  	[spmem:s21], [sflag:s20] =	dma.local [hbm:s11], $0x1400  }
0x23: {  	_ =	swait.ge [sflag:s17], $0x1400  }
0x24: {  	[sflag:s17] =	ssyncset.done $0x0  }
0x25: {  	[sflag:s17] =	ssyncadd.s32 $0xFFFFEC00  }
0x26: {  	[spmem:s22], [sflag:s20] =	dma.local [hbm:s12], $0x50  }
0x27: {  	_ =	swait.ge [sflag:s17], $0x50  }
0x28: {  	[sflag:s17] =	ssyncset.done $0x0  }
0x29: {  	[sflag:s17] =	ssyncadd.s32 $0xFFFFFFB0  }
0x2a: {  	[bflag:$0x0] =	sbarrier.arrive $0xFFFF  }
0x2b: {  	s31 =	simm.s32 $0x0;
	v0 =	vld [tilespmem:$0x5000]  }
.LBB2_2:
0x2c: {  	s0 =	smul.u32 $0x190, s31;
	_ =	sdelay $0x1  }
0x2d: {  	s0 =	sadd.s32 s13, s0  }
0x2e: {  	s0 =	sshrl.u32 s0, $0x3  }
0x2f: {  	s4 =	simm.s32 $0x0;
	s1 =	sadd.s32 s6, s0  }
0x30: {  	[tilespmem:s23], [sflag:$0x2] =	stream.linear.gather [hbm4b:s1+s4], $0x190, $0x38;
	[tilespmem:$0x15B40] =	vst v63  }
0x31: {  	_ =	swait.ge [sflag:s17], $0x190  }
0x32: {  	[sflag:s17] =	ssyncset.done $0x0  }
0x33: {  	s0 =	sadd.s32 s7, s0;
	[sflag:s17] =	ssyncadd.s32 $0xFFFFFE70  }
0x34: {  	[tilespmem:s24], [sflag:$0x2] =	stream.linear.gather [hbm4b:s0+s4], $0x190, $0x38;
	[tilespmem:$0x15B40] =	vst v63  }
0x35: {  	_ =	swait.ge [sflag:s17], $0x190  }
0x36: {  	[sflag:s17] =	ssyncset.done $0x0  }
0x37: {  	s0 =	simm.s32 $0x0;
	[sflag:s17] =	ssyncadd.s32 $0xFFFFFE70  }
0x38: {  	[tilespmem:s26], [sflag:$0x1] =	stream.indirect.gather [hbm4b:s10+s25], $0x40, s23, s25, $0xb8;
	[tilespmem:$0x15B40] =	vst v63  }
0x39: {  	v1 =	vld [tilespmem:s0+$0x51A0]  }
0x3a: {  	v2 =	vld [tilespmem:s0+$0x5010];
	_ =	sdelay $0x6  }
0x3b: {  	v1 =	vld.idx.msk [tilespmem:v1+s18+$0x0], $0xffff  }
0x3c: {  	v2 =	vld.idx.msk [tilespmem:v2+s5+$0x0], $0xffff;
	_ =	sdelay $0x4  }
0x3d: {  	v1 =	vadd.f32 v1, v2;
	_ =	sdelay $0x1  }
0x3e: {  	v2 =	vmul.f32 $2.000000030e-01, v1;
	_ =	sdelay $0x1  }
0x3f: {  	v1 =	vmax.f32 v1, v2  }
0x40: {  	v1 =	vsub.f32 v1, v0;
	_ =	sdelay $0x1  }
0x41: {  	v1 =	vmul.f32 $1.442695020e+00, v1;
	_ =	sdelay $0x1  }
0x42: {  	(erf) = vpow2.f32 v1;
	_ =	sdelay $0x1  }
0x43: {  	s1 =	simm.s32 $0x10  }
0x44: {  	s4 =	simm.s32 $0x80;
	v1 =	vld [tilespmem:s1+$0x51A0]  }
.LBB2_3:
0x45: {  	p0 =	sne.s32 s4, $0x600;
	v2 =	vld [tilespmem:s1+$0x5010];
	_ =	sdelay $0x4  }
0x46: {  	v3 =	vpop (erf)  }
0x47: {  	[tilespmem:s0+$0x5330] =	vst v3;
	s0 =	smov.u32 s1  }
0x48: {  	v1 =	vld.idx.msk [tilespmem:v1+s18+$0x0], $0xffff  }
0x49: {  	v2 =	vld.idx.msk [tilespmem:v2+s5+$0x0], $0xffff;
	_ =	sdelay $0x5  }
0x4a: {  	v1 =	vadd.f32 v1, v2;
	_ =	sdelay $0x1  }
0x4b: {  	v2 =	vmul.f32 $2.000000030e-01, v1;
	_ =	sdelay $0x1  }
0x4c: {  	v1 =	vmax.f32 v1, v2  }
0x4d: {  	v1 =	vsub.f32 v1, v0;
	_ =	sdelay $0x1  }
0x4e: {  	v1 =	vmul.f32 $1.442695020e+00, v1  }
.Ltmp0:
0x4f: {  	(pc) =	sbr.rel @p0 .LBB2_3-.Ltmp0, $3  }
0x50: {  	(erf) = vpow2.f32 v1;
	_ =	sdelay $0x1  }
0x51: {  	s1 =	sshra.s32 s4, $0x2  }
0x52: {  	s4 =	sadd.s32 $0x40, s4;
	v1 =	vld [tilespmem:s1+$0x51A0]  }
0x53: {  	_ = 	snop  }
0x54: {  	v2 =	vld [tilespmem:s1+$0x5010];
	_ =	sdelay $0x4  }
0x55: {  	v3 =	vpop (erf)  }
0x56: {  	[tilespmem:s0+$0x5330] =	vst v3  }
0x57: {  	v1 =	vld.idx.msk [tilespmem:v1+s18+$0x0], $0xffff  }
0x58: {  	v2 =	vld.idx.msk [tilespmem:v2+s5+$0x0], $0xffff;
	_ =	sdelay $0x4  }
0x59: {  	v1 =	vadd.f32 v1, v2;
	_ =	sdelay $0x1  }
0x5a: {  	v2 =	vmul.f32 $2.000000030e-01, v1;
	_ =	sdelay $0x1  }
0x5b: {  	v1 =	vmax.f32 v1, v2  }
0x5c: {  	v1 =	vsub.f32 v1, v0;
	_ =	sdelay $0x1  }
0x5d: {  	v1 =	vmul.f32 $1.442695020e+00, v1;
	_ =	sdelay $0x1  }
0x5e: {  	(erf) = vpow2.f32 v1;
	_ =	sdelay $0x8  }
0x5f: {  	v1 =	vpop (erf)  }
0x60: {  	s4 =	simm.s32 $0x0;
	[tilespmem:s1+$0x5330] =	vst v1  }
0x61: {  	v1 =	vmov s4;
	_ =	swait.ge [sflag:s28], $0x6400  }
0x62: {  	[sflag:s28] =	ssyncset.done $0x0  }
0x63: {  	s0 =	simm.s32 $0x54E0;
	[sflag:s28] =	ssyncadd.s32 $0xFFFF9C00  }
0x64: {  	v3 =	vld [tilespmem:s0+$0xFFFFFFF0]  }
0x65: {  	v4 =	vld [tilespmem:s0+$0x10]  }
0x66: {  	v6 =	vld.idx.msk [tilespmem:v1+s29+$0x0], $0xffff  }
0x67: {  	v1 =	vld [tilespmem:s0+$0xFFFFFFE0]  }
0x68: {  	v7 =	vld [tilespmem:s0+$0x0];
	_ =	sdelay $0x3  }
0x69: {  	s19 =	simm.s32 $0x1;
	v2 =	vmul.f32 v1, v6;
	v5 =	vmul.f32 v4, v6  }
0x6a: {  	s4 =	simm.s32 $0x2;
	s1 =	simm.s32 $0x54E0;
	v1 =	vmov s19;
	v4 =	vmul.f32 v3, v6;
	v3 =	vmul.f32 v7, v6  }
.LBB2_5:
0x6b: {  	p0 =	sne.s32 s4, $0x18F  }
0x6c: {  	[tilespmem:s0+$0x10] =	vst v5;
	s1 =	sadd.s32 $0x40, s1;
	s19 =	smov.u32 s4;
	s4 =	sadd.s32 $0x1, s4  }
0x6d: {  	[tilespmem:s0+$0xFFFFFFE0] =	vst v2  }
0x6e: {  	v6 =	vld [tilespmem:s1+$0xFFFFFFF0];
	[tilespmem:s0+$0xFFFFFFF0] =	vst v4  }
0x6f: {  	v4 =	vld [tilespmem:s1+$0x10];
	[tilespmem:s0+$0x0] =	vst v3;
	s0 =	smov.u32 s1  }
0x70: {  	v3 =	vld.idx.msk [tilespmem:v1+s29+$0x0], $0xffff  }
0x71: {  	v1 =	vld [tilespmem:s1+$0xFFFFFFE0]  }
0x72: {  	v7 =	vld [tilespmem:s1+$0x0]  }
.Ltmp1:
0x73: {  	(pc) =	sbr.rel @p0 .LBB2_5-.Ltmp1, $3  }
0x74: {  	_ =	sdelay $0x1  }
0x75: {  	v5 =	vmul.f32 v4, v3;
	v2 =	vmul.f32 v1, v3  }
0x76: {  	v4 =	vmul.f32 v6, v3;
	v1 =	vmov s19;
	v3 =	vmul.f32 v7, v3  }
0x77: {  	[tilespmem:s0+$0x10] =	vst v5  }
0x78: {  	s1 =	sadd.s32 $0x40, s1;
	[tilespmem:s0+$0xFFFFFFE0] =	vst v2  }
0x79: {  	v2 =	vld [tilespmem:s1+$0xFFFFFFF0];
	[tilespmem:s0+$0xFFFFFFF0] =	vst v4  }
0x7a: {  	v4 =	vld [tilespmem:s1+$0x10];
	[tilespmem:s0+$0x0] =	vst v3  }
0x7b: {  	v1 =	vld.idx.msk [tilespmem:v1+s29+$0x0], $0xffff  }
0x7c: {  	v3 =	vld [tilespmem:s1+$0xFFFFFFE0];
	_ =	sdelay $0x1  }
0x7d: {  	v5 =	vld [tilespmem:s1+$0x0];
	_ =	sdelay $0x1  }
0x7e: {  	v4 =	vmul.f32 v4, v1  }
0x7f: {  	v3 =	vmul.f32 v3, v1  }
0x80: {  	v2 =	vmul.f32 v2, v1;
	[tilespmem:s1+$0x10] =	vst v4  }
0x81: {  	v1 =	vmul.f32 v5, v1;
	[tilespmem:s1+$0xFFFFFFE0] =	vst v3  }
0x82: {  	[tilespmem:s1+$0xFFFFFFF0] =	vst v2  }
0x83: {  	[tilespmem:s1+$0x0] =	vst v1  }
0x84: {  	[spmem:s2] =	stream.indirect.scatter.add.f32 [tilespmem:s26], [sflag:$0x2], $0x40, s24, s25, $0xb8;
	[tilespmem:$0x15B40] =	vst v63  }
0x85: {  	s31 =	sadd.s32 $0x1, s31;
	_ =	swait.ge [sflag:s17], $0x6400  }
0x86: {  	p0 =	sne.s32 s31, $0x19;
	[sflag:s17] =	ssyncset.done $0x0  }
.Ltmp2:
0x87: {  	[sflag:s17] =	ssyncadd.s32 $0xFFFF9C00;
	(pc) =	sbr.rel @p0 .LBB2_2-.Ltmp2, $4  }
0x88: {  	[spmem:s3] =	stream.indirect.scatter.add.f32 [tilespmem:s29], [sflag:$0x2], $0x1, s24, s25, $0xb8;
	[tilespmem:$0x15B40] =	vst v63  }
0x89: {  	_ =	swait.ge [sflag:s17], $0x190  }
0x8a: {  	[sflag:s17] =	ssyncset.done $0x0  }
0x8b: {  	[sflag:s17] =	ssyncadd.s32 $0xFFFFFE70  }
0x8c: {  	[bflag:$0x0] =	sbarrier.arrive $0xFFFF  }
0x8d: {  	[hbm:s14], [sflag:s20] =	dma.local [spmem:s21], $0x1400  }
0x8e: {  	s30 =	sadd.s32 $0x1, s30;
	_ =	swait.ge [sflag:s17], $0x1400  }
0x8f: {  	p0 =	sne.s32 s30, s16;
	[sflag:s17] =	ssyncset.done $0x0  }
.Ltmp3:
0x90: {  	[sflag:s17] =	ssyncadd.s32 $0xFFFFEC00;
	(pc) =	sbr.rel @p0 .LBB2_1-.Ltmp3, $4  }
0x91: {  	[hbm:s15], [sflag:s20] =	dma.local [spmem:s22], $0x50  }
0x92: {  	_ =	swait.ge [sflag:s17], $0x50  }
0x93: {  	[sflag:s17] =	ssyncset.done $0x0  }
0x94: {  	[sflag:s17] =	ssyncadd.s32 $0xFFFFFFB0  }
0x95: {  	_ =	sfence.sel $0x180000  }
0x96: {  	[bflag:$0x0] =	sbarrier.arrive $0xFFFF  }
0x97: {  	_ =	strace $0x90000047  }
0x98: {  	s0 =	stileid.u32;
	[bflag:$0x2] =	sbarrier.arrive $0xFFFF  }
0x99: {  	p0 =	sne.s32 s0, $0x0;
	s0 =	rddreg [dreg:$0x4]  }
0x9a: {  	s0 =	sadd.s32 @!p0 $0x100000, s0  }
0x9b: {  	[sflag:s0] =	ssyncadd.tile.s32 @!p0 $0x1;
	_ =	shalt  }
.Lfunc_end2:
_tile_overlayer_lowered:
.L_overlay_start_2:
0x9c: {  	(tag) =	ssettag $0x2  }
0x9d: {  	s0 =	rddreg [dreg:$0x0];
	s2 =	stileid.u32  }
0x9e: {  	s1 =	rddreg [dreg:$0x1];
	p0 =	sne.s32 s2, $0x0  }
0x9f: {  	s3 =	rddreg [dreg:$0x2];
	[bflag:$0x3] =	sbarrier.arrive $0xFFFF;
	s2 =	simm.s32 @!p0 $0x1C02  }
0xa0: {  	[timem:s3], [sflag:s2] =	dma.local @!p0 [hbm:s0], s1  }
0xa1: {  	s0 =	simm.s32 @!p0 $0x2  }
0xa2: {  	_ =	swait.ge @!p0 [sflag:s0], s1  }
0xa3: {  	s1 =	ssub.s32 @!p0 $0x0, s1;
	[sflag:s0] =	ssyncset.done @!p0 $0x0  }
0xa4: {  	[sflag:s0] =	ssyncadd.s32 @!p0 s1  }
0xa5: {  	[bflag:$0x3] =	sbarrier.arrive $0xFFFF  }
0xa6: {  	_ =	shalt  }

</sc_bundles>
